<compile_context>
chip_gen: v7x
topology: tpu7x:2x2x1
jax: 0.10.2.dev20260603
libtpu: 0.0.44.dev20260713+nightly
codegen_flags: <defaults>
</compile_context>

<pallas_src>
import functools

import jax
import jax.numpy as jnp
from jax import lax
from jax.experimental import pallas as pl
from jax.experimental.pallas import tpu as pltpu
from jax.experimental.pallas import tpu_sc as plsc

_D = 64
_W = _D // 2
_GATHER = 128
_NBUF = 4
_OBUF = 2
_L = 16
_TCBLK = 1600


@functools.lru_cache(maxsize=None)
def _build_sc(batch, n_rows):
    info = plsc.get_sparse_core_info()
    nc, ns = info.num_cores, info.num_subcores
    nw = nc * ns
    assert batch % (nw * _GATHER) == 0
    b_per_w = batch // nw
    n_blocks = b_per_w // _GATHER

    mesh = plsc.VectorSubcoreMesh(core_axis_name="c", subcore_axis_name="s")
    scratch = (
        [pltpu.VMEM((b_per_w,), jnp.int32)]
        + [pltpu.VMEM((_NBUF, _GATHER, _W), jnp.int32)]
        + [pltpu.VMEM((_OBUF, _GATHER // 2, _D), jnp.int32)]
        + [pltpu.SemaphoreType.DMA] * (_NBUF + _OBUF)
    )

    @functools.partial(
        pl.kernel,
        mesh=mesh,
        out_type=jax.ShapeDtypeStruct((batch // 2, _D), jnp.int32),
        scratch_types=scratch,
        compiler_params=pltpu.CompilerParams(
            use_tc_tiling_on_sc=False, needs_layout_passes=False),
    )
    def emb(idx_hbm, table32, z_hbm, idx_v, rows_v, obuf_v, *sems):
        gsem = sems[:_NBUF]
        wsem = sems[_NBUF:]

        wid = lax.axis_index("s") * nc + lax.axis_index("c")
        base = wid * b_per_w
        pltpu.sync_copy(idx_hbm.at[pl.ds(base, b_per_w)], idx_v)

        def fire_gather(g, b):
            pltpu.async_copy(
                table32.at[idx_v.at[pl.ds(pl.multiple_of(g * _GATHER, _GATHER), _GATHER)]],
                rows_v.at[b], gsem[b])

        def wait_gather(g, b):
            pltpu.make_async_copy(
                table32.at[idx_v.at[pl.ds(pl.multiple_of(g * _GATHER, _GATHER), _GATHER)]],
                rows_v.at[b], gsem[b]).wait()

        def fire_write(g, o):
            pltpu.async_copy(
                obuf_v.at[o],
                z_hbm.at[pl.ds(pl.multiple_of((base + g * _GATHER) // 2, _GATHER // 2), _GATHER // 2)],
                wsem[o])

        def wait_write(g, o):
            pltpu.make_async_copy(
                obuf_v.at[o],
                z_hbm.at[pl.ds(pl.multiple_of((base + g * _GATHER) // 2, _GATHER // 2), _GATHER // 2)],
                wsem[o]).wait()

        for b in range(_NBUF):
            fire_gather(b, b)

        iota = lax.iota(jnp.int32, _L)

        def block(g, b, o, first):
            wait_gather(g, b)
            if not first:
                wait_write(g - _OBUF, o)

            def pair(m, carry):
                row = 2 * m
                for t in range(_W // _L):
                    sl = pl.ds(t * _L, _L)
                    ge = rows_v[b, row, sl]
                    go = rows_v[b, row + 1, sl]
                    w_even = (ge & 0xFFFF) | (go << 16)
                    w_odd = ((ge >> 16) & 0xFFFF) | (go & jnp.int32(-65536))
                    cols = 2 * iota + (2 * _L * t)
                    mrow = jnp.full((_L,), m, jnp.int32)
                    plsc.store_scatter(obuf_v.at[o], [mrow, cols], w_even)
                    plsc.store_scatter(obuf_v.at[o], [mrow, cols + 1], w_odd)
                return carry

            lax.fori_loop(0, _GATHER // 2, pair, 0, unroll=2)
            fire_write(g, o)

            if isinstance(g, int):
                if g + _NBUF < n_blocks:
                    fire_gather(g + _NBUF, b)
            else:
                @pl.when(g + _NBUF < n_blocks)
                def _():
                    fire_gather(g + _NBUF, b)

        def group(gi, carry):
            for j in range(_NBUF):
                block(gi * _NBUF + j, j, j % _OBUF, False)
            return carry

        for j in range(_NBUF):
            block(j, j, j % _OBUF, j < _OBUF)
        lax.fori_loop(1, n_blocks // _NBUF, group, 0)
        for g in range(n_blocks - _OBUF, n_blocks):
            wait_write(g, g % _OBUF)

    return emb


def _unpack_body(hist, z_ref, o_ref):
    v = pltpu.bitcast(z_ref[...], jnp.bfloat16)
    for k in range(2 * _TCBLK // hist):
        o_ref[k] = v[k * hist:(k + 1) * hist]


@functools.lru_cache(maxsize=None)
def _build_tc(bsz, hist):
    slabs = 2 * _TCBLK // hist
    assert 2 * _TCBLK % hist == 0 and bsz % slabs == 0
    grid = bsz // slabs
    return pl.pallas_call(
        functools.partial(_unpack_body, hist),
        grid=(grid,),
        in_specs=[pl.BlockSpec((_TCBLK, _D), lambda i: (i, 0))],
        out_specs=pl.BlockSpec((slabs, hist, _D), lambda i: (i, 0, 0)),
        out_shape=jax.ShapeDtypeStruct((bsz, hist, _D), jnp.bfloat16),
        compiler_params=pltpu.CompilerParams(
            dimension_semantics=("arbitrary",)),
    )


def kernel(input_ids, weight):
    bsz, hist = input_ids.shape
    flat = input_ids.reshape(-1)
    n_rows, d = weight.shape
    w32 = jax.lax.bitcast_convert_type(
        weight.reshape(n_rows, d // 2, 2), jnp.int32)
    z = _build_sc(flat.shape[0], n_rows)(flat, w32)
    return _build_tc(bsz, hist)(z)

# --- scband reference (transcript-rebuilt; emitter-appended) ---
"""Pipeline reference for scband-llama-embedding-43173011259728 (READ-ONLY COPY).

The authoritative reference and input builder live on the scoring server;
editing this copy changes nothing except your own understanding.
"""

import jax, jax.numpy as jnp
import numpy as np

NUM_EMBEDDINGS = 1000000
EMBEDDING_DIM = 64
BATCH = 4096
HIST = 200

def setup_inputs(seed: int = 0) -> dict:
    key = jax.random.key(seed)
    k_idx, k_w = jax.random.split(key)
    input_ids = jax.random.randint(k_idx, (BATCH, HIST), 0, NUM_EMBEDDINGS, dtype=jnp.int64 if jax.config.jax_enable_x64 else jnp.int32)
    weight = (jax.random.normal(k_w, (NUM_EMBEDDINGS, EMBEDDING_DIM), dtype=jnp.bfloat16) * 0.02).astype(jnp.bfloat16)
    return {"input_ids": input_ids, "weight": weight}

def reference(input_ids, weight):
    # Storage dtype bf16; compute dtype bf16 -> no cast needed, but keep faithful logic.
    compute_dtype = jnp.bfloat16
    out = jnp.take(weight, input_ids, axis=0)
    if out.dtype != compute_dtype:
        out = out.astype(compute_dtype)
    return out

if __name__ == "__main__":
    import jax
    _d = setup_inputs()
    print(jax.jit(kernel)(*tuple(_d.values())))

</pallas_src>

<mosaic_0001>
#map = affine_map<(d0, d1) -> (0)>
#map1 = affine_map<(d0, d1) -> (0, 0)>
module attributes {stable_mosaic.version = 14 : i64} {
  func.func @emb(%arg0: i32, %arg1: i32, %arg2: memref<819200xi32, #tpu.memory_space<hbm>>, %arg3: memref<1000000x32xi32, #tpu.memory_space<hbm>>, %arg4: memref<409600x64xi32, #tpu.memory_space<hbm>>, %arg5: memref<25600xi32, #tpu.memory_space<vmem>>, %arg6: memref<4x128x32xi32, #tpu.memory_space<vmem>>, %arg7: memref<2x64x64xi32, #tpu.memory_space<vmem>>, %arg8: memref<!tpu.dma_semaphore, #tpu.memory_space<semaphore_mem>>, %arg9: memref<!tpu.dma_semaphore, #tpu.memory_space<semaphore_mem>>, %arg10: memref<!tpu.dma_semaphore, #tpu.memory_space<semaphore_mem>>, %arg11: memref<!tpu.dma_semaphore, #tpu.memory_space<semaphore_mem>>, %arg12: memref<!tpu.dma_semaphore, #tpu.memory_space<semaphore_mem>>, %arg13: memref<!tpu.dma_semaphore, #tpu.memory_space<semaphore_mem>>) attributes {dimension_semantics = [#tpu.dimension_semantics<core_parallel>, #tpu.dimension_semantics<subcore_parallel>], iteration_bounds = array<i64: 2, 16>, scalar_prefetch = 0 : i64, scratch_operands = 9 : i64, tpu.core_type = #tpu.core_type<sc_vector_subcore>, window_params = [{transform_indices = #map}, {transform_indices = #map1}, {transform_indices = #map1}]} {
    %mul3A = arith.constant 2 : i32
    %mul3A_0 = arith.muli %arg1, %mul3A : i32
    %add3A = arith.addi %mul3A_0, %arg0 : i32
    %mul3A_1 = arith.constant 25600 : i32
    %mul3A_2 = arith.muli %add3A, %mul3A_1 : i32
    "tpu.region"() ({
      %run_scoped3A = tpu.sem_alloc : memref<!tpu.dma_semaphore, #tpu.memory_space<semaphore_mem>>
      %dma_start3A_473 = tpu.memref_slice %arg2[%mul3A_2] : memref<819200xi32, #tpu.memory_space<hbm>> -> memref<25600xi32, #tpu.memory_space<hbm>>
      %dma_start3A_474 = tpu.memref_slice %arg2[%mul3A_2] : memref<819200xi32, #tpu.memory_space<hbm>> -> memref<25600xi32, #tpu.memory_space<hbm>>
      tpu.enqueue_dma source(%dma_start3A_474 : memref<25600xi32, #tpu.memory_space<hbm>>) target(%arg5 : memref<25600xi32, #tpu.memory_space<vmem>>) target_semaphore(%run_scoped3A : memref<!tpu.dma_semaphore, #tpu.memory_space<semaphore_mem>>)
      %dma_wait3A_475 = tpu.memref_slice %arg2[%mul3A_2] : memref<819200xi32, #tpu.memory_space<hbm>> -> memref<25600xi32, #tpu.memory_space<hbm>>
      %dma_wait3A_476 = tpu.memref_slice %arg2[%mul3A_2] : memref<819200xi32, #tpu.memory_space<hbm>> -> memref<25600xi32, #tpu.memory_space<hbm>>
      tpu.wait_dma2 semaphore(%run_scoped3A : memref<!tpu.dma_semaphore, #tpu.memory_space<semaphore_mem>>) src(%dma_wait3A_476 : memref<25600xi32, #tpu.memory_space<hbm>>) dst(%arg5 : memref<25600xi32, #tpu.memory_space<vmem>>)
      tpu.yield
    }) : () -> ()
    %multiple_of3A = arith.constant 0 : i32
    %multiple_of3A_3 = tpu.assume_multiple %multiple_of3A, 128 : i32
    %dma_start3A = arith.constant 0 : i32
    %dma_start3A_4 = arith.constant 0 : i32
    %dma_start3A_5 = arith.constant 0 : i32
    %dma_start3A_6 = tpu.memref_slice %arg6[%dma_start3A, %dma_start3A_4, %dma_start3A_5] : memref<4x128x32xi32, #tpu.memory_space<vmem>> -> memref<1x128x32xi32, #tpu.memory_space<vmem>>
    %dma_start3A_7 = tpu.memref_squeeze %dma_start3A_6 : memref<1x128x32xi32, #tpu.memory_space<vmem>> -> memref<128x32xi32, #tpu.memory_space<vmem>>
    %dma_start3A_8 = tpu.memref_slice %arg5[%multiple_of3A_3] : memref<25600xi32, #tpu.memory_space<vmem>> -> memref<128xi32, #tpu.memory_space<vmem>>
    %dma_start3A_9 = arith.constant 0 : i32
    %dma_start3A_10 = arith.constant 0 : i32
    %dma_start3A_11 = tpu.memref_slice %arg3[%dma_start3A_9, %dma_start3A_10] : memref<1000000x32xi32, #tpu.memory_space<hbm>> -> memref<1000000x32xi32, #tpu.memory_space<hbm>>
    tpu.enqueue_indirect_dma source(%dma_start3A_11 : memref<1000000x32xi32, #tpu.memory_space<hbm>>) target(%dma_start3A_7 : memref<128x32xi32, #tpu.memory_space<vmem>>) offsets(%dma_start3A_8 : memref<128xi32, #tpu.memory_space<vmem>>) semaphore(%arg8 : memref<!tpu.dma_semaphore, #tpu.memory_space<semaphore_mem>>)
    %multiple_of3A_12 = arith.constant 128 : i32
    %multiple_of3A_13 = tpu.assume_multiple %multiple_of3A_12, 128 : i32
    %dma_start3A_14 = arith.constant 1 : i32
    %dma_start3A_15 = arith.constant 0 : i32
    %dma_start3A_16 = arith.constant 0 : i32
    %dma_start3A_17 = tpu.memref_slice %arg6[%dma_start3A_14, %dma_start3A_15, %dma_start3A_16] : memref<4x128x32xi32, #tpu.memory_space<vmem>> -> memref<1x128x32xi32, #tpu.memory_space<vmem>>
    %dma_start3A_18 = tpu.memref_squeeze %dma_start3A_17 : memref<1x128x32xi32, #tpu.memory_space<vmem>> -> memref<128x32xi32, #tpu.memory_space<vmem>>
    %dma_start3A_19 = tpu.memref_slice %arg5[%multiple_of3A_13] : memref<25600xi32, #tpu.memory_space<vmem>> -> memref<128xi32, #tpu.memory_space<vmem>>
    %dma_start3A_20 = arith.constant 0 : i32
    %dma_start3A_21 = arith.constant 0 : i32
    %dma_start3A_22 = tpu.memref_slice %arg3[%dma_start3A_20, %dma_start3A_21] : memref<1000000x32xi32, #tpu.memory_space<hbm>> -> memref<1000000x32xi32, #tpu.memory_space<hbm>>
    tpu.enqueue_indirect_dma source(%dma_start3A_22 : memref<1000000x32xi32, #tpu.memory_space<hbm>>) target(%dma_start3A_18 : memref<128x32xi32, #tpu.memory_space<vmem>>) offsets(%dma_start3A_19 : memref<128xi32, #tpu.memory_space<vmem>>) semaphore(%arg9 : memref<!tpu.dma_semaphore, #tpu.memory_space<semaphore_mem>>)
    %multiple_of3A_23 = arith.constant 256 : i32
    %multiple_of3A_24 = tpu.assume_multiple %multiple_of3A_23, 128 : i32
    %dma_start3A_25 = arith.constant 2 : i32
    %dma_start3A_26 = arith.constant 0 : i32
    %dma_start3A_27 = arith.constant 0 : i32
    %dma_start3A_28 = tpu.memref_slice %arg6[%dma_start3A_25, %dma_start3A_26, %dma_start3A_27] : memref<4x128x32xi32, #tpu.memory_space<vmem>> -> memref<1x128x32xi32, #tpu.memory_space<vmem>>
    %dma_start3A_29 = tpu.memref_squeeze %dma_start3A_28 : memref<1x128x32xi32, #tpu.memory_space<vmem>> -> memref<128x32xi32, #tpu.memory_space<vmem>>
    %dma_start3A_30 = tpu.memref_slice %arg5[%multiple_of3A_24] : memref<25600xi32, #tpu.memory_space<vmem>> -> memref<128xi32, #tpu.memory_space<vmem>>
    %dma_start3A_31 = arith.constant 0 : i32
    %dma_start3A_32 = arith.constant 0 : i32
    %dma_start3A_33 = tpu.memref_slice %arg3[%dma_start3A_31, %dma_start3A_32] : memref<1000000x32xi32, #tpu.memory_space<hbm>> -> memref<1000000x32xi32, #tpu.memory_space<hbm>>
    tpu.enqueue_indirect_dma source(%dma_start3A_33 : memref<1000000x32xi32, #tpu.memory_space<hbm>>) target(%dma_start3A_29 : memref<128x32xi32, #tpu.memory_space<vmem>>) offsets(%dma_start3A_30 : memref<128xi32, #tpu.memory_space<vmem>>) semaphore(%arg10 : memref<!tpu.dma_semaphore, #tpu.memory_space<semaphore_mem>>)
    %multiple_of3A_34 = arith.constant 384 : i32
    %multiple_of3A_35 = tpu.assume_multiple %multiple_of3A_34, 128 : i32
    %dma_start3A_36 = arith.constant 3 : i32
    %dma_start3A_37 = arith.constant 0 : i32
    %dma_start3A_38 = arith.constant 0 : i32
    %dma_start3A_39 = tpu.memref_slice %arg6[%dma_start3A_36, %dma_start3A_37, %dma_start3A_38] : memref<4x128x32xi32, #tpu.memory_space<vmem>> -> memref<1x128x32xi32, #tpu.memory_space<vmem>>
    %dma_start3A_40 = tpu.memref_squeeze %dma_start3A_39 : memref<1x128x32xi32, #tpu.memory_space<vmem>> -> memref<128x32xi32, #tpu.memory_space<vmem>>
    %dma_start3A_41 = tpu.memref_slice %arg5[%multiple_of3A_35] : memref<25600xi32, #tpu.memory_space<vmem>> -> memref<128xi32, #tpu.memory_space<vmem>>
    %dma_start3A_42 = arith.constant 0 : i32
    %dma_start3A_43 = arith.constant 0 : i32
    %dma_start3A_44 = tpu.memref_slice %arg3[%dma_start3A_42, %dma_start3A_43] : memref<1000000x32xi32, #tpu.memory_space<hbm>> -> memref<1000000x32xi32, #tpu.memory_space<hbm>>
    tpu.enqueue_indirect_dma source(%dma_start3A_44 : memref<1000000x32xi32, #tpu.memory_space<hbm>>) target(%dma_start3A_40 : memref<128x32xi32, #tpu.memory_space<vmem>>) offsets(%dma_start3A_41 : memref<128xi32, #tpu.memory_space<vmem>>) semaphore(%arg11 : memref<!tpu.dma_semaphore, #tpu.memory_space<semaphore_mem>>)
    %iota3A = tpu.iota {dimensions = array<i32: 0>} : vector<16xi32>
    %multiple_of3A_45 = arith.constant 0 : i32
    %multiple_of3A_46 = tpu.assume_multiple %multiple_of3A_45, 128 : i32
    %dma_wait3A = arith.constant 0 : i32
    %dma_wait3A_47 = arith.constant 0 : i32
    %dma_wait3A_48 = arith.constant 0 : i32
    %dma_wait3A_49 = tpu.memref_slice %arg6[%dma_wait3A, %dma_wait3A_47, %dma_wait3A_48] : memref<4x128x32xi32, #tpu.memory_space<vmem>> -> memref<1x128x32xi32, #tpu.memory_space<vmem>>
    %dma_wait3A_50 = tpu.memref_squeeze %dma_wait3A_49 : memref<1x128x32xi32, #tpu.memory_space<vmem>> -> memref<128x32xi32, #tpu.memory_space<vmem>>
    %dma_wait3A_51 = tpu.memref_slice %arg5[%multiple_of3A_46] : memref<25600xi32, #tpu.memory_space<vmem>> -> memref<128xi32, #tpu.memory_space<vmem>>
    %dma_wait3A_52 = arith.constant 0 : i32
    %dma_wait3A_53 = arith.constant 0 : i32
    %dma_wait3A_54 = tpu.memref_slice %arg3[%dma_wait3A_52, %dma_wait3A_53] : memref<1000000x32xi32, #tpu.memory_space<hbm>> -> memref<1000000x32xi32, #tpu.memory_space<hbm>>
    tpu.wait_indirect_dma semaphore(%arg8 : memref<!tpu.dma_semaphore, #tpu.memory_space<semaphore_mem>>) src(%dma_wait3A_54 : memref<1000000x32xi32, #tpu.memory_space<hbm>>) dst(%dma_wait3A_50 : memref<128x32xi32, #tpu.memory_space<vmem>>)
    %scan3A = arith.constant 0 : i32
    %scan3A_55 = arith.constant 0 : i32
    %scan3A_56 = arith.constant 64 : i32
    %scan3A_57 = arith.addi %scan3A_55, %scan3A_56 : i32
    %scan3A_58 = arith.constant 2 : i32
    scf.for %scan3A_473 = %scan3A_55 to %scan3A_57 step %scan3A_58  : i32 {
      %mul3A_474 = arith.constant 2 : i32
      %mul3A_475 = arith.muli %mul3A_474, %scan3A_473 : i32
      %get3A = arith.constant 0 : i32
      %get3A_476 = arith.index_cast %get3A : i32 to index
      %get3A_477 = arith.index_cast %mul3A_475 : i32 to index
      %get3A_478 = arith.constant 0 : index
      %get3A_479 = tpu.vector_load %arg6[%get3A_476, %get3A_477, %get3A_478] {strides = array<i32>} : memref<4x128x32xi32, #tpu.memory_space<vmem>>, vector<16xi32>,
      %add3A_480 = arith.constant 1 : i32
      %add3A_481 = arith.addi %mul3A_475, %add3A_480 : i32
      %get3A_482 = arith.constant 0 : i32
      %get3A_483 = arith.index_cast %get3A_482 : i32 to index
      %get3A_484 = arith.index_cast %add3A_481 : i32 to index
      %get3A_485 = arith.constant 0 : index
      %get3A_486 = tpu.vector_load %arg6[%get3A_483, %get3A_484, %get3A_485] {strides = array<i32>} : memref<4x128x32xi32, #tpu.memory_space<vmem>>, vector<16xi32>,
      %and3A_487 = arith.constant 65535 : i32
      %and3A_488 = vector.broadcast %and3A_487 : i32 to vector<16xi32>
      %and3A_489 = arith.andi %get3A_479, %and3A_488 : vector<16xi32>
      %shift_left3A = arith.constant 16 : i32
      %shift_left3A_490 = vector.broadcast %shift_left3A : i32 to vector<16xi32>
      %shift_left3A_491 = arith.shli %get3A_486, %shift_left3A_490 : vector<16xi32>
      %or3A = arith.ori %and3A_489, %shift_left3A_491 : vector<16xi32>
      %shift_right_arithmetic3A = arith.constant 16 : i32
      %shift_right_arithmetic3A_492 = vector.broadcast %shift_right_arithmetic3A : i32 to vector<16xi32>
      %shift_right_arithmetic3A_493 = arith.shrsi %get3A_479, %shift_right_arithmetic3A_492 : vector<16xi32>
      %and3A_494 = arith.constant 65535 : i32
      %and3A_495 = vector.broadcast %and3A_494 : i32 to vector<16xi32>
      %and3A_496 = arith.andi %shift_right_arithmetic3A_493, %and3A_495 : vector<16xi32>
      %and3A_497 = arith.constant -65536 : i32
      %and3A_498 = vector.broadcast %and3A_497 : i32 to vector<16xi32>
      %and3A_499 = arith.andi %get3A_486, %and3A_498 : vector<16xi32>
      %or3A_500 = arith.ori %and3A_496, %and3A_499 : vector<16xi32>
      %mul3A_501 = arith.constant 2 : i32
      %mul3A_502 = vector.broadcast %mul3A_501 : i32 to vector<16xi32>
      %mul3A_503 = arith.muli %mul3A_502, %iota3A : vector<16xi32>
      %add3A_504 = arith.constant 0 : i32
      %add3A_505 = vector.broadcast %add3A_504 : i32 to vector<16xi32>
      %add3A_506 = arith.addi %mul3A_503, %add3A_505 : vector<16xi32>
      %broadcast_in_dim3A = vector.broadcast %scan3A_473 : i32 to vector<16xi32>
      %scatter3A = arith.constant 0 : i32
      %scatter3A_507 = arith.constant 0 : i32
      %scatter3A_508 = arith.constant 0 : i32
      %scatter3A_509 = tpu.memref_slice %arg7[%scatter3A, %scatter3A_507, %scatter3A_508] : memref<2x64x64xi32, #tpu.memory_space<vmem>> -> memref<1x64x64xi32, #tpu.memory_space<vmem>>
      %scatter3A_510 = tpu.memref_squeeze %scatter3A_509 : memref<1x64x64xi32, #tpu.memory_space<vmem>> -> memref<64x64xi32, #tpu.memory_space<vmem>>
      tpu.vector_store_idx %scatter3A_510[%broadcast_in_dim3A, %add3A_506], %or3A : memref<64x64xi32, #tpu.memory_space<vmem>>[vector<16xi32>, vector<16xi32>], vector<16xi32>,
      %add3A_511 = arith.constant 1 : i32
      %add3A_512 = vector.broadcast %add3A_511 : i32 to vector<16xi32>
      %add3A_513 = arith.addi %add3A_506, %add3A_512 : vector<16xi32>
      %scatter3A_514 = arith.constant 0 : i32
      %scatter3A_515 = arith.constant 0 : i32
      %scatter3A_516 = arith.constant 0 : i32
      %scatter3A_517 = tpu.memref_slice %arg7[%scatter3A_514, %scatter3A_515, %scatter3A_516] : memref<2x64x64xi32, #tpu.memory_space<vmem>> -> memref<1x64x64xi32, #tpu.memory_space<vmem>>
      %scatter3A_518 = tpu.memref_squeeze %scatter3A_517 : memref<1x64x64xi32, #tpu.memory_space<vmem>> -> memref<64x64xi32, #tpu.memory_space<vmem>>
      tpu.vector_store_idx %scatter3A_518[%broadcast_in_dim3A, %add3A_513], %or3A_500 : memref<64x64xi32, #tpu.memory_space<vmem>>[vector<16xi32>, vector<16xi32>], vector<16xi32>,
      %get3A_519 = arith.constant 0 : i32
      %get3A_520 = arith.index_cast %get3A_519 : i32 to index
      %get3A_521 = arith.index_cast %mul3A_475 : i32 to index
      %get3A_522 = arith.constant 16 : index
      %get3A_523 = tpu.vector_load %arg6[%get3A_520, %get3A_521, %get3A_522] {strides = array<i32>} : memref<4x128x32xi32, #tpu.memory_space<vmem>>, vector<16xi32>,
      %add3A_524 = arith.constant 1 : i32
      %add3A_525 = arith.addi %mul3A_475, %add3A_524 : i32
      %get3A_526 = arith.constant 0 : i32
      %get3A_527 = arith.index_cast %get3A_526 : i32 to index
      %get3A_528 = arith.index_cast %add3A_525 : i32 to index
      %get3A_529 = arith.constant 16 : index
      %get3A_530 = tpu.vector_load %arg6[%get3A_527, %get3A_528, %get3A_529] {strides = array<i32>} : memref<4x128x32xi32, #tpu.memory_space<vmem>>, vector<16xi32>,
      %and3A_531 = arith.constant 65535 : i32
      %and3A_532 = vector.broadcast %and3A_531 : i32 to vector<16xi32>
      %and3A_533 = arith.andi %get3A_523, %and3A_532 : vector<16xi32>
      %shift_left3A_534 = arith.constant 16 : i32
      %shift_left3A_535 = vector.broadcast %shift_left3A_534 : i32 to vector<16xi32>
      %shift_left3A_536 = arith.shli %get3A_530, %shift_left3A_535 : vector<16xi32>
      %or3A_537 = arith.ori %and3A_533, %shift_left3A_536 : vector<16xi32>
      %shift_right_arithmetic3A_538 = arith.constant 16 : i32
      %shift_right_arithmetic3A_539 = vector.broadcast %shift_right_arithmetic3A_538 : i32 to vector<16xi32>
      %shift_right_arithmetic3A_540 = arith.shrsi %get3A_523, %shift_right_arithmetic3A_539 : vector<16xi32>
      %and3A_541 = arith.constant 65535 : i32
      %and3A_542 = vector.broadcast %and3A_541 : i32 to vector<16xi32>
      %and3A_543 = arith.andi %shift_right_arithmetic3A_540, %and3A_542 : vector<16xi32>
      %and3A_544 = arith.constant -65536 : i32
      %and3A_545 = vector.broadcast %and3A_544 : i32 to vector<16xi32>
      %and3A_546 = arith.andi %get3A_530, %and3A_545 : vector<16xi32>
      %or3A_547 = arith.ori %and3A_543, %and3A_546 : vector<16xi32>
      %mul3A_548 = arith.constant 2 : i32
      %mul3A_549 = vector.broadcast %mul3A_548 : i32 to vector<16xi32>
      %mul3A_550 = arith.muli %mul3A_549, %iota3A : vector<16xi32>
      %add3A_551 = arith.constant 32 : i32
      %add3A_552 = vector.broadcast %add3A_551 : i32 to vector<16xi32>
      %add3A_553 = arith.addi %mul3A_550, %add3A_552 : vector<16xi32>
      %broadcast_in_dim3A_554 = vector.broadcast %scan3A_473 : i32 to vector<16xi32>
      %scatter3A_555 = arith.constant 0 : i32
      %scatter3A_556 = arith.constant 0 : i32
      %scatter3A_557 = arith.constant 0 : i32
      %scatter3A_558 = tpu.memref_slice %arg7[%scatter3A_555, %scatter3A_556, %scatter3A_557] : memref<2x64x64xi32, #tpu.memory_space<vmem>> -> memref<1x64x64xi32, #tpu.memory_space<vmem>>
      %scatter3A_559 = tpu.memref_squeeze %scatter3A_558 : memref<1x64x64xi32, #tpu.memory_space<vmem>> -> memref<64x64xi32, #tpu.memory_space<vmem>>
      tpu.vector_store_idx %scatter3A_559[%broadcast_in_dim3A_554, %add3A_553], %or3A_537 : memref<64x64xi32, #tpu.memory_space<vmem>>[vector<16xi32>, vector<16xi32>], vector<16xi32>,
      %add3A_560 = arith.constant 1 : i32
      %add3A_561 = vector.broadcast %add3A_560 : i32 to vector<16xi32>
      %add3A_562 = arith.addi %add3A_553, %add3A_561 : vector<16xi32>
      %scatter3A_563 = arith.constant 0 : i32
      %scatter3A_564 = arith.constant 0 : i32
      %scatter3A_565 = arith.constant 0 : i32
      %scatter3A_566 = tpu.memref_slice %arg7[%scatter3A_563, %scatter3A_564, %scatter3A_565] : memref<2x64x64xi32, #tpu.memory_space<vmem>> -> memref<1x64x64xi32, #tpu.memory_space<vmem>>
      %scatter3A_567 = tpu.memref_squeeze %scatter3A_566 : memref<1x64x64xi32, #tpu.memory_space<vmem>> -> memref<64x64xi32, #tpu.memory_space<vmem>>
      tpu.vector_store_idx %scatter3A_567[%broadcast_in_dim3A_554, %add3A_562], %or3A_547 : memref<64x64xi32, #tpu.memory_space<vmem>>[vector<16xi32>, vector<16xi32>], vector<16xi32>,
      %scan3A_568 = arith.constant 1 : i32
      %scan3A_569 = arith.addi %scan3A_473, %scan3A_568 : i32
      %mul3A_570 = arith.constant 2 : i32
      %mul3A_571 = arith.muli %mul3A_570, %scan3A_569 : i32
      %get3A_572 = arith.constant 0 : i32
      %get3A_573 = arith.index_cast %get3A_572 : i32 to index
      %get3A_574 = arith.index_cast %mul3A_571 : i32 to index
      %get3A_575 = arith.constant 0 : index
      %get3A_576 = tpu.vector_load %arg6[%get3A_573, %get3A_574, %get3A_575] {strides = array<i32>} : memref<4x128x32xi32, #tpu.memory_space<vmem>>, vector<16xi32>,
      %add3A_577 = arith.constant 1 : i32
      %add3A_578 = arith.addi %mul3A_571, %add3A_577 : i32
      %get3A_579 = arith.constant 0 : i32
      %get3A_580 = arith.index_cast %get3A_579 : i32 to index
      %get3A_581 = arith.index_cast %add3A_578 : i32 to index
      %get3A_582 = arith.constant 0 : index
      %get3A_583 = tpu.vector_load %arg6[%get3A_580, %get3A_581, %get3A_582] {strides = array<i32>} : memref<4x128x32xi32, #tpu.memory_space<vmem>>, vector<16xi32>,
      %and3A_584 = arith.constant 65535 : i32
      %and3A_585 = vector.broadcast %and3A_584 : i32 to vector<16xi32>
      %and3A_586 = arith.andi %get3A_576, %and3A_585 : vector<16xi32>
      %shift_left3A_587 = arith.constant 16 : i32
      %shift_left3A_588 = vector.broadcast %shift_left3A_587 : i32 to vector<16xi32>
      %shift_left3A_589 = arith.shli %get3A_583, %shift_left3A_588 : vector<16xi32>
      %or3A_590 = arith.ori %and3A_586, %shift_left3A_589 : vector<16xi32>
      %shift_right_arithmetic3A_591 = arith.constant 16 : i32
      %shift_right_arithmetic3A_592 = vector.broadcast %shift_right_arithmetic3A_591 : i32 to vector<16xi32>
      %shift_right_arithmetic3A_593 = arith.shrsi %get3A_576, %shift_right_arithmetic3A_592 : vector<16xi32>
      %and3A_594 = arith.constant 65535 : i32
      %and3A_595 = vector.broadcast %and3A_594 : i32 to vector<16xi32>
      %and3A_596 = arith.andi %shift_right_arithmetic3A_593, %and3A_595 : vector<16xi32>
      %and3A_597 = arith.constant -65536 : i32
      %and3A_598 = vector.broadcast %and3A_597 : i32 to vector<16xi32>
      %and3A_599 = arith.andi %get3A_583, %and3A_598 : vector<16xi32>
      %or3A_600 = arith.ori %and3A_596, %and3A_599 : vector<16xi32>
      %mul3A_601 = arith.constant 2 : i32
      %mul3A_602 = vector.broadcast %mul3A_601 : i32 to vector<16xi32>
      %mul3A_603 = arith.muli %mul3A_602, %iota3A : vector<16xi32>
      %add3A_604 = arith.constant 0 : i32
      %add3A_605 = vector.broadcast %add3A_604 : i32 to vector<16xi32>
      %add3A_606 = arith.addi %mul3A_603, %add3A_605 : vector<16xi32>
      %broadcast_in_dim3A_607 = vector.broadcast %scan3A_569 : i32 to vector<16xi32>
      %scatter3A_608 = arith.constant 0 : i32
      %scatter3A_609 = arith.constant 0 : i32
      %scatter3A_610 = arith.constant 0 : i32
      %scatter3A_611 = tpu.memref_slice %arg7[%scatter3A_608, %scatter3A_609, %scatter3A_610] : memref<2x64x64xi32, #tpu.memory_space<vmem>> -> memref<1x64x64xi32, #tpu.memory_space<vmem>>
      %scatter3A_612 = tpu.memref_squeeze %scatter3A_611 : memref<1x64x64xi32, #tpu.memory_space<vmem>> -> memref<64x64xi32, #tpu.memory_space<vmem>>
      tpu.vector_store_idx %scatter3A_612[%broadcast_in_dim3A_607, %add3A_606], %or3A_590 : memref<64x64xi32, #tpu.memory_space<vmem>>[vector<16xi32>, vector<16xi32>], vector<16xi32>,
      %add3A_613 = arith.constant 1 : i32
      %add3A_614 = vector.broadcast %add3A_613 : i32 to vector<16xi32>
      %add3A_615 = arith.addi %add3A_606, %add3A_614 : vector<16xi32>
      %scatter3A_616 = arith.constant 0 : i32
      %scatter3A_617 = arith.constant 0 : i32
      %scatter3A_618 = arith.constant 0 : i32
      %scatter3A_619 = tpu.memref_slice %arg7[%scatter3A_616, %scatter3A_617, %scatter3A_618] : memref<2x64x64xi32, #tpu.memory_space<vmem>> -> memref<1x64x64xi32, #tpu.memory_space<vmem>>
      %scatter3A_620 = tpu.memref_squeeze %scatter3A_619 : memref<1x64x64xi32, #tpu.memory_space<vmem>> -> memref<64x64xi32, #tpu.memory_space<vmem>>
      tpu.vector_store_idx %scatter3A_620[%broadcast_in_dim3A_607, %add3A_615], %or3A_600 : memref<64x64xi32, #tpu.memory_space<vmem>>[vector<16xi32>, vector<16xi32>], vector<16xi32>,
      %get3A_621 = arith.constant 0 : i32
      %get3A_622 = arith.index_cast %get3A_621 : i32 to index
      %get3A_623 = arith.index_cast %mul3A_571 : i32 to index
      %get3A_624 = arith.constant 16 : index
      %get3A_625 = tpu.vector_load %arg6[%get3A_622, %get3A_623, %get3A_624] {strides = array<i32>} : memref<4x128x32xi32, #tpu.memory_space<vmem>>, vector<16xi32>,
      %add3A_626 = arith.constant 1 : i32
      %add3A_627 = arith.addi %mul3A_571, %add3A_626 : i32
      %get3A_628 = arith.constant 0 : i32
      %get3A_629 = arith.index_cast %get3A_628 : i32 to index
      %get3A_630 = arith.index_cast %add3A_627 : i32 to index
      %get3A_631 = arith.constant 16 : index
      %get3A_632 = tpu.vector_load %arg6[%get3A_629, %get3A_630, %get3A_631] {strides = array<i32>} : memref<4x128x32xi32, #tpu.memory_space<vmem>>, vector<16xi32>,
      %and3A_633 = arith.constant 65535 : i32
      %and3A_634 = vector.broadcast %and3A_633 : i32 to vector<16xi32>
      %and3A_635 = arith.andi %get3A_625, %and3A_634 : vector<16xi32>
      %shift_left3A_636 = arith.constant 16 : i32
      %shift_left3A_637 = vector.broadcast %shift_left3A_636 : i32 to vector<16xi32>
      %shift_left3A_638 = arith.shli %get3A_632, %shift_left3A_637 : vector<16xi32>
      %or3A_639 = arith.ori %and3A_635, %shift_left3A_638 : vector<16xi32>
      %shift_right_arithmetic3A_640 = arith.constant 16 : i32
      %shift_right_arithmetic3A_641 = vector.broadcast %shift_right_arithmetic3A_640 : i32 to vector<16xi32>
      %shift_right_arithmetic3A_642 = arith.shrsi %get3A_625, %shift_right_arithmetic3A_641 : vector<16xi32>
      %and3A_643 = arith.constant 65535 : i32
      %and3A_644 = vector.broadcast %and3A_643 : i32 to vector<16xi32>
      %and3A_645 = arith.andi %shift_right_arithmetic3A_642, %and3A_644 : vector<16xi32>
      %and3A_646 = arith.constant -65536 : i32
      %and3A_647 = vector.broadcast %and3A_646 : i32 to vector<16xi32>
      %and3A_648 = arith.andi %get3A_632, %and3A_647 : vector<16xi32>
      %or3A_649 = arith.ori %and3A_645, %and3A_648 : vector<16xi32>
      %mul3A_650 = arith.constant 2 : i32
      %mul3A_651 = vector.broadcast %mul3A_650 : i32 to vector<16xi32>
      %mul3A_652 = arith.muli %mul3A_651, %iota3A : vector<16xi32>
      %add3A_653 = arith.constant 32 : i32
      %add3A_654 = vector.broadcast %add3A_653 : i32 to vector<16xi32>
      %add3A_655 = arith.addi %mul3A_652, %add3A_654 : vector<16xi32>
      %broadcast_in_dim3A_656 = vector.broadcast %scan3A_569 : i32 to vector<16xi32>
      %scatter3A_657 = arith.constant 0 : i32
      %scatter3A_658 = arith.constant 0 : i32
      %scatter3A_659 = arith.constant 0 : i32
      %scatter3A_660 = tpu.memref_slice %arg7[%scatter3A_657, %scatter3A_658, %scatter3A_659] : memref<2x64x64xi32, #tpu.memory_space<vmem>> -> memref<1x64x64xi32, #tpu.memory_space<vmem>>
      %scatter3A_661 = tpu.memref_squeeze %scatter3A_660 : memref<1x64x64xi32, #tpu.memory_space<vmem>> -> memref<64x64xi32, #tpu.memory_space<vmem>>
      tpu.vector_store_idx %scatter3A_661[%broadcast_in_dim3A_656, %add3A_655], %or3A_639 : memref<64x64xi32, #tpu.memory_space<vmem>>[vector<16xi32>, vector<16xi32>], vector<16xi32>,
      %add3A_662 = arith.constant 1 : i32
      %add3A_663 = vector.broadcast %add3A_662 : i32 to vector<16xi32>
      %add3A_664 = arith.addi %add3A_655, %add3A_663 : vector<16xi32>
      %scatter3A_665 = arith.constant 0 : i32
      %scatter3A_666 = arith.constant 0 : i32
      %scatter3A_667 = arith.constant 0 : i32
      %scatter3A_668 = tpu.memref_slice %arg7[%scatter3A_665, %scatter3A_666, %scatter3A_667] : memref<2x64x64xi32, #tpu.memory_space<vmem>> -> memref<1x64x64xi32, #tpu.memory_space<vmem>>
      %scatter3A_669 = tpu.memref_squeeze %scatter3A_668 : memref<1x64x64xi32, #tpu.memory_space<vmem>> -> memref<64x64xi32, #tpu.memory_space<vmem>>
      tpu.vector_store_idx %scatter3A_669[%broadcast_in_dim3A_656, %add3A_664], %or3A_649 : memref<64x64xi32, #tpu.memory_space<vmem>>[vector<16xi32>, vector<16xi32>], vector<16xi32>,
    }
    %scan3A_59 = arith.constant 64 : i32
    %add3A_60 = arith.constant 0 : i32
    %add3A_61 = arith.addi %mul3A_2, %add3A_60 : i32
    %jit3A = arith.constant 2 : i32
    %div3A = arith.divsi %add3A_61, %jit3A : i32
    %sign3A = arith.constant 0 : i32
    %sign3A_62 = arith.cmpi sgt, %add3A_61, %sign3A : i32
    %sign3A_63 = arith.extui %sign3A_62 : i1 to i32
    %sign3A_64 = arith.constant 0 : i32
    %sign3A_65 = arith.cmpi slt, %add3A_61, %sign3A_64 : i32
    %sign3A_66 = arith.extui %sign3A_65 : i1 to i32
    %sign3A_67 = arith.subi %sign3A_63, %sign3A_66 : i32
    %sign3A_68 = arith.constant 0 : i32
    %sign3A_69 = arith.cmpi sgt, %jit3A, %sign3A_68 : i32
    %sign3A_70 = arith.extui %sign3A_69 : i1 to i32
    %sign3A_71 = arith.constant 0 : i32
    %sign3A_72 = arith.cmpi slt, %jit3A, %sign3A_71 : i32
    %sign3A_73 = arith.extui %sign3A_72 : i1 to i32
    %sign3A_74 = arith.subi %sign3A_70, %sign3A_73 : i32
    %ne3A = arith.cmpi ne, %sign3A_67, %sign3A_74 : i32
    %rem3A = arith.remsi %add3A_61, %jit3A : i32
    %ne3A_75 = arith.constant 0 : i32
    %ne3A_76 = arith.cmpi ne, %rem3A, %ne3A_75 : i32
    %and3A = arith.andi %ne3A, %ne3A_76 : i1
    %sub3A = arith.constant 1 : i32
    %sub3A_77 = arith.subi %div3A, %sub3A : i32
    %select_n3A = arith.select %and3A, %sub3A_77, %div3A : i32
    %multiple_of3A_78 = tpu.assume_multiple %select_n3A, 64 : i32
    %dma_start3A_79 = arith.constant 0 : i32
    %dma_start3A_80 = arith.constant 0 : i32
    %dma_start3A_81 = arith.constant 0 : i32
    %dma_start3A_82 = tpu.memref_slice %arg7[%dma_start3A_79, %dma_start3A_80, %dma_start3A_81] : memref<2x64x64xi32, #tpu.memory_space<vmem>> -> memref<1x64x64xi32, #tpu.memory_space<vmem>>
    %dma_start3A_83 = tpu.memref_squeeze %dma_start3A_82 : memref<1x64x64xi32, #tpu.memory_space<vmem>> -> memref<64x64xi32, #tpu.memory_space<vmem>>
    %dma_start3A_84 = arith.constant 0 : i32
    %dma_start3A_85 = tpu.memref_slice %arg4[%multiple_of3A_78, %dma_start3A_84] : memref<409600x64xi32, #tpu.memory_space<hbm>> -> memref<64x64xi32, #tpu.memory_space<hbm>>
    %dma_start3A_86 = arith.constant 0 : i32
    %dma_start3A_87 = tpu.memref_slice %arg4[%multiple_of3A_78, %dma_start3A_86] : memref<409600x64xi32, #tpu.memory_space<hbm>> -> memref<64x64xi32, #tpu.memory_space<hbm>>
    %dma_start3A_88 = arith.constant 0 : i32
    %dma_start3A_89 = arith.constant 0 : i32
    %dma_start3A_90 = tpu.memref_slice %arg7[%dma_start3A_79, %dma_start3A_88, %dma_start3A_89] : memref<2x64x64xi32, #tpu.memory_space<vmem>> -> memref<1x64x64xi32, #tpu.memory_space<vmem>>
    %dma_start3A_91 = tpu.memref_squeeze %dma_start3A_90 : memref<1x64x64xi32, #tpu.memory_space<vmem>> -> memref<64x64xi32, #tpu.memory_space<vmem>>
    tpu.enqueue_dma source(%dma_start3A_91 : memref<64x64xi32, #tpu.memory_space<vmem>>) target(%dma_start3A_87 : memref<64x64xi32, #tpu.memory_space<hbm>>) target_semaphore(%arg12 : memref<!tpu.dma_semaphore, #tpu.memory_space<semaphore_mem>>)
    %multiple_of3A_92 = arith.constant 512 : i32
    %multiple_of3A_93 = tpu.assume_multiple %multiple_of3A_92, 128 : i32
    %dma_start3A_94 = arith.constant 0 : i32
    %dma_start3A_95 = arith.constant 0 : i32
    %dma_start3A_96 = arith.constant 0 : i32
    %dma_start3A_97 = tpu.memref_slice %arg6[%dma_start3A_94, %dma_start3A_95, %dma_start3A_96] : memref<4x128x32xi32, #tpu.memory_space<vmem>> -> memref<1x128x32xi32, #tpu.memory_space<vmem>>
    %dma_start3A_98 = tpu.memref_squeeze %dma_start3A_97 : memref<1x128x32xi32, #tpu.memory_space<vmem>> -> memref<128x32xi32, #tpu.memory_space<vmem>>
    %dma_start3A_99 = tpu.memref_slice %arg5[%multiple_of3A_93] : memref<25600xi32, #tpu.memory_space<vmem>> -> memref<128xi32, #tpu.memory_space<vmem>>
    %dma_start3A_100 = arith.constant 0 : i32
    %dma_start3A_101 = arith.constant 0 : i32
    %dma_start3A_102 = tpu.memref_slice %arg3[%dma_start3A_100, %dma_start3A_101] : memref<1000000x32xi32, #tpu.memory_space<hbm>> -> memref<1000000x32xi32, #tpu.memory_space<hbm>>
    tpu.enqueue_indirect_dma source(%dma_start3A_102 : memref<1000000x32xi32, #tpu.memory_space<hbm>>) target(%dma_start3A_98 : memref<128x32xi32, #tpu.memory_space<vmem>>) offsets(%dma_start3A_99 : memref<128xi32, #tpu.memory_space<vmem>>) semaphore(%arg8 : memref<!tpu.dma_semaphore, #tpu.memory_space<semaphore_mem>>)
    %multiple_of3A_103 = arith.constant 128 : i32
    %multiple_of3A_104 = tpu.assume_multiple %multiple_of3A_103, 128 : i32
    %dma_wait3A_105 = arith.constant 1 : i32
    %dma_wait3A_106 = arith.constant 0 : i32
    %dma_wait3A_107 = arith.constant 0 : i32
    %dma_wait3A_108 = tpu.memref_slice %arg6[%dma_wait3A_105, %dma_wait3A_106, %dma_wait3A_107] : memref<4x128x32xi32, #tpu.memory_space<vmem>> -> memref<1x128x32xi32, #tpu.memory_space<vmem>>
    %dma_wait3A_109 = tpu.memref_squeeze %dma_wait3A_108 : memref<1x128x32xi32, #tpu.memory_space<vmem>> -> memref<128x32xi32, #tpu.memory_space<vmem>>
    %dma_wait3A_110 = tpu.memref_slice %arg5[%multiple_of3A_104] : memref<25600xi32, #tpu.memory_space<vmem>> -> memref<128xi32, #tpu.memory_space<vmem>>
    %dma_wait3A_111 = arith.constant 0 : i32
    %dma_wait3A_112 = arith.constant 0 : i32
    %dma_wait3A_113 = tpu.memref_slice %arg3[%dma_wait3A_111, %dma_wait3A_112] : memref<1000000x32xi32, #tpu.memory_space<hbm>> -> memref<1000000x32xi32, #tpu.memory_space<hbm>>
    tpu.wait_indirect_dma semaphore(%arg9 : memref<!tpu.dma_semaphore, #tpu.memory_space<semaphore_mem>>) src(%dma_wait3A_113 : memref<1000000x32xi32, #tpu.memory_space<hbm>>) dst(%dma_wait3A_109 : memref<128x32xi32, #tpu.memory_space<vmem>>)
    %scan3A_114 = arith.constant 0 : i32
    %scan3A_115 = arith.constant 0 : i32
    %scan3A_116 = arith.constant 64 : i32
    %scan3A_117 = arith.addi %scan3A_115, %scan3A_116 : i32
    %scan3A_118 = arith.constant 2 : i32
    scf.for %scan3A_473 = %scan3A_115 to %scan3A_117 step %scan3A_118  : i32 {
      %mul3A_474 = arith.constant 2 : i32
      %mul3A_475 = arith.muli %mul3A_474, %scan3A_473 : i32
      %get3A = arith.constant 1 : i32
      %get3A_476 = arith.index_cast %get3A : i32 to index
      %get3A_477 = arith.index_cast %mul3A_475 : i32 to index
      %get3A_478 = arith.constant 0 : index
      %get3A_479 = tpu.vector_load %arg6[%get3A_476, %get3A_477, %get3A_478] {strides = array<i32>} : memref<4x128x32xi32, #tpu.memory_space<vmem>>, vector<16xi32>,
      %add3A_480 = arith.constant 1 : i32
      %add3A_481 = arith.addi %mul3A_475, %add3A_480 : i32
      %get3A_482 = arith.constant 1 : i32
      %get3A_483 = arith.index_cast %get3A_482 : i32 to index
      %get3A_484 = arith.index_cast %add3A_481 : i32 to index
      %get3A_485 = arith.constant 0 : index
      %get3A_486 = tpu.vector_load %arg6[%get3A_483, %get3A_484, %get3A_485] {strides = array<i32>} : memref<4x128x32xi32, #tpu.memory_space<vmem>>, vector<16xi32>,
      %and3A_487 = arith.constant 65535 : i32
      %and3A_488 = vector.broadcast %and3A_487 : i32 to vector<16xi32>
      %and3A_489 = arith.andi %get3A_479, %and3A_488 : vector<16xi32>
      %shift_left3A = arith.constant 16 : i32
      %shift_left3A_490 = vector.broadcast %shift_left3A : i32 to vector<16xi32>
      %shift_left3A_491 = arith.shli %get3A_486, %shift_left3A_490 : vector<16xi32>
      %or3A = arith.ori %and3A_489, %shift_left3A_491 : vector<16xi32>
      %shift_right_arithmetic3A = arith.constant 16 : i32
      %shift_right_arithmetic3A_492 = vector.broadcast %shift_right_arithmetic3A : i32 to vector<16xi32>
      %shift_right_arithmetic3A_493 = arith.shrsi %get3A_479, %shift_right_arithmetic3A_492 : vector<16xi32>
      %and3A_494 = arith.constant 65535 : i32
      %and3A_495 = vector.broadcast %and3A_494 : i32 to vector<16xi32>
      %and3A_496 = arith.andi %shift_right_arithmetic3A_493, %and3A_495 : vector<16xi32>
      %and3A_497 = arith.constant -65536 : i32
      %and3A_498 = vector.broadcast %and3A_497 : i32 to vector<16xi32>
      %and3A_499 = arith.andi %get3A_486, %and3A_498 : vector<16xi32>
      %or3A_500 = arith.ori %and3A_496, %and3A_499 : vector<16xi32>
      %mul3A_501 = arith.constant 2 : i32
      %mul3A_502 = vector.broadcast %mul3A_501 : i32 to vector<16xi32>
      %mul3A_503 = arith.muli %mul3A_502, %iota3A : vector<16xi32>
      %add3A_504 = arith.constant 0 : i32
      %add3A_505 = vector.broadcast %add3A_504 : i32 to vector<16xi32>
      %add3A_506 = arith.addi %mul3A_503, %add3A_505 : vector<16xi32>
      %broadcast_in_dim3A = vector.broadcast %scan3A_473 : i32 to vector<16xi32>
      %scatter3A = arith.constant 1 : i32
      %scatter3A_507 = arith.constant 0 : i32
      %scatter3A_508 = arith.constant 0 : i32
      %scatter3A_509 = tpu.memref_slice %arg7[%scatter3A, %scatter3A_507, %scatter3A_508] : memref<2x64x64xi32, #tpu.memory_space<vmem>> -> memref<1x64x64xi32, #tpu.memory_space<vmem>>
      %scatter3A_510 = tpu.memref_squeeze %scatter3A_509 : memref<1x64x64xi32, #tpu.memory_space<vmem>> -> memref<64x64xi32, #tpu.memory_space<vmem>>
      tpu.vector_store_idx %scatter3A_510[%broadcast_in_dim3A, %add3A_506], %or3A : memref<64x64xi32, #tpu.memory_space<vmem>>[vector<16xi32>, vector<16xi32>], vector<16xi32>,
      %add3A_511 = arith.constant 1 : i32
      %add3A_512 = vector.broadcast %add3A_511 : i32 to vector<16xi32>
      %add3A_513 = arith.addi %add3A_506, %add3A_512 : vector<16xi32>
      %scatter3A_514 = arith.constant 1 : i32
      %scatter3A_515 = arith.constant 0 : i32
      %scatter3A_516 = arith.constant 0 : i32
      %scatter3A_517 = tpu.memref_slice %arg7[%scatter3A_514, %scatter3A_515, %scatter3A_516] : memref<2x64x64xi32, #tpu.memory_space<vmem>> -> memref<1x64x64xi32, #tpu.memory_space<vmem>>
      %scatter3A_518 = tpu.memref_squeeze %scatter3A_517 : memref<1x64x64xi32, #tpu.memory_space<vmem>> -> memref<64x64xi32, #tpu.memory_space<vmem>>
      tpu.vector_store_idx %scatter3A_518[%broadcast_in_dim3A, %add3A_513], %or3A_500 : memref<64x64xi32, #tpu.memory_space<vmem>>[vector<16xi32>, vector<16xi32>], vector<16xi32>,
      %get3A_519 = arith.constant 1 : i32
      %get3A_520 = arith.index_cast %get3A_519 : i32 to index
      %get3A_521 = arith.index_cast %mul3A_475 : i32 to index
      %get3A_522 = arith.constant 16 : index
      %get3A_523 = tpu.vector_load %arg6[%get3A_520, %get3A_521, %get3A_522] {strides = array<i32>} : memref<4x128x32xi32, #tpu.memory_space<vmem>>, vector<16xi32>,
      %add3A_524 = arith.constant 1 : i32
      %add3A_525 = arith.addi %mul3A_475, %add3A_524 : i32
      %get3A_526 = arith.constant 1 : i32
      %get3A_527 = arith.index_cast %get3A_526 : i32 to index
      %get3A_528 = arith.index_cast %add3A_525 : i32 to index
      %get3A_529 = arith.constant 16 : index
      %get3A_530 = tpu.vector_load %arg6[%get3A_527, %get3A_528, %get3A_529] {strides = array<i32>} : memref<4x128x32xi32, #tpu.memory_space<vmem>>, vector<16xi32>,
      %and3A_531 = arith.constant 65535 : i32
      %and3A_532 = vector.broadcast %and3A_531 : i32 to vector<16xi32>
      %and3A_533 = arith.andi %get3A_523, %and3A_532 : vector<16xi32>
      %shift_left3A_534 = arith.constant 16 : i32
      %shift_left3A_535 = vector.broadcast %shift_left3A_534 : i32 to vector<16xi32>
      %shift_left3A_536 = arith.shli %get3A_530, %shift_left3A_535 : vector<16xi32>
      %or3A_537 = arith.ori %and3A_533, %shift_left3A_536 : vector<16xi32>
      %shift_right_arithmetic3A_538 = arith.constant 16 : i32
      %shift_right_arithmetic3A_539 = vector.broadcast %shift_right_arithmetic3A_538 : i32 to vector<16xi32>
      %shift_right_arithmetic3A_540 = arith.shrsi %get3A_523, %shift_right_arithmetic3A_539 : vector<16xi32>
      %and3A_541 = arith.constant 65535 : i32
      %and3A_542 = vector.broadcast %and3A_541 : i32 to vector<16xi32>
      %and3A_543 = arith.andi %shift_right_arithmetic3A_540, %and3A_542 : vector<16xi32>
      %and3A_544 = arith.constant -65536 : i32
      %and3A_545 = vector.broadcast %and3A_544 : i32 to vector<16xi32>
      %and3A_546 = arith.andi %get3A_530, %and3A_545 : vector<16xi32>
      %or3A_547 = arith.ori %and3A_543, %and3A_546 : vector<16xi32>
      %mul3A_548 = arith.constant 2 : i32
      %mul3A_549 = vector.broadcast %mul3A_548 : i32 to vector<16xi32>
      %mul3A_550 = arith.muli %mul3A_549, %iota3A : vector<16xi32>
      %add3A_551 = arith.constant 32 : i32
      %add3A_552 = vector.broadcast %add3A_551 : i32 to vector<16xi32>
      %add3A_553 = arith.addi %mul3A_550, %add3A_552 : vector<16xi32>
      %broadcast_in_dim3A_554 = vector.broadcast %scan3A_473 : i32 to vector<16xi32>
      %scatter3A_555 = arith.constant 1 : i32
      %scatter3A_556 = arith.constant 0 : i32
      %scatter3A_557 = arith.constant 0 : i32
      %scatter3A_558 = tpu.memref_slice %arg7[%scatter3A_555, %scatter3A_556, %scatter3A_557] : memref<2x64x64xi32, #tpu.memory_space<vmem>> -> memref<1x64x64xi32, #tpu.memory_space<vmem>>
      %scatter3A_559 = tpu.memref_squeeze %scatter3A_558 : memref<1x64x64xi32, #tpu.memory_space<vmem>> -> memref<64x64xi32, #tpu.memory_space<vmem>>
      tpu.vector_store_idx %scatter3A_559[%broadcast_in_dim3A_554, %add3A_553], %or3A_537 : memref<64x64xi32, #tpu.memory_space<vmem>>[vector<16xi32>, vector<16xi32>], vector<16xi32>,
      %add3A_560 = arith.constant 1 : i32
      %add3A_561 = vector.broadcast %add3A_560 : i32 to vector<16xi32>
      %add3A_562 = arith.addi %add3A_553, %add3A_561 : vector<16xi32>
      %scatter3A_563 = arith.constant 1 : i32
      %scatter3A_564 = arith.constant 0 : i32
      %scatter3A_565 = arith.constant 0 : i32
      %scatter3A_566 = tpu.memref_slice %arg7[%scatter3A_563, %scatter3A_564, %scatter3A_565] : memref<2x64x64xi32, #tpu.memory_space<vmem>> -> memref<1x64x64xi32, #tpu.memory_space<vmem>>
      %scatter3A_567 = tpu.memref_squeeze %scatter3A_566 : memref<1x64x64xi32, #tpu.memory_space<vmem>> -> memref<64x64xi32, #tpu.memory_space<vmem>>
      tpu.vector_store_idx %scatter3A_567[%broadcast_in_dim3A_554, %add3A_562], %or3A_547 : memref<64x64xi32, #tpu.memory_space<vmem>>[vector<16xi32>, vector<16xi32>], vector<16xi32>,
      %scan3A_568 = arith.constant 1 : i32
      %scan3A_569 = arith.addi %scan3A_473, %scan3A_568 : i32
      %mul3A_570 = arith.constant 2 : i32
      %mul3A_571 = arith.muli %mul3A_570, %scan3A_569 : i32
      %get3A_572 = arith.constant 1 : i32
      %get3A_573 = arith.index_cast %get3A_572 : i32 to index
      %get3A_574 = arith.index_cast %mul3A_571 : i32 to index
      %get3A_575 = arith.constant 0 : index
      %get3A_576 = tpu.vector_load %arg6[%get3A_573, %get3A_574, %get3A_575] {strides = array<i32>} : memref<4x128x32xi32, #tpu.memory_space<vmem>>, vector<16xi32>,
      %add3A_577 = arith.constant 1 : i32
      %add3A_578 = arith.addi %mul3A_571, %add3A_577 : i32
      %get3A_579 = arith.constant 1 : i32
      %get3A_580 = arith.index_cast %get3A_579 : i32 to index
      %get3A_581 = arith.index_cast %add3A_578 : i32 to index
      %get3A_582 = arith.constant 0 : index
      %get3A_583 = tpu.vector_load %arg6[%get3A_580, %get3A_581, %get3A_582] {strides = array<i32>} : memref<4x128x32xi32, #tpu.memory_space<vmem>>, vector<16xi32>,
      %and3A_584 = arith.constant 65535 : i32
      %and3A_585 = vector.broadcast %and3A_584 : i32 to vector<16xi32>
      %and3A_586 = arith.andi %get3A_576, %and3A_585 : vector<16xi32>
      %shift_left3A_587 = arith.constant 16 : i32
      %shift_left3A_588 = vector.broadcast %shift_left3A_587 : i32 to vector<16xi32>
      %shift_left3A_589 = arith.shli %get3A_583, %shift_left3A_588 : vector<16xi32>
      %or3A_590 = arith.ori %and3A_586, %shift_left3A_589 : vector<16xi32>
      %shift_right_arithmetic3A_591 = arith.constant 16 : i32
      %shift_right_arithmetic3A_592 = vector.broadcast %shift_right_arithmetic3A_591 : i32 to vector<16xi32>
      %shift_right_arithmetic3A_593 = arith.shrsi %get3A_576, %shift_right_arithmetic3A_592 : vector<16xi32>
      %and3A_594 = arith.constant 65535 : i32
      %and3A_595 = vector.broadcast %and3A_594 : i32 to vector<16xi32>
      %and3A_596 = arith.andi %shift_right_arithmetic3A_593, %and3A_595 : vector<16xi32>
      %and3A_597 = arith.constant -65536 : i32
      %and3A_598 = vector.broadcast %and3A_597 : i32 to vector<16xi32>
      %and3A_599 = arith.andi %get3A_583, %and3A_598 : vector<16xi32>
      %or3A_600 = arith.ori %and3A_596, %and3A_599 : vector<16xi32>
      %mul3A_601 = arith.constant 2 : i32
      %mul3A_602 = vector.broadcast %mul3A_601 : i32 to vector<16xi32>
      %mul3A_603 = arith.muli %mul3A_602, %iota3A : vector<16xi32>
      %add3A_604 = arith.constant 0 : i32
      %add3A_605 = vector.broadcast %add3A_604 : i32 to vector<16xi32>
      %add3A_606 = arith.addi %mul3A_603, %add3A_605 : vector<16xi32>
      %broadcast_in_dim3A_607 = vector.broadcast %scan3A_569 : i32 to vector<16xi32>
      %scatter3A_608 = arith.constant 1 : i32
      %scatter3A_609 = arith.constant 0 : i32
      %scatter3A_610 = arith.constant 0 : i32
      %scatter3A_611 = tpu.memref_slice %arg7[%scatter3A_608, %scatter3A_609, %scatter3A_610] : memref<2x64x64xi32, #tpu.memory_space<vmem>> -> memref<1x64x64xi32, #tpu.memory_space<vmem>>
      %scatter3A_612 = tpu.memref_squeeze %scatter3A_611 : memref<1x64x64xi32, #tpu.memory_space<vmem>> -> memref<64x64xi32, #tpu.memory_space<vmem>>
      tpu.vector_store_idx %scatter3A_612[%broadcast_in_dim3A_607, %add3A_606], %or3A_590 : memref<64x64xi32, #tpu.memory_space<vmem>>[vector<16xi32>, vector<16xi32>], vector<16xi32>,
      %add3A_613 = arith.constant 1 : i32
      %add3A_614 = vector.broadcast %add3A_613 : i32 to vector<16xi32>
      %add3A_615 = arith.addi %add3A_606, %add3A_614 : vector<16xi32>
      %scatter3A_616 = arith.constant 1 : i32
      %scatter3A_617 = arith.constant 0 : i32
      %scatter3A_618 = arith.constant 0 : i32
      %scatter3A_619 = tpu.memref_slice %arg7[%scatter3A_616, %scatter3A_617, %scatter3A_618] : memref<2x64x64xi32, #tpu.memory_space<vmem>> -> memref<1x64x64xi32, #tpu.memory_space<vmem>>
      %scatter3A_620 = tpu.memref_squeeze %scatter3A_619 : memref<1x64x64xi32, #tpu.memory_space<vmem>> -> memref<64x64xi32, #tpu.memory_space<vmem>>
      tpu.vector_store_idx %scatter3A_620[%broadcast_in_dim3A_607, %add3A_615], %or3A_600 : memref<64x64xi32, #tpu.memory_space<vmem>>[vector<16xi32>, vector<16xi32>], vector<16xi32>,
      %get3A_621 = arith.constant 1 : i32
      %get3A_622 = arith.index_cast %get3A_621 : i32 to index
      %get3A_623 = arith.index_cast %mul3A_571 : i32 to index
      %get3A_624 = arith.constant 16 : index
      %get3A_625 = tpu.vector_load %arg6[%get3A_622, %get3A_623, %get3A_624] {strides = array<i32>} : memref<4x128x32xi32, #tpu.memory_space<vmem>>, vector<16xi32>,
      %add3A_626 = arith.constant 1 : i32
      %add3A_627 = arith.addi %mul3A_571, %add3A_626 : i32
      %get3A_628 = arith.constant 1 : i32
      %get3A_629 = arith.index_cast %get3A_628 : i32 to index
      %get3A_630 = arith.index_cast %add3A_627 : i32 to index
      %get3A_631 = arith.constant 16 : index
      %get3A_632 = tpu.vector_load %arg6[%get3A_629, %get3A_630, %get3A_631] {strides = array<i32>} : memref<4x128x32xi32, #tpu.memory_space<vmem>>, vector<16xi32>,
      %and3A_633 = arith.constant 65535 : i32
      %and3A_634 = vector.broadcast %and3A_633 : i32 to vector<16xi32>
      %and3A_635 = arith.andi %get3A_625, %and3A_634 : vector<16xi32>
      %shift_left3A_636 = arith.constant 16 : i32
      %shift_left3A_637 = vector.broadcast %shift_left3A_636 : i32 to vector<16xi32>
      %shift_left3A_638 = arith.shli %get3A_632, %shift_left3A_637 : vector<16xi32>
      %or3A_639 = arith.ori %and3A_635, %shift_left3A_638 : vector<16xi32>
      %shift_right_arithmetic3A_640 = arith.constant 16 : i32
      %shift_right_arithmetic3A_641 = vector.broadcast %shift_right_arithmetic3A_640 : i32 to vector<16xi32>
      %shift_right_arithmetic3A_642 = arith.shrsi %get3A_625, %shift_right_arithmetic3A_641 : vector<16xi32>
      %and3A_643 = arith.constant 65535 : i32
      %and3A_644 = vector.broadcast %and3A_643 : i32 to vector<16xi32>
      %and3A_645 = arith.andi %shift_right_arithmetic3A_642, %and3A_644 : vector<16xi32>
      %and3A_646 = arith.constant -65536 : i32
      %and3A_647 = vector.broadcast %and3A_646 : i32 to vector<16xi32>
      %and3A_648 = arith.andi %get3A_632, %and3A_647 : vector<16xi32>
      %or3A_649 = arith.ori %and3A_645, %and3A_648 : vector<16xi32>
      %mul3A_650 = arith.constant 2 : i32
      %mul3A_651 = vector.broadcast %mul3A_650 : i32 to vector<16xi32>
      %mul3A_652 = arith.muli %mul3A_651, %iota3A : vector<16xi32>
      %add3A_653 = arith.constant 32 : i32
      %add3A_654 = vector.broadcast %add3A_653 : i32 to vector<16xi32>
      %add3A_655 = arith.addi %mul3A_652, %add3A_654 : vector<16xi32>
      %broadcast_in_dim3A_656 = vector.broadcast %scan3A_569 : i32 to vector<16xi32>
      %scatter3A_657 = arith.constant 1 : i32
      %scatter3A_658 = arith.constant 0 : i32
      %scatter3A_659 = arith.constant 0 : i32
      %scatter3A_660 = tpu.memref_slice %arg7[%scatter3A_657, %scatter3A_658, %scatter3A_659] : memref<2x64x64xi32, #tpu.memory_space<vmem>> -> memref<1x64x64xi32, #tpu.memory_space<vmem>>
      %scatter3A_661 = tpu.memref_squeeze %scatter3A_660 : memref<1x64x64xi32, #tpu.memory_space<vmem>> -> memref<64x64xi32, #tpu.memory_space<vmem>>
      tpu.vector_store_idx %scatter3A_661[%broadcast_in_dim3A_656, %add3A_655], %or3A_639 : memref<64x64xi32, #tpu.memory_space<vmem>>[vector<16xi32>, vector<16xi32>], vector<16xi32>,
      %add3A_662 = arith.constant 1 : i32
      %add3A_663 = vector.broadcast %add3A_662 : i32 to vector<16xi32>
      %add3A_664 = arith.addi %add3A_655, %add3A_663 : vector<16xi32>
      %scatter3A_665 = arith.constant 1 : i32
      %scatter3A_666 = arith.constant 0 : i32
      %scatter3A_667 = arith.constant 0 : i32
      %scatter3A_668 = tpu.memref_slice %arg7[%scatter3A_665, %scatter3A_666, %scatter3A_667] : memref<2x64x64xi32, #tpu.memory_space<vmem>> -> memref<1x64x64xi32, #tpu.memory_space<vmem>>
      %scatter3A_669 = tpu.memref_squeeze %scatter3A_668 : memref<1x64x64xi32, #tpu.memory_space<vmem>> -> memref<64x64xi32, #tpu.memory_space<vmem>>
      tpu.vector_store_idx %scatter3A_669[%broadcast_in_dim3A_656, %add3A_664], %or3A_649 : memref<64x64xi32, #tpu.memory_space<vmem>>[vector<16xi32>, vector<16xi32>], vector<16xi32>,
    }
    %scan3A_119 = arith.constant 64 : i32
    %add3A_120 = arith.constant 128 : i32
    %add3A_121 = arith.addi %mul3A_2, %add3A_120 : i32
    %jit3A_122 = arith.constant 2 : i32
    %div3A_123 = arith.divsi %add3A_121, %jit3A_122 : i32
    %sign3A_124 = arith.constant 0 : i32
    %sign3A_125 = arith.cmpi sgt, %add3A_121, %sign3A_124 : i32
    %sign3A_126 = arith.extui %sign3A_125 : i1 to i32
    %sign3A_127 = arith.constant 0 : i32
    %sign3A_128 = arith.cmpi slt, %add3A_121, %sign3A_127 : i32
    %sign3A_129 = arith.extui %sign3A_128 : i1 to i32
    %sign3A_130 = arith.subi %sign3A_126, %sign3A_129 : i32
    %sign3A_131 = arith.constant 0 : i32
    %sign3A_132 = arith.cmpi sgt, %jit3A_122, %sign3A_131 : i32
    %sign3A_133 = arith.extui %sign3A_132 : i1 to i32
    %sign3A_134 = arith.constant 0 : i32
    %sign3A_135 = arith.cmpi slt, %jit3A_122, %sign3A_134 : i32
    %sign3A_136 = arith.extui %sign3A_135 : i1 to i32
    %sign3A_137 = arith.subi %sign3A_133, %sign3A_136 : i32
    %ne3A_138 = arith.cmpi ne, %sign3A_130, %sign3A_137 : i32
    %rem3A_139 = arith.remsi %add3A_121, %jit3A_122 : i32
    %ne3A_140 = arith.constant 0 : i32
    %ne3A_141 = arith.cmpi ne, %rem3A_139, %ne3A_140 : i32
    %and3A_142 = arith.andi %ne3A_138, %ne3A_141 : i1
    %sub3A_143 = arith.constant 1 : i32
    %sub3A_144 = arith.subi %div3A_123, %sub3A_143 : i32
    %select_n3A_145 = arith.select %and3A_142, %sub3A_144, %div3A_123 : i32
    %multiple_of3A_146 = tpu.assume_multiple %select_n3A_145, 64 : i32
    %dma_start3A_147 = arith.constant 1 : i32
    %dma_start3A_148 = arith.constant 0 : i32
    %dma_start3A_149 = arith.constant 0 : i32
    %dma_start3A_150 = tpu.memref_slice %arg7[%dma_start3A_147, %dma_start3A_148, %dma_start3A_149] : memref<2x64x64xi32, #tpu.memory_space<vmem>> -> memref<1x64x64xi32, #tpu.memory_space<vmem>>
    %dma_start3A_151 = tpu.memref_squeeze %dma_start3A_150 : memref<1x64x64xi32, #tpu.memory_space<vmem>> -> memref<64x64xi32, #tpu.memory_space<vmem>>
    %dma_start3A_152 = arith.constant 0 : i32
    %dma_start3A_153 = tpu.memref_slice %arg4[%multiple_of3A_146, %dma_start3A_152] : memref<409600x64xi32, #tpu.memory_space<hbm>> -> memref<64x64xi32, #tpu.memory_space<hbm>>
    %dma_start3A_154 = arith.constant 0 : i32
    %dma_start3A_155 = tpu.memref_slice %arg4[%multiple_of3A_146, %dma_start3A_154] : memref<409600x64xi32, #tpu.memory_space<hbm>> -> memref<64x64xi32, #tpu.memory_space<hbm>>
    %dma_start3A_156 = arith.constant 0 : i32
    %dma_start3A_157 = arith.constant 0 : i32
    %dma_start3A_158 = tpu.memref_slice %arg7[%dma_start3A_147, %dma_start3A_156, %dma_start3A_157] : memref<2x64x64xi32, #tpu.memory_space<vmem>> -> memref<1x64x64xi32, #tpu.memory_space<vmem>>
    %dma_start3A_159 = tpu.memref_squeeze %dma_start3A_158 : memref<1x64x64xi32, #tpu.memory_space<vmem>> -> memref<64x64xi32, #tpu.memory_space<vmem>>
    tpu.enqueue_dma source(%dma_start3A_159 : memref<64x64xi32, #tpu.memory_space<vmem>>) target(%dma_start3A_155 : memref<64x64xi32, #tpu.memory_space<hbm>>) target_semaphore(%arg13 : memref<!tpu.dma_semaphore, #tpu.memory_space<semaphore_mem>>)
    %multiple_of3A_160 = arith.constant 640 : i32
    %multiple_of3A_161 = tpu.assume_multiple %multiple_of3A_160, 128 : i32
    %dma_start3A_162 = arith.constant 1 : i32
    %dma_start3A_163 = arith.constant 0 : i32
    %dma_start3A_164 = arith.constant 0 : i32
    %dma_start3A_165 = tpu.memref_slice %arg6[%dma_start3A_162, %dma_start3A_163, %dma_start3A_164] : memref<4x128x32xi32, #tpu.memory_space<vmem>> -> memref<1x128x32xi32, #tpu.memory_space<vmem>>
    %dma_start3A_166 = tpu.memref_squeeze %dma_start3A_165 : memref<1x128x32xi32, #tpu.memory_space<vmem>> -> memref<128x32xi32, #tpu.memory_space<vmem>>
    %dma_start3A_167 = tpu.memref_slice %arg5[%multiple_of3A_161] : memref<25600xi32, #tpu.memory_space<vmem>> -> memref<128xi32, #tpu.memory_space<vmem>>
    %dma_start3A_168 = arith.constant 0 : i32
    %dma_start3A_169 = arith.constant 0 : i32
    %dma_start3A_170 = tpu.memref_slice %arg3[%dma_start3A_168, %dma_start3A_169] : memref<1000000x32xi32, #tpu.memory_space<hbm>> -> memref<1000000x32xi32, #tpu.memory_space<hbm>>
    tpu.enqueue_indirect_dma source(%dma_start3A_170 : memref<1000000x32xi32, #tpu.memory_space<hbm>>) target(%dma_start3A_166 : memref<128x32xi32, #tpu.memory_space<vmem>>) offsets(%dma_start3A_167 : memref<128xi32, #tpu.memory_space<vmem>>) semaphore(%arg9 : memref<!tpu.dma_semaphore, #tpu.memory_space<semaphore_mem>>)
    %multiple_of3A_171 = arith.constant 256 : i32
    %multiple_of3A_172 = tpu.assume_multiple %multiple_of3A_171, 128 : i32
    %dma_wait3A_173 = arith.constant 2 : i32
    %dma_wait3A_174 = arith.constant 0 : i32
    %dma_wait3A_175 = arith.constant 0 : i32
    %dma_wait3A_176 = tpu.memref_slice %arg6[%dma_wait3A_173, %dma_wait3A_174, %dma_wait3A_175] : memref<4x128x32xi32, #tpu.memory_space<vmem>> -> memref<1x128x32xi32, #tpu.memory_space<vmem>>
    %dma_wait3A_177 = tpu.memref_squeeze %dma_wait3A_176 : memref<1x128x32xi32, #tpu.memory_space<vmem>> -> memref<128x32xi32, #tpu.memory_space<vmem>>
    %dma_wait3A_178 = tpu.memref_slice %arg5[%multiple_of3A_172] : memref<25600xi32, #tpu.memory_space<vmem>> -> memref<128xi32, #tpu.memory_space<vmem>>
    %dma_wait3A_179 = arith.constant 0 : i32
    %dma_wait3A_180 = arith.constant 0 : i32
    %dma_wait3A_181 = tpu.memref_slice %arg3[%dma_wait3A_179, %dma_wait3A_180] : memref<1000000x32xi32, #tpu.memory_space<hbm>> -> memref<1000000x32xi32, #tpu.memory_space<hbm>>
    tpu.wait_indirect_dma semaphore(%arg10 : memref<!tpu.dma_semaphore, #tpu.memory_space<semaphore_mem>>) src(%dma_wait3A_181 : memref<1000000x32xi32, #tpu.memory_space<hbm>>) dst(%dma_wait3A_177 : memref<128x32xi32, #tpu.memory_space<vmem>>)
    %add3A_182 = arith.constant 0 : i32
    %add3A_183 = arith.addi %mul3A_2, %add3A_182 : i32
    %jit3A_184 = arith.constant 2 : i32
    %div3A_185 = arith.divsi %add3A_183, %jit3A_184 : i32
    %sign3A_186 = arith.constant 0 : i32
    %sign3A_187 = arith.cmpi sgt, %add3A_183, %sign3A_186 : i32
    %sign3A_188 = arith.extui %sign3A_187 : i1 to i32
    %sign3A_189 = arith.constant 0 : i32
    %sign3A_190 = arith.cmpi slt, %add3A_183, %sign3A_189 : i32
    %sign3A_191 = arith.extui %sign3A_190 : i1 to i32
    %sign3A_192 = arith.subi %sign3A_188, %sign3A_191 : i32
    %sign3A_193 = arith.constant 0 : i32
    %sign3A_194 = arith.cmpi sgt, %jit3A_184, %sign3A_193 : i32
    %sign3A_195 = arith.extui %sign3A_194 : i1 to i32
    %sign3A_196 = arith.constant 0 : i32
    %sign3A_197 = arith.cmpi slt, %jit3A_184, %sign3A_196 : i32
    %sign3A_198 = arith.extui %sign3A_197 : i1 to i32
    %sign3A_199 = arith.subi %sign3A_195, %sign3A_198 : i32
    %ne3A_200 = arith.cmpi ne, %sign3A_192, %sign3A_199 : i32
    %rem3A_201 = arith.remsi %add3A_183, %jit3A_184 : i32
    %ne3A_202 = arith.constant 0 : i32
    %ne3A_203 = arith.cmpi ne, %rem3A_201, %ne3A_202 : i32
    %and3A_204 = arith.andi %ne3A_200, %ne3A_203 : i1
    %sub3A_205 = arith.constant 1 : i32
    %sub3A_206 = arith.subi %div3A_185, %sub3A_205 : i32
    %select_n3A_207 = arith.select %and3A_204, %sub3A_206, %div3A_185 : i32
    %multiple_of3A_208 = tpu.assume_multiple %select_n3A_207, 64 : i32
    %dma_wait3A_209 = arith.constant 0 : i32
    %dma_wait3A_210 = arith.constant 0 : i32
    %dma_wait3A_211 = arith.constant 0 : i32
    %dma_wait3A_212 = tpu.memref_slice %arg7[%dma_wait3A_209, %dma_wait3A_210, %dma_wait3A_211] : memref<2x64x64xi32, #tpu.memory_space<vmem>> -> memref<1x64x64xi32, #tpu.memory_space<vmem>>
    %dma_wait3A_213 = tpu.memref_squeeze %dma_wait3A_212 : memref<1x64x64xi32, #tpu.memory_space<vmem>> -> memref<64x64xi32, #tpu.memory_space<vmem>>
    %dma_wait3A_214 = arith.constant 0 : i32
    %dma_wait3A_215 = tpu.memref_slice %arg4[%multiple_of3A_208, %dma_wait3A_214] : memref<409600x64xi32, #tpu.memory_space<hbm>> -> memref<64x64xi32, #tpu.memory_space<hbm>>
    %dma_wait3A_216 = arith.constant 0 : i32
    %dma_wait3A_217 = tpu.memref_slice %arg4[%multiple_of3A_208, %dma_wait3A_216] : memref<409600x64xi32, #tpu.memory_space<hbm>> -> memref<64x64xi32, #tpu.memory_space<hbm>>
    %dma_wait3A_218 = arith.constant 0 : i32
    %dma_wait3A_219 = arith.constant 0 : i32
    %dma_wait3A_220 = tpu.memref_slice %arg7[%dma_wait3A_209, %dma_wait3A_218, %dma_wait3A_219] : memref<2x64x64xi32, #tpu.memory_space<vmem>> -> memref<1x64x64xi32, #tpu.memory_space<vmem>>
    %dma_wait3A_221 = tpu.memref_squeeze %dma_wait3A_220 : memref<1x64x64xi32, #tpu.memory_space<vmem>> -> memref<64x64xi32, #tpu.memory_space<vmem>>
    tpu.wait_dma2 semaphore(%arg12 : memref<!tpu.dma_semaphore, #tpu.memory_space<semaphore_mem>>) src(%dma_wait3A_221 : memref<64x64xi32, #tpu.memory_space<vmem>>) dst(%dma_wait3A_217 : memref<64x64xi32, #tpu.memory_space<hbm>>)
    %scan3A_222 = arith.constant 0 : i32
    %scan3A_223 = arith.constant 0 : i32
    %scan3A_224 = arith.constant 64 : i32
    %scan3A_225 = arith.addi %scan3A_223, %scan3A_224 : i32
    %scan3A_226 = arith.constant 2 : i32
    scf.for %scan3A_473 = %scan3A_223 to %scan3A_225 step %scan3A_226  : i32 {
      %mul3A_474 = arith.constant 2 : i32
      %mul3A_475 = arith.muli %mul3A_474, %scan3A_473 : i32
      %get3A = arith.constant 2 : i32
      %get3A_476 = arith.index_cast %get3A : i32 to index
      %get3A_477 = arith.index_cast %mul3A_475 : i32 to index
      %get3A_478 = arith.constant 0 : index
      %get3A_479 = tpu.vector_load %arg6[%get3A_476, %get3A_477, %get3A_478] {strides = array<i32>} : memref<4x128x32xi32, #tpu.memory_space<vmem>>, vector<16xi32>,
      %add3A_480 = arith.constant 1 : i32
      %add3A_481 = arith.addi %mul3A_475, %add3A_480 : i32
      %get3A_482 = arith.constant 2 : i32
      %get3A_483 = arith.index_cast %get3A_482 : i32 to index
      %get3A_484 = arith.index_cast %add3A_481 : i32 to index
      %get3A_485 = arith.constant 0 : index
      %get3A_486 = tpu.vector_load %arg6[%get3A_483, %get3A_484, %get3A_485] {strides = array<i32>} : memref<4x128x32xi32, #tpu.memory_space<vmem>>, vector<16xi32>,
      %and3A_487 = arith.constant 65535 : i32
      %and3A_488 = vector.broadcast %and3A_487 : i32 to vector<16xi32>
      %and3A_489 = arith.andi %get3A_479, %and3A_488 : vector<16xi32>
      %shift_left3A = arith.constant 16 : i32
      %shift_left3A_490 = vector.broadcast %shift_left3A : i32 to vector<16xi32>
      %shift_left3A_491 = arith.shli %get3A_486, %shift_left3A_490 : vector<16xi32>
      %or3A = arith.ori %and3A_489, %shift_left3A_491 : vector<16xi32>
      %shift_right_arithmetic3A = arith.constant 16 : i32
      %shift_right_arithmetic3A_492 = vector.broadcast %shift_right_arithmetic3A : i32 to vector<16xi32>
      %shift_right_arithmetic3A_493 = arith.shrsi %get3A_479, %shift_right_arithmetic3A_492 : vector<16xi32>
      %and3A_494 = arith.constant 65535 : i32
      %and3A_495 = vector.broadcast %and3A_494 : i32 to vector<16xi32>
      %and3A_496 = arith.andi %shift_right_arithmetic3A_493, %and3A_495 : vector<16xi32>
      %and3A_497 = arith.constant -65536 : i32
      %and3A_498 = vector.broadcast %and3A_497 : i32 to vector<16xi32>
      %and3A_499 = arith.andi %get3A_486, %and3A_498 : vector<16xi32>
      %or3A_500 = arith.ori %and3A_496, %and3A_499 : vector<16xi32>
      %mul3A_501 = arith.constant 2 : i32
      %mul3A_502 = vector.broadcast %mul3A_501 : i32 to vector<16xi32>
      %mul3A_503 = arith.muli %mul3A_502, %iota3A : vector<16xi32>
      %add3A_504 = arith.constant 0 : i32
      %add3A_505 = vector.broadcast %add3A_504 : i32 to vector<16xi32>
      %add3A_506 = arith.addi %mul3A_503, %add3A_505 : vector<16xi32>
      %broadcast_in_dim3A = vector.broadcast %scan3A_473 : i32 to vector<16xi32>
      %scatter3A = arith.constant 0 : i32
      %scatter3A_507 = arith.constant 0 : i32
      %scatter3A_508 = arith.constant 0 : i32
      %scatter3A_509 = tpu.memref_slice %arg7[%scatter3A, %scatter3A_507, %scatter3A_508] : memref<2x64x64xi32, #tpu.memory_space<vmem>> -> memref<1x64x64xi32, #tpu.memory_space<vmem>>
      %scatter3A_510 = tpu.memref_squeeze %scatter3A_509 : memref<1x64x64xi32, #tpu.memory_space<vmem>> -> memref<64x64xi32, #tpu.memory_space<vmem>>
      tpu.vector_store_idx %scatter3A_510[%broadcast_in_dim3A, %add3A_506], %or3A : memref<64x64xi32, #tpu.memory_space<vmem>>[vector<16xi32>, vector<16xi32>], vector<16xi32>,
      %add3A_511 = arith.constant 1 : i32
      %add3A_512 = vector.broadcast %add3A_511 : i32 to vector<16xi32>
      %add3A_513 = arith.addi %add3A_506, %add3A_512 : vector<16xi32>
      %scatter3A_514 = arith.constant 0 : i32
      %scatter3A_515 = arith.constant 0 : i32
      %scatter3A_516 = arith.constant 0 : i32
      %scatter3A_517 = tpu.memref_slice %arg7[%scatter3A_514, %scatter3A_515, %scatter3A_516] : memref<2x64x64xi32, #tpu.memory_space<vmem>> -> memref<1x64x64xi32, #tpu.memory_space<vmem>>
      %scatter3A_518 = tpu.memref_squeeze %scatter3A_517 : memref<1x64x64xi32, #tpu.memory_space<vmem>> -> memref<64x64xi32, #tpu.memory_space<vmem>>
      tpu.vector_store_idx %scatter3A_518[%broadcast_in_dim3A, %add3A_513], %or3A_500 : memref<64x64xi32, #tpu.memory_space<vmem>>[vector<16xi32>, vector<16xi32>], vector<16xi32>,
      %get3A_519 = arith.constant 2 : i32
      %get3A_520 = arith.index_cast %get3A_519 : i32 to index
      %get3A_521 = arith.index_cast %mul3A_475 : i32 to index
      %get3A_522 = arith.constant 16 : index
      %get3A_523 = tpu.vector_load %arg6[%get3A_520, %get3A_521, %get3A_522] {strides = array<i32>} : memref<4x128x32xi32, #tpu.memory_space<vmem>>, vector<16xi32>,
      %add3A_524 = arith.constant 1 : i32
      %add3A_525 = arith.addi %mul3A_475, %add3A_524 : i32
      %get3A_526 = arith.constant 2 : i32
      %get3A_527 = arith.index_cast %get3A_526 : i32 to index
      %get3A_528 = arith.index_cast %add3A_525 : i32 to index
      %get3A_529 = arith.constant 16 : index
      %get3A_530 = tpu.vector_load %arg6[%get3A_527, %get3A_528, %get3A_529] {strides = array<i32>} : memref<4x128x32xi32, #tpu.memory_space<vmem>>, vector<16xi32>,
      %and3A_531 = arith.constant 65535 : i32
      %and3A_532 = vector.broadcast %and3A_531 : i32 to vector<16xi32>
      %and3A_533 = arith.andi %get3A_523, %and3A_532 : vector<16xi32>
      %shift_left3A_534 = arith.constant 16 : i32
      %shift_left3A_535 = vector.broadcast %shift_left3A_534 : i32 to vector<16xi32>
      %shift_left3A_536 = arith.shli %get3A_530, %shift_left3A_535 : vector<16xi32>
      %or3A_537 = arith.ori %and3A_533, %shift_left3A_536 : vector<16xi32>
      %shift_right_arithmetic3A_538 = arith.constant 16 : i32
      %shift_right_arithmetic3A_539 = vector.broadcast %shift_right_arithmetic3A_538 : i32 to vector<16xi32>
      %shift_right_arithmetic3A_540 = arith.shrsi %get3A_523, %shift_right_arithmetic3A_539 : vector<16xi32>
      %and3A_541 = arith.constant 65535 : i32
      %and3A_542 = vector.broadcast %and3A_541 : i32 to vector<16xi32>
      %and3A_543 = arith.andi %shift_right_arithmetic3A_540, %and3A_542 : vector<16xi32>
      %and3A_544 = arith.constant -65536 : i32
      %and3A_545 = vector.broadcast %and3A_544 : i32 to vector<16xi32>
      %and3A_546 = arith.andi %get3A_530, %and3A_545 : vector<16xi32>
      %or3A_547 = arith.ori %and3A_543, %and3A_546 : vector<16xi32>
      %mul3A_548 = arith.constant 2 : i32
      %mul3A_549 = vector.broadcast %mul3A_548 : i32 to vector<16xi32>
      %mul3A_550 = arith.muli %mul3A_549, %iota3A : vector<16xi32>
      %add3A_551 = arith.constant 32 : i32
      %add3A_552 = vector.broadcast %add3A_551 : i32 to vector<16xi32>
      %add3A_553 = arith.addi %mul3A_550, %add3A_552 : vector<16xi32>
      %broadcast_in_dim3A_554 = vector.broadcast %scan3A_473 : i32 to vector<16xi32>
      %scatter3A_555 = arith.constant 0 : i32
      %scatter3A_556 = arith.constant 0 : i32
      %scatter3A_557 = arith.constant 0 : i32
      %scatter3A_558 = tpu.memref_slice %arg7[%scatter3A_555, %scatter3A_556, %scatter3A_557] : memref<2x64x64xi32, #tpu.memory_space<vmem>> -> memref<1x64x64xi32, #tpu.memory_space<vmem>>
      %scatter3A_559 = tpu.memref_squeeze %scatter3A_558 : memref<1x64x64xi32, #tpu.memory_space<vmem>> -> memref<64x64xi32, #tpu.memory_space<vmem>>
      tpu.vector_store_idx %scatter3A_559[%broadcast_in_dim3A_554, %add3A_553], %or3A_537 : memref<64x64xi32, #tpu.memory_space<vmem>>[vector<16xi32>, vector<16xi32>], vector<16xi32>,
      %add3A_560 = arith.constant 1 : i32
      %add3A_561 = vector.broadcast %add3A_560 : i32 to vector<16xi32>
      %add3A_562 = arith.addi %add3A_553, %add3A_561 : vector<16xi32>
      %scatter3A_563 = arith.constant 0 : i32
      %scatter3A_564 = arith.constant 0 : i32
      %scatter3A_565 = arith.constant 0 : i32
      %scatter3A_566 = tpu.memref_slice %arg7[%scatter3A_563, %scatter3A_564, %scatter3A_565] : memref<2x64x64xi32, #tpu.memory_space<vmem>> -> memref<1x64x64xi32, #tpu.memory_space<vmem>>
      %scatter3A_567 = tpu.memref_squeeze %scatter3A_566 : memref<1x64x64xi32, #tpu.memory_space<vmem>> -> memref<64x64xi32, #tpu.memory_space<vmem>>
      tpu.vector_store_idx %scatter3A_567[%broadcast_in_dim3A_554, %add3A_562], %or3A_547 : memref<64x64xi32, #tpu.memory_space<vmem>>[vector<16xi32>, vector<16xi32>], vector<16xi32>,
      %scan3A_568 = arith.constant 1 : i32
      %scan3A_569 = arith.addi %scan3A_473, %scan3A_568 : i32
      %mul3A_570 = arith.constant 2 : i32
      %mul3A_571 = arith.muli %mul3A_570, %scan3A_569 : i32
      %get3A_572 = arith.constant 2 : i32
      %get3A_573 = arith.index_cast %get3A_572 : i32 to index
      %get3A_574 = arith.index_cast %mul3A_571 : i32 to index
      %get3A_575 = arith.constant 0 : index
      %get3A_576 = tpu.vector_load %arg6[%get3A_573, %get3A_574, %get3A_575] {strides = array<i32>} : memref<4x128x32xi32, #tpu.memory_space<vmem>>, vector<16xi32>,
      %add3A_577 = arith.constant 1 : i32
      %add3A_578 = arith.addi %mul3A_571, %add3A_577 : i32
      %get3A_579 = arith.constant 2 : i32
      %get3A_580 = arith.index_cast %get3A_579 : i32 to index
      %get3A_581 = arith.index_cast %add3A_578 : i32 to index
      %get3A_582 = arith.constant 0 : index
      %get3A_583 = tpu.vector_load %arg6[%get3A_580, %get3A_581, %get3A_582] {strides = array<i32>} : memref<4x128x32xi32, #tpu.memory_space<vmem>>, vector<16xi32>,
      %and3A_584 = arith.constant 65535 : i32
      %and3A_585 = vector.broadcast %and3A_584 : i32 to vector<16xi32>
      %and3A_586 = arith.andi %get3A_576, %and3A_585 : vector<16xi32>
      %shift_left3A_587 = arith.constant 16 : i32
      %shift_left3A_588 = vector.broadcast %shift_left3A_587 : i32 to vector<16xi32>
      %shift_left3A_589 = arith.shli %get3A_583, %shift_left3A_588 : vector<16xi32>
      %or3A_590 = arith.ori %and3A_586, %shift_left3A_589 : vector<16xi32>
      %shift_right_arithmetic3A_591 = arith.constant 16 : i32
      %shift_right_arithmetic3A_592 = vector.broadcast %shift_right_arithmetic3A_591 : i32 to vector<16xi32>
      %shift_right_arithmetic3A_593 = arith.shrsi %get3A_576, %shift_right_arithmetic3A_592 : vector<16xi32>
      %and3A_594 = arith.constant 65535 : i32
      %and3A_595 = vector.broadcast %and3A_594 : i32 to vector<16xi32>
      %and3A_596 = arith.andi %shift_right_arithmetic3A_593, %and3A_595 : vector<16xi32>
      %and3A_597 = arith.constant -65536 : i32
      %and3A_598 = vector.broadcast %and3A_597 : i32 to vector<16xi32>
      %and3A_599 = arith.andi %get3A_583, %and3A_598 : vector<16xi32>
      %or3A_600 = arith.ori %and3A_596, %and3A_599 : vector<16xi32>
      %mul3A_601 = arith.constant 2 : i32
      %mul3A_602 = vector.broadcast %mul3A_601 : i32 to vector<16xi32>
      %mul3A_603 = arith.muli %mul3A_602, %iota3A : vector<16xi32>
      %add3A_604 = arith.constant 0 : i32
      %add3A_605 = vector.broadcast %add3A_604 : i32 to vector<16xi32>
      %add3A_606 = arith.addi %mul3A_603, %add3A_605 : vector<16xi32>
      %broadcast_in_dim3A_607 = vector.broadcast %scan3A_569 : i32 to vector<16xi32>
      %scatter3A_608 = arith.constant 0 : i32
      %scatter3A_609 = arith.constant 0 : i32
      %scatter3A_610 = arith.constant 0 : i32
      %scatter3A_611 = tpu.memref_slice %arg7[%scatter3A_608, %scatter3A_609, %scatter3A_610] : memref<2x64x64xi32, #tpu.memory_space<vmem>> -> memref<1x64x64xi32, #tpu.memory_space<vmem>>
      %scatter3A_612 = tpu.memref_squeeze %scatter3A_611 : memref<1x64x64xi32, #tpu.memory_space<vmem>> -> memref<64x64xi32, #tpu.memory_space<vmem>>
      tpu.vector_store_idx %scatter3A_612[%broadcast_in_dim3A_607, %add3A_606], %or3A_590 : memref<64x64xi32, #tpu.memory_space<vmem>>[vector<16xi32>, vector<16xi32>], vector<16xi32>,
      %add3A_613 = arith.constant 1 : i32
      %add3A_614 = vector.broadcast %add3A_613 : i32 to vector<16xi32>
      %add3A_615 = arith.addi %add3A_606, %add3A_614 : vector<16xi32>
      %scatter3A_616 = arith.constant 0 : i32
      %scatter3A_617 = arith.constant 0 : i32
      %scatter3A_618 = arith.constant 0 : i32
      %scatter3A_619 = tpu.memref_slice %arg7[%scatter3A_616, %scatter3A_617, %scatter3A_618] : memref<2x64x64xi32, #tpu.memory_space<vmem>> -> memref<1x64x64xi32, #tpu.memory_space<vmem>>
      %scatter3A_620 = tpu.memref_squeeze %scatter3A_619 : memref<1x64x64xi32, #tpu.memory_space<vmem>> -> memref<64x64xi32, #tpu.memory_space<vmem>>
      tpu.vector_store_idx %scatter3A_620[%broadcast_in_dim3A_607, %add3A_615], %or3A_600 : memref<64x64xi32, #tpu.memory_space<vmem>>[vector<16xi32>, vector<16xi32>], vector<16xi32>,
      %get3A_621 = arith.constant 2 : i32
      %get3A_622 = arith.index_cast %get3A_621 : i32 to index
      %get3A_623 = arith.index_cast %mul3A_571 : i32 to index
      %get3A_624 = arith.constant 16 : index
      %get3A_625 = tpu.vector_load %arg6[%get3A_622, %get3A_623, %get3A_624] {strides = array<i32>} : memref<4x128x32xi32, #tpu.memory_space<vmem>>, vector<16xi32>,
      %add3A_626 = arith.constant 1 : i32
      %add3A_627 = arith.addi %mul3A_571, %add3A_626 : i32
      %get3A_628 = arith.constant 2 : i32
      %get3A_629 = arith.index_cast %get3A_628 : i32 to index
      %get3A_630 = arith.index_cast %add3A_627 : i32 to index
      %get3A_631 = arith.constant 16 : index
      %get3A_632 = tpu.vector_load %arg6[%get3A_629, %get3A_630, %get3A_631] {strides = array<i32>} : memref<4x128x32xi32, #tpu.memory_space<vmem>>, vector<16xi32>,
      %and3A_633 = arith.constant 65535 : i32
      %and3A_634 = vector.broadcast %and3A_633 : i32 to vector<16xi32>
      %and3A_635 = arith.andi %get3A_625, %and3A_634 : vector<16xi32>
      %shift_left3A_636 = arith.constant 16 : i32
      %shift_left3A_637 = vector.broadcast %shift_left3A_636 : i32 to vector<16xi32>
      %shift_left3A_638 = arith.shli %get3A_632, %shift_left3A_637 : vector<16xi32>
      %or3A_639 = arith.ori %and3A_635, %shift_left3A_638 : vector<16xi32>
      %shift_right_arithmetic3A_640 = arith.constant 16 : i32
      %shift_right_arithmetic3A_641 = vector.broadcast %shift_right_arithmetic3A_640 : i32 to vector<16xi32>
      %shift_right_arithmetic3A_642 = arith.shrsi %get3A_625, %shift_right_arithmetic3A_641 : vector<16xi32>
      %and3A_643 = arith.constant 65535 : i32
      %and3A_644 = vector.broadcast %and3A_643 : i32 to vector<16xi32>
      %and3A_645 = arith.andi %shift_right_arithmetic3A_642, %and3A_644 : vector<16xi32>
      %and3A_646 = arith.constant -65536 : i32
      %and3A_647 = vector.broadcast %and3A_646 : i32 to vector<16xi32>
      %and3A_648 = arith.andi %get3A_632, %and3A_647 : vector<16xi32>
      %or3A_649 = arith.ori %and3A_645, %and3A_648 : vector<16xi32>
      %mul3A_650 = arith.constant 2 : i32
      %mul3A_651 = vector.broadcast %mul3A_650 : i32 to vector<16xi32>
      %mul3A_652 = arith.muli %mul3A_651, %iota3A : vector<16xi32>
      %add3A_653 = arith.constant 32 : i32
      %add3A_654 = vector.broadcast %add3A_653 : i32 to vector<16xi32>
      %add3A_655 = arith.addi %mul3A_652, %add3A_654 : vector<16xi32>
      %broadcast_in_dim3A_656 = vector.broadcast %scan3A_569 : i32 to vector<16xi32>
      %scatter3A_657 = arith.constant 0 : i32
      %scatter3A_658 = arith.constant 0 : i32
      %scatter3A_659 = arith.constant 0 : i32
      %scatter3A_660 = tpu.memref_slice %arg7[%scatter3A_657, %scatter3A_658, %scatter3A_659] : memref<2x64x64xi32, #tpu.memory_space<vmem>> -> memref<1x64x64xi32, #tpu.memory_space<vmem>>
      %scatter3A_661 = tpu.memref_squeeze %scatter3A_660 : memref<1x64x64xi32, #tpu.memory_space<vmem>> -> memref<64x64xi32, #tpu.memory_space<vmem>>
      tpu.vector_store_idx %scatter3A_661[%broadcast_in_dim3A_656, %add3A_655], %or3A_639 : memref<64x64xi32, #tpu.memory_space<vmem>>[vector<16xi32>, vector<16xi32>], vector<16xi32>,
      %add3A_662 = arith.constant 1 : i32
      %add3A_663 = vector.broadcast %add3A_662 : i32 to vector<16xi32>
      %add3A_664 = arith.addi %add3A_655, %add3A_663 : vector<16xi32>
      %scatter3A_665 = arith.constant 0 : i32
      %scatter3A_666 = arith.constant 0 : i32
      %scatter3A_667 = arith.constant 0 : i32
      %scatter3A_668 = tpu.memref_slice %arg7[%scatter3A_665, %scatter3A_666, %scatter3A_667] : memref<2x64x64xi32, #tpu.memory_space<vmem>> -> memref<1x64x64xi32, #tpu.memory_space<vmem>>
      %scatter3A_669 = tpu.memref_squeeze %scatter3A_668 : memref<1x64x64xi32, #tpu.memory_space<vmem>> -> memref<64x64xi32, #tpu.memory_space<vmem>>
      tpu.vector_store_idx %scatter3A_669[%broadcast_in_dim3A_656, %add3A_664], %or3A_649 : memref<64x64xi32, #tpu.memory_space<vmem>>[vector<16xi32>, vector<16xi32>], vector<16xi32>,
    }
    %scan3A_227 = arith.constant 64 : i32
    %add3A_228 = arith.constant 256 : i32
    %add3A_229 = arith.addi %mul3A_2, %add3A_228 : i32
    %jit3A_230 = arith.constant 2 : i32
    %div3A_231 = arith.divsi %add3A_229, %jit3A_230 : i32
    %sign3A_232 = arith.constant 0 : i32
    %sign3A_233 = arith.cmpi sgt, %add3A_229, %sign3A_232 : i32
    %sign3A_234 = arith.extui %sign3A_233 : i1 to i32
    %sign3A_235 = arith.constant 0 : i32
    %sign3A_236 = arith.cmpi slt, %add3A_229, %sign3A_235 : i32
    %sign3A_237 = arith.extui %sign3A_236 : i1 to i32
    %sign3A_238 = arith.subi %sign3A_234, %sign3A_237 : i32
    %sign3A_239 = arith.constant 0 : i32
    %sign3A_240 = arith.cmpi sgt, %jit3A_230, %sign3A_239 : i32
    %sign3A_241 = arith.extui %sign3A_240 : i1 to i32
    %sign3A_242 = arith.constant 0 : i32
    %sign3A_243 = arith.cmpi slt, %jit3A_230, %sign3A_242 : i32
    %sign3A_244 = arith.extui %sign3A_243 : i1 to i32
    %sign3A_245 = arith.subi %sign3A_241, %sign3A_244 : i32
    %ne3A_246 = arith.cmpi ne, %sign3A_238, %sign3A_245 : i32
    %rem3A_247 = arith.remsi %add3A_229, %jit3A_230 : i32
    %ne3A_248 = arith.constant 0 : i32
    %ne3A_249 = arith.cmpi ne, %rem3A_247, %ne3A_248 : i32
    %and3A_250 = arith.andi %ne3A_246, %ne3A_249 : i1
    %sub3A_251 = arith.constant 1 : i32
    %sub3A_252 = arith.subi %div3A_231, %sub3A_251 : i32
    %select_n3A_253 = arith.select %and3A_250, %sub3A_252, %div3A_231 : i32
    %multiple_of3A_254 = tpu.assume_multiple %select_n3A_253, 64 : i32
    %dma_start3A_255 = arith.constant 0 : i32
    %dma_start3A_256 = arith.constant 0 : i32
    %dma_start3A_257 = arith.constant 0 : i32
    %dma_start3A_258 = tpu.memref_slice %arg7[%dma_start3A_255, %dma_start3A_256, %dma_start3A_257] : memref<2x64x64xi32, #tpu.memory_space<vmem>> -> memref<1x64x64xi32, #tpu.memory_space<vmem>>
    %dma_start3A_259 = tpu.memref_squeeze %dma_start3A_258 : memref<1x64x64xi32, #tpu.memory_space<vmem>> -> memref<64x64xi32, #tpu.memory_space<vmem>>
    %dma_start3A_260 = arith.constant 0 : i32
    %dma_start3A_261 = tpu.memref_slice %arg4[%multiple_of3A_254, %dma_start3A_260] : memref<409600x64xi32, #tpu.memory_space<hbm>> -> memref<64x64xi32, #tpu.memory_space<hbm>>
    %dma_start3A_262 = arith.constant 0 : i32
    %dma_start3A_263 = tpu.memref_slice %arg4[%multiple_of3A_254, %dma_start3A_262] : memref<409600x64xi32, #tpu.memory_space<hbm>> -> memref<64x64xi32, #tpu.memory_space<hbm>>
    %dma_start3A_264 = arith.constant 0 : i32
    %dma_start3A_265 = arith.constant 0 : i32
    %dma_start3A_266 = tpu.memref_slice %arg7[%dma_start3A_255, %dma_start3A_264, %dma_start3A_265] : memref<2x64x64xi32, #tpu.memory_space<vmem>> -> memref<1x64x64xi32, #tpu.memory_space<vmem>>
    %dma_start3A_267 = tpu.memref_squeeze %dma_start3A_266 : memref<1x64x64xi32, #tpu.memory_space<vmem>> -> memref<64x64xi32, #tpu.memory_space<vmem>>
    tpu.enqueue_dma source(%dma_start3A_267 : memref<64x64xi32, #tpu.memory_space<vmem>>) target(%dma_start3A_263 : memref<64x64xi32, #tpu.memory_space<hbm>>) target_semaphore(%arg12 : memref<!tpu.dma_semaphore, #tpu.memory_space<semaphore_mem>>)
    %multiple_of3A_268 = arith.constant 768 : i32
    %multiple_of3A_269 = tpu.assume_multiple %multiple_of3A_268, 128 : i32
    %dma_start3A_270 = arith.constant 2 : i32
    %dma_start3A_271 = arith.constant 0 : i32
    %dma_start3A_272 = arith.constant 0 : i32
    %dma_start3A_273 = tpu.memref_slice %arg6[%dma_start3A_270, %dma_start3A_271, %dma_start3A_272] : memref<4x128x32xi32, #tpu.memory_space<vmem>> -> memref<1x128x32xi32, #tpu.memory_space<vmem>>
    %dma_start3A_274 = tpu.memref_squeeze %dma_start3A_273 : memref<1x128x32xi32, #tpu.memory_space<vmem>> -> memref<128x32xi32, #tpu.memory_space<vmem>>
    %dma_start3A_275 = tpu.memref_slice %arg5[%multiple_of3A_269] : memref<25600xi32, #tpu.memory_space<vmem>> -> memref<128xi32, #tpu.memory_space<vmem>>
    %dma_start3A_276 = arith.constant 0 : i32
    %dma_start3A_277 = arith.constant 0 : i32
    %dma_start3A_278 = tpu.memref_slice %arg3[%dma_start3A_276, %dma_start3A_277] : memref<1000000x32xi32, #tpu.memory_space<hbm>> -> memref<1000000x32xi32, #tpu.memory_space<hbm>>
    tpu.enqueue_indirect_dma source(%dma_start3A_278 : memref<1000000x32xi32, #tpu.memory_space<hbm>>) target(%dma_start3A_274 : memref<128x32xi32, #tpu.memory_space<vmem>>) offsets(%dma_start3A_275 : memref<128xi32, #tpu.memory_space<vmem>>) semaphore(%arg10 : memref<!tpu.dma_semaphore, #tpu.memory_space<semaphore_mem>>)
    %multiple_of3A_279 = arith.constant 384 : i32
    %multiple_of3A_280 = tpu.assume_multiple %multiple_of3A_279, 128 : i32
    %dma_wait3A_281 = arith.constant 3 : i32
    %dma_wait3A_282 = arith.constant 0 : i32
    %dma_wait3A_283 = arith.constant 0 : i32
    %dma_wait3A_284 = tpu.memref_slice %arg6[%dma_wait3A_281, %dma_wait3A_282, %dma_wait3A_283] : memref<4x128x32xi32, #tpu.memory_space<vmem>> -> memref<1x128x32xi32, #tpu.memory_space<vmem>>
    %dma_wait3A_285 = tpu.memref_squeeze %dma_wait3A_284 : memref<1x128x32xi32, #tpu.memory_space<vmem>> -> memref<128x32xi32, #tpu.memory_space<vmem>>
    %dma_wait3A_286 = tpu.memref_slice %arg5[%multiple_of3A_280] : memref<25600xi32, #tpu.memory_space<vmem>> -> memref<128xi32, #tpu.memory_space<vmem>>
    %dma_wait3A_287 = arith.constant 0 : i32
    %dma_wait3A_288 = arith.constant 0 : i32
    %dma_wait3A_289 = tpu.memref_slice %arg3[%dma_wait3A_287, %dma_wait3A_288] : memref<1000000x32xi32, #tpu.memory_space<hbm>> -> memref<1000000x32xi32, #tpu.memory_space<hbm>>
    tpu.wait_indirect_dma semaphore(%arg11 : memref<!tpu.dma_semaphore, #tpu.memory_space<semaphore_mem>>) src(%dma_wait3A_289 : memref<1000000x32xi32, #tpu.memory_space<hbm>>) dst(%dma_wait3A_285 : memref<128x32xi32, #tpu.memory_space<vmem>>)
    %add3A_290 = arith.constant 128 : i32
    %add3A_291 = arith.addi %mul3A_2, %add3A_290 : i32
    %jit3A_292 = arith.constant 2 : i32
    %div3A_293 = arith.divsi %add3A_291, %jit3A_292 : i32
    %sign3A_294 = arith.constant 0 : i32
    %sign3A_295 = arith.cmpi sgt, %add3A_291, %sign3A_294 : i32
    %sign3A_296 = arith.extui %sign3A_295 : i1 to i32
    %sign3A_297 = arith.constant 0 : i32
    %sign3A_298 = arith.cmpi slt, %add3A_291, %sign3A_297 : i32
    %sign3A_299 = arith.extui %sign3A_298 : i1 to i32
    %sign3A_300 = arith.subi %sign3A_296, %sign3A_299 : i32
    %sign3A_301 = arith.constant 0 : i32
    %sign3A_302 = arith.cmpi sgt, %jit3A_292, %sign3A_301 : i32
    %sign3A_303 = arith.extui %sign3A_302 : i1 to i32
    %sign3A_304 = arith.constant 0 : i32
    %sign3A_305 = arith.cmpi slt, %jit3A_292, %sign3A_304 : i32
    %sign3A_306 = arith.extui %sign3A_305 : i1 to i32
    %sign3A_307 = arith.subi %sign3A_303, %sign3A_306 : i32
    %ne3A_308 = arith.cmpi ne, %sign3A_300, %sign3A_307 : i32
    %rem3A_309 = arith.remsi %add3A_291, %jit3A_292 : i32
    %ne3A_310 = arith.constant 0 : i32
    %ne3A_311 = arith.cmpi ne, %rem3A_309, %ne3A_310 : i32
    %and3A_312 = arith.andi %ne3A_308, %ne3A_311 : i1
    %sub3A_313 = arith.constant 1 : i32
    %sub3A_314 = arith.subi %div3A_293, %sub3A_313 : i32
    %select_n3A_315 = arith.select %and3A_312, %sub3A_314, %div3A_293 : i32
    %multiple_of3A_316 = tpu.assume_multiple %select_n3A_315, 64 : i32
    %dma_wait3A_317 = arith.constant 1 : i32
    %dma_wait3A_318 = arith.constant 0 : i32
    %dma_wait3A_319 = arith.constant 0 : i32
    %dma_wait3A_320 = tpu.memref_slice %arg7[%dma_wait3A_317, %dma_wait3A_318, %dma_wait3A_319] : memref<2x64x64xi32, #tpu.memory_space<vmem>> -> memref<1x64x64xi32, #tpu.memory_space<vmem>>
    %dma_wait3A_321 = tpu.memref_squeeze %dma_wait3A_320 : memref<1x64x64xi32, #tpu.memory_space<vmem>> -> memref<64x64xi32, #tpu.memory_space<vmem>>
    %dma_wait3A_322 = arith.constant 0 : i32
    %dma_wait3A_323 = tpu.memref_slice %arg4[%multiple_of3A_316, %dma_wait3A_322] : memref<409600x64xi32, #tpu.memory_space<hbm>> -> memref<64x64xi32, #tpu.memory_space<hbm>>
    %dma_wait3A_324 = arith.constant 0 : i32
    %dma_wait3A_325 = tpu.memref_slice %arg4[%multiple_of3A_316, %dma_wait3A_324] : memref<409600x64xi32, #tpu.memory_space<hbm>> -> memref<64x64xi32, #tpu.memory_space<hbm>>
    %dma_wait3A_326 = arith.constant 0 : i32
    %dma_wait3A_327 = arith.constant 0 : i32
    %dma_wait3A_328 = tpu.memref_slice %arg7[%dma_wait3A_317, %dma_wait3A_326, %dma_wait3A_327] : memref<2x64x64xi32, #tpu.memory_space<vmem>> -> memref<1x64x64xi32, #tpu.memory_space<vmem>>
    %dma_wait3A_329 = tpu.memref_squeeze %dma_wait3A_328 : memref<1x64x64xi32, #tpu.memory_space<vmem>> -> memref<64x64xi32, #tpu.memory_space<vmem>>
    tpu.wait_dma2 semaphore(%arg13 : memref<!tpu.dma_semaphore, #tpu.memory_space<semaphore_mem>>) src(%dma_wait3A_329 : memref<64x64xi32, #tpu.memory_space<vmem>>) dst(%dma_wait3A_325 : memref<64x64xi32, #tpu.memory_space<hbm>>)
    %scan3A_330 = arith.constant 0 : i32
    %scan3A_331 = arith.constant 0 : i32
    %scan3A_332 = arith.constant 64 : i32
    %scan3A_333 = arith.addi %scan3A_331, %scan3A_332 : i32
    %scan3A_334 = arith.constant 2 : i32
    scf.for %scan3A_473 = %scan3A_331 to %scan3A_333 step %scan3A_334  : i32 {
      %mul3A_474 = arith.constant 2 : i32
      %mul3A_475 = arith.muli %mul3A_474, %scan3A_473 : i32
      %get3A = arith.constant 3 : i32
      %get3A_476 = arith.index_cast %get3A : i32 to index
      %get3A_477 = arith.index_cast %mul3A_475 : i32 to index
      %get3A_478 = arith.constant 0 : index
      %get3A_479 = tpu.vector_load %arg6[%get3A_476, %get3A_477, %get3A_478] {strides = array<i32>} : memref<4x128x32xi32, #tpu.memory_space<vmem>>, vector<16xi32>,
      %add3A_480 = arith.constant 1 : i32
      %add3A_481 = arith.addi %mul3A_475, %add3A_480 : i32
      %get3A_482 = arith.constant 3 : i32
      %get3A_483 = arith.index_cast %get3A_482 : i32 to index
      %get3A_484 = arith.index_cast %add3A_481 : i32 to index
      %get3A_485 = arith.constant 0 : index
      %get3A_486 = tpu.vector_load %arg6[%get3A_483, %get3A_484, %get3A_485] {strides = array<i32>} : memref<4x128x32xi32, #tpu.memory_space<vmem>>, vector<16xi32>,
      %and3A_487 = arith.constant 65535 : i32
      %and3A_488 = vector.broadcast %and3A_487 : i32 to vector<16xi32>
      %and3A_489 = arith.andi %get3A_479, %and3A_488 : vector<16xi32>
      %shift_left3A = arith.constant 16 : i32
      %shift_left3A_490 = vector.broadcast %shift_left3A : i32 to vector<16xi32>
      %shift_left3A_491 = arith.shli %get3A_486, %shift_left3A_490 : vector<16xi32>
      %or3A = arith.ori %and3A_489, %shift_left3A_491 : vector<16xi32>
      %shift_right_arithmetic3A = arith.constant 16 : i32
      %shift_right_arithmetic3A_492 = vector.broadcast %shift_right_arithmetic3A : i32 to vector<16xi32>
      %shift_right_arithmetic3A_493 = arith.shrsi %get3A_479, %shift_right_arithmetic3A_492 : vector<16xi32>
      %and3A_494 = arith.constant 65535 : i32
      %and3A_495 = vector.broadcast %and3A_494 : i32 to vector<16xi32>
      %and3A_496 = arith.andi %shift_right_arithmetic3A_493, %and3A_495 : vector<16xi32>
      %and3A_497 = arith.constant -65536 : i32
      %and3A_498 = vector.broadcast %and3A_497 : i32 to vector<16xi32>
      %and3A_499 = arith.andi %get3A_486, %and3A_498 : vector<16xi32>
      %or3A_500 = arith.ori %and3A_496, %and3A_499 : vector<16xi32>
      %mul3A_501 = arith.constant 2 : i32
      %mul3A_502 = vector.broadcast %mul3A_501 : i32 to vector<16xi32>
      %mul3A_503 = arith.muli %mul3A_502, %iota3A : vector<16xi32>
      %add3A_504 = arith.constant 0 : i32
      %add3A_505 = vector.broadcast %add3A_504 : i32 to vector<16xi32>
      %add3A_506 = arith.addi %mul3A_503, %add3A_505 : vector<16xi32>
      %broadcast_in_dim3A = vector.broadcast %scan3A_473 : i32 to vector<16xi32>
      %scatter3A = arith.constant 1 : i32
      %scatter3A_507 = arith.constant 0 : i32
      %scatter3A_508 = arith.constant 0 : i32
      %scatter3A_509 = tpu.memref_slice %arg7[%scatter3A, %scatter3A_507, %scatter3A_508] : memref<2x64x64xi32, #tpu.memory_space<vmem>> -> memref<1x64x64xi32, #tpu.memory_space<vmem>>
      %scatter3A_510 = tpu.memref_squeeze %scatter3A_509 : memref<1x64x64xi32, #tpu.memory_space<vmem>> -> memref<64x64xi32, #tpu.memory_space<vmem>>
      tpu.vector_store_idx %scatter3A_510[%broadcast_in_dim3A, %add3A_506], %or3A : memref<64x64xi32, #tpu.memory_space<vmem>>[vector<16xi32>, vector<16xi32>], vector<16xi32>,
      %add3A_511 = arith.constant 1 : i32
      %add3A_512 = vector.broadcast %add3A_511 : i32 to vector<16xi32>
      %add3A_513 = arith.addi %add3A_506, %add3A_512 : vector<16xi32>
      %scatter3A_514 = arith.constant 1 : i32
      %scatter3A_515 = arith.constant 0 : i32
      %scatter3A_516 = arith.constant 0 : i32
      %scatter3A_517 = tpu.memref_slice %arg7[%scatter3A_514, %scatter3A_515, %scatter3A_516] : memref<2x64x64xi32, #tpu.memory_space<vmem>> -> memref<1x64x64xi32, #tpu.memory_space<vmem>>
      %scatter3A_518 = tpu.memref_squeeze %scatter3A_517 : memref<1x64x64xi32, #tpu.memory_space<vmem>> -> memref<64x64xi32, #tpu.memory_space<vmem>>
      tpu.vector_store_idx %scatter3A_518[%broadcast_in_dim3A, %add3A_513], %or3A_500 : memref<64x64xi32, #tpu.memory_space<vmem>>[vector<16xi32>, vector<16xi32>], vector<16xi32>,
      %get3A_519 = arith.constant 3 : i32
      %get3A_520 = arith.index_cast %get3A_519 : i32 to index
      %get3A_521 = arith.index_cast %mul3A_475 : i32 to index
      %get3A_522 = arith.constant 16 : index
      %get3A_523 = tpu.vector_load %arg6[%get3A_520, %get3A_521, %get3A_522] {strides = array<i32>} : memref<4x128x32xi32, #tpu.memory_space<vmem>>, vector<16xi32>,
      %add3A_524 = arith.constant 1 : i32
      %add3A_525 = arith.addi %mul3A_475, %add3A_524 : i32
      %get3A_526 = arith.constant 3 : i32
      %get3A_527 = arith.index_cast %get3A_526 : i32 to index
      %get3A_528 = arith.index_cast %add3A_525 : i32 to index
      %get3A_529 = arith.constant 16 : index
      %get3A_530 = tpu.vector_load %arg6[%get3A_527, %get3A_528, %get3A_529] {strides = array<i32>} : memref<4x128x32xi32, #tpu.memory_space<vmem>>, vector<16xi32>,
      %and3A_531 = arith.constant 65535 : i32
      %and3A_532 = vector.broadcast %and3A_531 : i32 to vector<16xi32>
      %and3A_533 = arith.andi %get3A_523, %and3A_532 : vector<16xi32>
      %shift_left3A_534 = arith.constant 16 : i32
      %shift_left3A_535 = vector.broadcast %shift_left3A_534 : i32 to vector<16xi32>
      %shift_left3A_536 = arith.shli %get3A_530, %shift_left3A_535 : vector<16xi32>
      %or3A_537 = arith.ori %and3A_533, %shift_left3A_536 : vector<16xi32>
      %shift_right_arithmetic3A_538 = arith.constant 16 : i32
      %shift_right_arithmetic3A_539 = vector.broadcast %shift_right_arithmetic3A_538 : i32 to vector<16xi32>
      %shift_right_arithmetic3A_540 = arith.shrsi %get3A_523, %shift_right_arithmetic3A_539 : vector<16xi32>
      %and3A_541 = arith.constant 65535 : i32
      %and3A_542 = vector.broadcast %and3A_541 : i32 to vector<16xi32>
      %and3A_543 = arith.andi %shift_right_arithmetic3A_540, %and3A_542 : vector<16xi32>
      %and3A_544 = arith.constant -65536 : i32
      %and3A_545 = vector.broadcast %and3A_544 : i32 to vector<16xi32>
      %and3A_546 = arith.andi %get3A_530, %and3A_545 : vector<16xi32>
      %or3A_547 = arith.ori %and3A_543, %and3A_546 : vector<16xi32>
      %mul3A_548 = arith.constant 2 : i32
      %mul3A_549 = vector.broadcast %mul3A_548 : i32 to vector<16xi32>
      %mul3A_550 = arith.muli %mul3A_549, %iota3A : vector<16xi32>
      %add3A_551 = arith.constant 32 : i32
      %add3A_552 = vector.broadcast %add3A_551 : i32 to vector<16xi32>
      %add3A_553 = arith.addi %mul3A_550, %add3A_552 : vector<16xi32>
      %broadcast_in_dim3A_554 = vector.broadcast %scan3A_473 : i32 to vector<16xi32>
      %scatter3A_555 = arith.constant 1 : i32
      %scatter3A_556 = arith.constant 0 : i32
      %scatter3A_557 = arith.constant 0 : i32
      %scatter3A_558 = tpu.memref_slice %arg7[%scatter3A_555, %scatter3A_556, %scatter3A_557] : memref<2x64x64xi32, #tpu.memory_space<vmem>> -> memref<1x64x64xi32, #tpu.memory_space<vmem>>
      %scatter3A_559 = tpu.memref_squeeze %scatter3A_558 : memref<1x64x64xi32, #tpu.memory_space<vmem>> -> memref<64x64xi32, #tpu.memory_space<vmem>>
      tpu.vector_store_idx %scatter3A_559[%broadcast_in_dim3A_554, %add3A_553], %or3A_537 : memref<64x64xi32, #tpu.memory_space<vmem>>[vector<16xi32>, vector<16xi32>], vector<16xi32>,
      %add3A_560 = arith.constant 1 : i32
      %add3A_561 = vector.broadcast %add3A_560 : i32 to vector<16xi32>
      %add3A_562 = arith.addi %add3A_553, %add3A_561 : vector<16xi32>
      %scatter3A_563 = arith.constant 1 : i32
      %scatter3A_564 = arith.constant 0 : i32
      %scatter3A_565 = arith.constant 0 : i32
      %scatter3A_566 = tpu.memref_slice %arg7[%scatter3A_563, %scatter3A_564, %scatter3A_565] : memref<2x64x64xi32, #tpu.memory_space<vmem>> -> memref<1x64x64xi32, #tpu.memory_space<vmem>>
      %scatter3A_567 = tpu.memref_squeeze %scatter3A_566 : memref<1x64x64xi32, #tpu.memory_space<vmem>> -> memref<64x64xi32, #tpu.memory_space<vmem>>
      tpu.vector_store_idx %scatter3A_567[%broadcast_in_dim3A_554, %add3A_562], %or3A_547 : memref<64x64xi32, #tpu.memory_space<vmem>>[vector<16xi32>, vector<16xi32>], vector<16xi32>,
      %scan3A_568 = arith.constant 1 : i32
      %scan3A_569 = arith.addi %scan3A_473, %scan3A_568 : i32
      %mul3A_570 = arith.constant 2 : i32
      %mul3A_571 = arith.muli %mul3A_570, %scan3A_569 : i32
      %get3A_572 = arith.constant 3 : i32
      %get3A_573 = arith.index_cast %get3A_572 : i32 to index
      %get3A_574 = arith.index_cast %mul3A_571 : i32 to index
      %get3A_575 = arith.constant 0 : index
      %get3A_576 = tpu.vector_load %arg6[%get3A_573, %get3A_574, %get3A_575] {strides = array<i32>} : memref<4x128x32xi32, #tpu.memory_space<vmem>>, vector<16xi32>,
      %add3A_577 = arith.constant 1 : i32
      %add3A_578 = arith.addi %mul3A_571, %add3A_577 : i32
      %get3A_579 = arith.constant 3 : i32
      %get3A_580 = arith.index_cast %get3A_579 : i32 to index
      %get3A_581 = arith.index_cast %add3A_578 : i32 to index
      %get3A_582 = arith.constant 0 : index
      %get3A_583 = tpu.vector_load %arg6[%get3A_580, %get3A_581, %get3A_582] {strides = array<i32>} : memref<4x128x32xi32, #tpu.memory_space<vmem>>, vector<16xi32>,
      %and3A_584 = arith.constant 65535 : i32
      %and3A_585 = vector.broadcast %and3A_584 : i32 to vector<16xi32>
      %and3A_586 = arith.andi %get3A_576, %and3A_585 : vector<16xi32>
      %shift_left3A_587 = arith.constant 16 : i32
      %shift_left3A_588 = vector.broadcast %shift_left3A_587 : i32 to vector<16xi32>
      %shift_left3A_589 = arith.shli %get3A_583, %shift_left3A_588 : vector<16xi32>
      %or3A_590 = arith.ori %and3A_586, %shift_left3A_589 : vector<16xi32>
      %shift_right_arithmetic3A_591 = arith.constant 16 : i32
      %shift_right_arithmetic3A_592 = vector.broadcast %shift_right_arithmetic3A_591 : i32 to vector<16xi32>
      %shift_right_arithmetic3A_593 = arith.shrsi %get3A_576, %shift_right_arithmetic3A_592 : vector<16xi32>
      %and3A_594 = arith.constant 65535 : i32
      %and3A_595 = vector.broadcast %and3A_594 : i32 to vector<16xi32>
      %and3A_596 = arith.andi %shift_right_arithmetic3A_593, %and3A_595 : vector<16xi32>
      %and3A_597 = arith.constant -65536 : i32
      %and3A_598 = vector.broadcast %and3A_597 : i32 to vector<16xi32>
      %and3A_599 = arith.andi %get3A_583, %and3A_598 : vector<16xi32>
      %or3A_600 = arith.ori %and3A_596, %and3A_599 : vector<16xi32>
      %mul3A_601 = arith.constant 2 : i32
      %mul3A_602 = vector.broadcast %mul3A_601 : i32 to vector<16xi32>
      %mul3A_603 = arith.muli %mul3A_602, %iota3A : vector<16xi32>
      %add3A_604 = arith.constant 0 : i32
      %add3A_605 = vector.broadcast %add3A_604 : i32 to vector<16xi32>
      %add3A_606 = arith.addi %mul3A_603, %add3A_605 : vector<16xi32>
      %broadcast_in_dim3A_607 = vector.broadcast %scan3A_569 : i32 to vector<16xi32>
      %scatter3A_608 = arith.constant 1 : i32
      %scatter3A_609 = arith.constant 0 : i32
      %scatter3A_610 = arith.constant 0 : i32
      %scatter3A_611 = tpu.memref_slice %arg7[%scatter3A_608, %scatter3A_609, %scatter3A_610] : memref<2x64x64xi32, #tpu.memory_space<vmem>> -> memref<1x64x64xi32, #tpu.memory_space<vmem>>
      %scatter3A_612 = tpu.memref_squeeze %scatter3A_611 : memref<1x64x64xi32, #tpu.memory_space<vmem>> -> memref<64x64xi32, #tpu.memory_space<vmem>>
      tpu.vector_store_idx %scatter3A_612[%broadcast_in_dim3A_607, %add3A_606], %or3A_590 : memref<64x64xi32, #tpu.memory_space<vmem>>[vector<16xi32>, vector<16xi32>], vector<16xi32>,
      %add3A_613 = arith.constant 1 : i32
      %add3A_614 = vector.broadcast %add3A_613 : i32 to vector<16xi32>
      %add3A_615 = arith.addi %add3A_606, %add3A_614 : vector<16xi32>
      %scatter3A_616 = arith.constant 1 : i32
      %scatter3A_617 = arith.constant 0 : i32
      %scatter3A_618 = arith.constant 0 : i32
      %scatter3A_619 = tpu.memref_slice %arg7[%scatter3A_616, %scatter3A_617, %scatter3A_618] : memref<2x64x64xi32, #tpu.memory_space<vmem>> -> memref<1x64x64xi32, #tpu.memory_space<vmem>>
      %scatter3A_620 = tpu.memref_squeeze %scatter3A_619 : memref<1x64x64xi32, #tpu.memory_space<vmem>> -> memref<64x64xi32, #tpu.memory_space<vmem>>
      tpu.vector_store_idx %scatter3A_620[%broadcast_in_dim3A_607, %add3A_615], %or3A_600 : memref<64x64xi32, #tpu.memory_space<vmem>>[vector<16xi32>, vector<16xi32>], vector<16xi32>,
      %get3A_621 = arith.constant 3 : i32
      %get3A_622 = arith.index_cast %get3A_621 : i32 to index
      %get3A_623 = arith.index_cast %mul3A_571 : i32 to index
      %get3A_624 = arith.constant 16 : index
      %get3A_625 = tpu.vector_load %arg6[%get3A_622, %get3A_623, %get3A_624] {strides = array<i32>} : memref<4x128x32xi32, #tpu.memory_space<vmem>>, vector<16xi32>,
      %add3A_626 = arith.constant 1 : i32
      %add3A_627 = arith.addi %mul3A_571, %add3A_626 : i32
      %get3A_628 = arith.constant 3 : i32
      %get3A_629 = arith.index_cast %get3A_628 : i32 to index
      %get3A_630 = arith.index_cast %add3A_627 : i32 to index
      %get3A_631 = arith.constant 16 : index
      %get3A_632 = tpu.vector_load %arg6[%get3A_629, %get3A_630, %get3A_631] {strides = array<i32>} : memref<4x128x32xi32, #tpu.memory_space<vmem>>, vector<16xi32>,
      %and3A_633 = arith.constant 65535 : i32
      %and3A_634 = vector.broadcast %and3A_633 : i32 to vector<16xi32>
      %and3A_635 = arith.andi %get3A_625, %and3A_634 : vector<16xi32>
      %shift_left3A_636 = arith.constant 16 : i32
      %shift_left3A_637 = vector.broadcast %shift_left3A_636 : i32 to vector<16xi32>
      %shift_left3A_638 = arith.shli %get3A_632, %shift_left3A_637 : vector<16xi32>
      %or3A_639 = arith.ori %and3A_635, %shift_left3A_638 : vector<16xi32>
      %shift_right_arithmetic3A_640 = arith.constant 16 : i32
      %shift_right_arithmetic3A_641 = vector.broadcast %shift_right_arithmetic3A_640 : i32 to vector<16xi32>
      %shift_right_arithmetic3A_642 = arith.shrsi %get3A_625, %shift_right_arithmetic3A_641 : vector<16xi32>
      %and3A_643 = arith.constant 65535 : i32
      %and3A_644 = vector.broadcast %and3A_643 : i32 to vector<16xi32>
      %and3A_645 = arith.andi %shift_right_arithmetic3A_642, %and3A_644 : vector<16xi32>
      %and3A_646 = arith.constant -65536 : i32
      %and3A_647 = vector.broadcast %and3A_646 : i32 to vector<16xi32>
      %and3A_648 = arith.andi %get3A_632, %and3A_647 : vector<16xi32>
      %or3A_649 = arith.ori %and3A_645, %and3A_648 : vector<16xi32>
      %mul3A_650 = arith.constant 2 : i32
      %mul3A_651 = vector.broadcast %mul3A_650 : i32 to vector<16xi32>
      %mul3A_652 = arith.muli %mul3A_651, %iota3A : vector<16xi32>
      %add3A_653 = arith.constant 32 : i32
      %add3A_654 = vector.broadcast %add3A_653 : i32 to vector<16xi32>
      %add3A_655 = arith.addi %mul3A_652, %add3A_654 : vector<16xi32>
      %broadcast_in_dim3A_656 = vector.broadcast %scan3A_569 : i32 to vector<16xi32>
      %scatter3A_657 = arith.constant 1 : i32
      %scatter3A_658 = arith.constant 0 : i32
      %scatter3A_659 = arith.constant 0 : i32
      %scatter3A_660 = tpu.memref_slice %arg7[%scatter3A_657, %scatter3A_658, %scatter3A_659] : memref<2x64x64xi32, #tpu.memory_space<vmem>> -> memref<1x64x64xi32, #tpu.memory_space<vmem>>
      %scatter3A_661 = tpu.memref_squeeze %scatter3A_660 : memref<1x64x64xi32, #tpu.memory_space<vmem>> -> memref<64x64xi32, #tpu.memory_space<vmem>>
      tpu.vector_store_idx %scatter3A_661[%broadcast_in_dim3A_656, %add3A_655], %or3A_639 : memref<64x64xi32, #tpu.memory_space<vmem>>[vector<16xi32>, vector<16xi32>], vector<16xi32>,
      %add3A_662 = arith.constant 1 : i32
      %add3A_663 = vector.broadcast %add3A_662 : i32 to vector<16xi32>
      %add3A_664 = arith.addi %add3A_655, %add3A_663 : vector<16xi32>
      %scatter3A_665 = arith.constant 1 : i32
      %scatter3A_666 = arith.constant 0 : i32
      %scatter3A_667 = arith.constant 0 : i32
      %scatter3A_668 = tpu.memref_slice %arg7[%scatter3A_665, %scatter3A_666, %scatter3A_667] : memref<2x64x64xi32, #tpu.memory_space<vmem>> -> memref<1x64x64xi32, #tpu.memory_space<vmem>>
      %scatter3A_669 = tpu.memref_squeeze %scatter3A_668 : memref<1x64x64xi32, #tpu.memory_space<vmem>> -> memref<64x64xi32, #tpu.memory_space<vmem>>
      tpu.vector_store_idx %scatter3A_669[%broadcast_in_dim3A_656, %add3A_664], %or3A_649 : memref<64x64xi32, #tpu.memory_space<vmem>>[vector<16xi32>, vector<16xi32>], vector<16xi32>,
    }
    %scan3A_335 = arith.constant 64 : i32
    %add3A_336 = arith.constant 384 : i32
    %add3A_337 = arith.addi %mul3A_2, %add3A_336 : i32
    %jit3A_338 = arith.constant 2 : i32
    %div3A_339 = arith.divsi %add3A_337, %jit3A_338 : i32
    %sign3A_340 = arith.constant 0 : i32
    %sign3A_341 = arith.cmpi sgt, %add3A_337, %sign3A_340 : i32
    %sign3A_342 = arith.extui %sign3A_341 : i1 to i32
    %sign3A_343 = arith.constant 0 : i32
    %sign3A_344 = arith.cmpi slt, %add3A_337, %sign3A_343 : i32
    %sign3A_345 = arith.extui %sign3A_344 : i1 to i32
    %sign3A_346 = arith.subi %sign3A_342, %sign3A_345 : i32
    %sign3A_347 = arith.constant 0 : i32
    %sign3A_348 = arith.cmpi sgt, %jit3A_338, %sign3A_347 : i32
    %sign3A_349 = arith.extui %sign3A_348 : i1 to i32
    %sign3A_350 = arith.constant 0 : i32
    %sign3A_351 = arith.cmpi slt, %jit3A_338, %sign3A_350 : i32
    %sign3A_352 = arith.extui %sign3A_351 : i1 to i32
    %sign3A_353 = arith.subi %sign3A_349, %sign3A_352 : i32
    %ne3A_354 = arith.cmpi ne, %sign3A_346, %sign3A_353 : i32
    %rem3A_355 = arith.remsi %add3A_337, %jit3A_338 : i32
    %ne3A_356 = arith.constant 0 : i32
    %ne3A_357 = arith.cmpi ne, %rem3A_355, %ne3A_356 : i32
    %and3A_358 = arith.andi %ne3A_354, %ne3A_357 : i1
    %sub3A_359 = arith.constant 1 : i32
    %sub3A_360 = arith.subi %div3A_339, %sub3A_359 : i32
    %select_n3A_361 = arith.select %and3A_358, %sub3A_360, %div3A_339 : i32
    %multiple_of3A_362 = tpu.assume_multiple %select_n3A_361, 64 : i32
    %dma_start3A_363 = arith.constant 1 : i32
    %dma_start3A_364 = arith.constant 0 : i32
    %dma_start3A_365 = arith.constant 0 : i32
    %dma_start3A_366 = tpu.memref_slice %arg7[%dma_start3A_363, %dma_start3A_364, %dma_start3A_365] : memref<2x64x64xi32, #tpu.memory_space<vmem>> -> memref<1x64x64xi32, #tpu.memory_space<vmem>>
    %dma_start3A_367 = tpu.memref_squeeze %dma_start3A_366 : memref<1x64x64xi32, #tpu.memory_space<vmem>> -> memref<64x64xi32, #tpu.memory_space<vmem>>
    %dma_start3A_368 = arith.constant 0 : i32
    %dma_start3A_369 = tpu.memref_slice %arg4[%multiple_of3A_362, %dma_start3A_368] : memref<409600x64xi32, #tpu.memory_space<hbm>> -> memref<64x64xi32, #tpu.memory_space<hbm>>
    %dma_start3A_370 = arith.constant 0 : i32
    %dma_start3A_371 = tpu.memref_slice %arg4[%multiple_of3A_362, %dma_start3A_370] : memref<409600x64xi32, #tpu.memory_space<hbm>> -> memref<64x64xi32, #tpu.memory_space<hbm>>
    %dma_start3A_372 = arith.constant 0 : i32
    %dma_start3A_373 = arith.constant 0 : i32
    %dma_start3A_374 = tpu.memref_slice %arg7[%dma_start3A_363, %dma_start3A_372, %dma_start3A_373] : memref<2x64x64xi32, #tpu.memory_space<vmem>> -> memref<1x64x64xi32, #tpu.memory_space<vmem>>
    %dma_start3A_375 = tpu.memref_squeeze %dma_start3A_374 : memref<1x64x64xi32, #tpu.memory_space<vmem>> -> memref<64x64xi32, #tpu.memory_space<vmem>>
    tpu.enqueue_dma source(%dma_start3A_375 : memref<64x64xi32, #tpu.memory_space<vmem>>) target(%dma_start3A_371 : memref<64x64xi32, #tpu.memory_space<hbm>>) target_semaphore(%arg13 : memref<!tpu.dma_semaphore, #tpu.memory_space<semaphore_mem>>)
    %multiple_of3A_376 = arith.constant 896 : i32
    %multiple_of3A_377 = tpu.assume_multiple %multiple_of3A_376, 128 : i32
    %dma_start3A_378 = arith.constant 3 : i32
    %dma_start3A_379 = arith.constant 0 : i32
    %dma_start3A_380 = arith.constant 0 : i32
    %dma_start3A_381 = tpu.memref_slice %arg6[%dma_start3A_378, %dma_start3A_379, %dma_start3A_380] : memref<4x128x32xi32, #tpu.memory_space<vmem>> -> memref<1x128x32xi32, #tpu.memory_space<vmem>>
    %dma_start3A_382 = tpu.memref_squeeze %dma_start3A_381 : memref<1x128x32xi32, #tpu.memory_space<vmem>> -> memref<128x32xi32, #tpu.memory_space<vmem>>
    %dma_start3A_383 = tpu.memref_slice %arg5[%multiple_of3A_377] : memref<25600xi32, #tpu.memory_space<vmem>> -> memref<128xi32, #tpu.memory_space<vmem>>
    %dma_start3A_384 = arith.constant 0 : i32
    %dma_start3A_385 = arith.constant 0 : i32
    %dma_start3A_386 = tpu.memref_slice %arg3[%dma_start3A_384, %dma_start3A_385] : memref<1000000x32xi32, #tpu.memory_space<hbm>> -> memref<1000000x32xi32, #tpu.memory_space<hbm>>
    tpu.enqueue_indirect_dma source(%dma_start3A_386 : memref<1000000x32xi32, #tpu.memory_space<hbm>>) target(%dma_start3A_382 : memref<128x32xi32, #tpu.memory_space<vmem>>) offsets(%dma_start3A_383 : memref<128xi32, #tpu.memory_space<vmem>>) semaphore(%arg11 : memref<!tpu.dma_semaphore, #tpu.memory_space<semaphore_mem>>)
    %scan3A_387 = arith.constant 0 : i32
    %scan3A_388 = arith.constant 1 : i32
    %scan3A_389 = arith.constant 49 : i32
    %scan3A_390 = arith.addi %scan3A_388, %scan3A_389 : i32
    %scan3A_391 = arith.constant 1 : i32
    scf.for %scan3A_473 = %scan3A_388 to %scan3A_390 step %scan3A_391  : i32 {
      %mul3A_474 = arith.constant 4 : i32
      %mul3A_475 = arith.muli %scan3A_473, %mul3A_474 : i32
      %add3A_476 = arith.constant 0 : i32
      %add3A_477 = arith.addi %mul3A_475, %add3A_476 : i32
      %mul3A_478 = arith.constant 128 : i32
      %mul3A_479 = arith.muli %add3A_477, %mul3A_478 : i32
      %multiple_of3A_480 = tpu.assume_multiple %mul3A_479, 128 : i32
      %dma_wait3A_481 = arith.constant 0 : i32
      %dma_wait3A_482 = arith.constant 0 : i32
      %dma_wait3A_483 = arith.constant 0 : i32
      %dma_wait3A_484 = tpu.memref_slice %arg6[%dma_wait3A_481, %dma_wait3A_482, %dma_wait3A_483] : memref<4x128x32xi32, #tpu.memory_space<vmem>> -> memref<1x128x32xi32, #tpu.memory_space<vmem>>
      %dma_wait3A_485 = tpu.memref_squeeze %dma_wait3A_484 : memref<1x128x32xi32, #tpu.memory_space<vmem>> -> memref<128x32xi32, #tpu.memory_space<vmem>>
      %dma_wait3A_486 = tpu.memref_slice %arg5[%multiple_of3A_480] : memref<25600xi32, #tpu.memory_space<vmem>> -> memref<128xi32, #tpu.memory_space<vmem>>
      %dma_wait3A_487 = arith.constant 0 : i32
      %dma_wait3A_488 = arith.constant 0 : i32
      %dma_wait3A_489 = tpu.memref_slice %arg3[%dma_wait3A_487, %dma_wait3A_488] : memref<1000000x32xi32, #tpu.memory_space<hbm>> -> memref<1000000x32xi32, #tpu.memory_space<hbm>>
      tpu.wait_indirect_dma semaphore(%arg8 : memref<!tpu.dma_semaphore, #tpu.memory_space<semaphore_mem>>) src(%dma_wait3A_489 : memref<1000000x32xi32, #tpu.memory_space<hbm>>) dst(%dma_wait3A_485 : memref<128x32xi32, #tpu.memory_space<vmem>>)
      %sub3A_490 = arith.constant 2 : i32
      %sub3A_491 = arith.subi %add3A_477, %sub3A_490 : i32
      %mul3A_492 = arith.constant 128 : i32
      %mul3A_493 = arith.muli %sub3A_491, %mul3A_492 : i32
      %add3A_494 = arith.addi %mul3A_2, %mul3A_493 : i32
      %jit3A_495 = arith.constant 2 : i32
      %div3A_496 = arith.divsi %add3A_494, %jit3A_495 : i32
      %sign3A_497 = arith.constant 0 : i32
      %sign3A_498 = arith.cmpi sgt, %add3A_494, %sign3A_497 : i32
      %sign3A_499 = arith.extui %sign3A_498 : i1 to i32
      %sign3A_500 = arith.constant 0 : i32
      %sign3A_501 = arith.cmpi slt, %add3A_494, %sign3A_500 : i32
      %sign3A_502 = arith.extui %sign3A_501 : i1 to i32
      %sign3A_503 = arith.subi %sign3A_499, %sign3A_502 : i32
      %sign3A_504 = arith.constant 0 : i32
      %sign3A_505 = arith.cmpi sgt, %jit3A_495, %sign3A_504 : i32
      %sign3A_506 = arith.extui %sign3A_505 : i1 to i32
      %sign3A_507 = arith.constant 0 : i32
      %sign3A_508 = arith.cmpi slt, %jit3A_495, %sign3A_507 : i32
      %sign3A_509 = arith.extui %sign3A_508 : i1 to i32
      %sign3A_510 = arith.subi %sign3A_506, %sign3A_509 : i32
      %ne3A_511 = arith.cmpi ne, %sign3A_503, %sign3A_510 : i32
      %rem3A_512 = arith.remsi %add3A_494, %jit3A_495 : i32
      %ne3A_513 = arith.constant 0 : i32
      %ne3A_514 = arith.cmpi ne, %rem3A_512, %ne3A_513 : i32
      %and3A_515 = arith.andi %ne3A_511, %ne3A_514 : i1
      %sub3A_516 = arith.constant 1 : i32
      %sub3A_517 = arith.subi %div3A_496, %sub3A_516 : i32
      %select_n3A_518 = arith.select %and3A_515, %sub3A_517, %div3A_496 : i32
      %multiple_of3A_519 = tpu.assume_multiple %select_n3A_518, 64 : i32
      %dma_wait3A_520 = arith.constant 0 : i32
      %dma_wait3A_521 = arith.constant 0 : i32
      %dma_wait3A_522 = arith.constant 0 : i32
      %dma_wait3A_523 = tpu.memref_slice %arg7[%dma_wait3A_520, %dma_wait3A_521, %dma_wait3A_522] : memref<2x64x64xi32, #tpu.memory_space<vmem>> -> memref<1x64x64xi32, #tpu.memory_space<vmem>>
      %dma_wait3A_524 = tpu.memref_squeeze %dma_wait3A_523 : memref<1x64x64xi32, #tpu.memory_space<vmem>> -> memref<64x64xi32, #tpu.memory_space<vmem>>
      %dma_wait3A_525 = arith.constant 0 : i32
      %dma_wait3A_526 = tpu.memref_slice %arg4[%multiple_of3A_519, %dma_wait3A_525] : memref<409600x64xi32, #tpu.memory_space<hbm>> -> memref<64x64xi32, #tpu.memory_space<hbm>>
      %dma_wait3A_527 = arith.constant 0 : i32
      %dma_wait3A_528 = tpu.memref_slice %arg4[%multiple_of3A_519, %dma_wait3A_527] : memref<409600x64xi32, #tpu.memory_space<hbm>> -> memref<64x64xi32, #tpu.memory_space<hbm>>
      %dma_wait3A_529 = arith.constant 0 : i32
      %dma_wait3A_530 = arith.constant 0 : i32
      %dma_wait3A_531 = tpu.memref_slice %arg7[%dma_wait3A_520, %dma_wait3A_529, %dma_wait3A_530] : memref<2x64x64xi32, #tpu.memory_space<vmem>> -> memref<1x64x64xi32, #tpu.memory_space<vmem>>
      %dma_wait3A_532 = tpu.memref_squeeze %dma_wait3A_531 : memref<1x64x64xi32, #tpu.memory_space<vmem>> -> memref<64x64xi32, #tpu.memory_space<vmem>>
      tpu.wait_dma2 semaphore(%arg12 : memref<!tpu.dma_semaphore, #tpu.memory_space<semaphore_mem>>) src(%dma_wait3A_532 : memref<64x64xi32, #tpu.memory_space<vmem>>) dst(%dma_wait3A_528 : memref<64x64xi32, #tpu.memory_space<hbm>>)
      %scan3A_533 = arith.constant 0 : i32
      %scan3A_534 = arith.constant 0 : i32
      %scan3A_535 = arith.constant 64 : i32
      %scan3A_536 = arith.addi %scan3A_534, %scan3A_535 : i32
      %scan3A_537 = arith.constant 2 : i32
      scf.for %scan3A_923 = %scan3A_534 to %scan3A_536 step %scan3A_537  : i32 {
        %mul3A_924 = arith.constant 2 : i32
        %mul3A_925 = arith.muli %mul3A_924, %scan3A_923 : i32
        %get3A = arith.constant 0 : i32
        %get3A_926 = arith.index_cast %get3A : i32 to index
        %get3A_927 = arith.index_cast %mul3A_925 : i32 to index
        %get3A_928 = arith.constant 0 : index
        %get3A_929 = tpu.vector_load %arg6[%get3A_926, %get3A_927, %get3A_928] {strides = array<i32>} : memref<4x128x32xi32, #tpu.memory_space<vmem>>, vector<16xi32>,
        %add3A_930 = arith.constant 1 : i32
        %add3A_931 = arith.addi %mul3A_925, %add3A_930 : i32
        %get3A_932 = arith.constant 0 : i32
        %get3A_933 = arith.index_cast %get3A_932 : i32 to index
        %get3A_934 = arith.index_cast %add3A_931 : i32 to index
        %get3A_935 = arith.constant 0 : index
        %get3A_936 = tpu.vector_load %arg6[%get3A_933, %get3A_934, %get3A_935] {strides = array<i32>} : memref<4x128x32xi32, #tpu.memory_space<vmem>>, vector<16xi32>,
        %and3A_937 = arith.constant 65535 : i32
        %and3A_938 = vector.broadcast %and3A_937 : i32 to vector<16xi32>
        %and3A_939 = arith.andi %get3A_929, %and3A_938 : vector<16xi32>
        %shift_left3A = arith.constant 16 : i32
        %shift_left3A_940 = vector.broadcast %shift_left3A : i32 to vector<16xi32>
        %shift_left3A_941 = arith.shli %get3A_936, %shift_left3A_940 : vector<16xi32>
        %or3A = arith.ori %and3A_939, %shift_left3A_941 : vector<16xi32>
        %shift_right_arithmetic3A = arith.constant 16 : i32
        %shift_right_arithmetic3A_942 = vector.broadcast %shift_right_arithmetic3A : i32 to vector<16xi32>
        %shift_right_arithmetic3A_943 = arith.shrsi %get3A_929, %shift_right_arithmetic3A_942 : vector<16xi32>
        %and3A_944 = arith.constant 65535 : i32
        %and3A_945 = vector.broadcast %and3A_944 : i32 to vector<16xi32>
        %and3A_946 = arith.andi %shift_right_arithmetic3A_943, %and3A_945 : vector<16xi32>
        %and3A_947 = arith.constant -65536 : i32
        %and3A_948 = vector.broadcast %and3A_947 : i32 to vector<16xi32>
        %and3A_949 = arith.andi %get3A_936, %and3A_948 : vector<16xi32>
        %or3A_950 = arith.ori %and3A_946, %and3A_949 : vector<16xi32>
        %mul3A_951 = arith.constant 2 : i32
        %mul3A_952 = vector.broadcast %mul3A_951 : i32 to vector<16xi32>
        %mul3A_953 = arith.muli %mul3A_952, %iota3A : vector<16xi32>
        %add3A_954 = arith.constant 0 : i32
        %add3A_955 = vector.broadcast %add3A_954 : i32 to vector<16xi32>
        %add3A_956 = arith.addi %mul3A_953, %add3A_955 : vector<16xi32>
        %broadcast_in_dim3A = vector.broadcast %scan3A_923 : i32 to vector<16xi32>
        %scatter3A = arith.constant 0 : i32
        %scatter3A_957 = arith.constant 0 : i32
        %scatter3A_958 = arith.constant 0 : i32
        %scatter3A_959 = tpu.memref_slice %arg7[%scatter3A, %scatter3A_957, %scatter3A_958] : memref<2x64x64xi32, #tpu.memory_space<vmem>> -> memref<1x64x64xi32, #tpu.memory_space<vmem>>
        %scatter3A_960 = tpu.memref_squeeze %scatter3A_959 : memref<1x64x64xi32, #tpu.memory_space<vmem>> -> memref<64x64xi32, #tpu.memory_space<vmem>>
        tpu.vector_store_idx %scatter3A_960[%broadcast_in_dim3A, %add3A_956], %or3A : memref<64x64xi32, #tpu.memory_space<vmem>>[vector<16xi32>, vector<16xi32>], vector<16xi32>,
        %add3A_961 = arith.constant 1 : i32
        %add3A_962 = vector.broadcast %add3A_961 : i32 to vector<16xi32>
        %add3A_963 = arith.addi %add3A_956, %add3A_962 : vector<16xi32>
        %scatter3A_964 = arith.constant 0 : i32
        %scatter3A_965 = arith.constant 0 : i32
        %scatter3A_966 = arith.constant 0 : i32
        %scatter3A_967 = tpu.memref_slice %arg7[%scatter3A_964, %scatter3A_965, %scatter3A_966] : memref<2x64x64xi32, #tpu.memory_space<vmem>> -> memref<1x64x64xi32, #tpu.memory_space<vmem>>
        %scatter3A_968 = tpu.memref_squeeze %scatter3A_967 : memref<1x64x64xi32, #tpu.memory_space<vmem>> -> memref<64x64xi32, #tpu.memory_space<vmem>>
        tpu.vector_store_idx %scatter3A_968[%broadcast_in_dim3A, %add3A_963], %or3A_950 : memref<64x64xi32, #tpu.memory_space<vmem>>[vector<16xi32>, vector<16xi32>], vector<16xi32>,
        %get3A_969 = arith.constant 0 : i32
        %get3A_970 = arith.index_cast %get3A_969 : i32 to index
        %get3A_971 = arith.index_cast %mul3A_925 : i32 to index
        %get3A_972 = arith.constant 16 : index
        %get3A_973 = tpu.vector_load %arg6[%get3A_970, %get3A_971, %get3A_972] {strides = array<i32>} : memref<4x128x32xi32, #tpu.memory_space<vmem>>, vector<16xi32>,
        %add3A_974 = arith.constant 1 : i32
        %add3A_975 = arith.addi %mul3A_925, %add3A_974 : i32
        %get3A_976 = arith.constant 0 : i32
        %get3A_977 = arith.index_cast %get3A_976 : i32 to index
        %get3A_978 = arith.index_cast %add3A_975 : i32 to index
        %get3A_979 = arith.constant 16 : index
        %get3A_980 = tpu.vector_load %arg6[%get3A_977, %get3A_978, %get3A_979] {strides = array<i32>} : memref<4x128x32xi32, #tpu.memory_space<vmem>>, vector<16xi32>,
        %and3A_981 = arith.constant 65535 : i32
        %and3A_982 = vector.broadcast %and3A_981 : i32 to vector<16xi32>
        %and3A_983 = arith.andi %get3A_973, %and3A_982 : vector<16xi32>
        %shift_left3A_984 = arith.constant 16 : i32
        %shift_left3A_985 = vector.broadcast %shift_left3A_984 : i32 to vector<16xi32>
        %shift_left3A_986 = arith.shli %get3A_980, %shift_left3A_985 : vector<16xi32>
        %or3A_987 = arith.ori %and3A_983, %shift_left3A_986 : vector<16xi32>
        %shift_right_arithmetic3A_988 = arith.constant 16 : i32
        %shift_right_arithmetic3A_989 = vector.broadcast %shift_right_arithmetic3A_988 : i32 to vector<16xi32>
        %shift_right_arithmetic3A_990 = arith.shrsi %get3A_973, %shift_right_arithmetic3A_989 : vector<16xi32>
        %and3A_991 = arith.constant 65535 : i32
        %and3A_992 = vector.broadcast %and3A_991 : i32 to vector<16xi32>
        %and3A_993 = arith.andi %shift_right_arithmetic3A_990, %and3A_992 : vector<16xi32>
        %and3A_994 = arith.constant -65536 : i32
        %and3A_995 = vector.broadcast %and3A_994 : i32 to vector<16xi32>
        %and3A_996 = arith.andi %get3A_980, %and3A_995 : vector<16xi32>
        %or3A_997 = arith.ori %and3A_993, %and3A_996 : vector<16xi32>
        %mul3A_998 = arith.constant 2 : i32
        %mul3A_999 = vector.broadcast %mul3A_998 : i32 to vector<16xi32>
        %mul3A_1000 = arith.muli %mul3A_999, %iota3A : vector<16xi32>
        %add3A_1001 = arith.constant 32 : i32
        %add3A_1002 = vector.broadcast %add3A_1001 : i32 to vector<16xi32>
        %add3A_1003 = arith.addi %mul3A_1000, %add3A_1002 : vector<16xi32>
        %broadcast_in_dim3A_1004 = vector.broadcast %scan3A_923 : i32 to vector<16xi32>
        %scatter3A_1005 = arith.constant 0 : i32
        %scatter3A_1006 = arith.constant 0 : i32
        %scatter3A_1007 = arith.constant 0 : i32
        %scatter3A_1008 = tpu.memref_slice %arg7[%scatter3A_1005, %scatter3A_1006, %scatter3A_1007] : memref<2x64x64xi32, #tpu.memory_space<vmem>> -> memref<1x64x64xi32, #tpu.memory_space<vmem>>
        %scatter3A_1009 = tpu.memref_squeeze %scatter3A_1008 : memref<1x64x64xi32, #tpu.memory_space<vmem>> -> memref<64x64xi32, #tpu.memory_space<vmem>>
        tpu.vector_store_idx %scatter3A_1009[%broadcast_in_dim3A_1004, %add3A_1003], %or3A_987 : memref<64x64xi32, #tpu.memory_space<vmem>>[vector<16xi32>, vector<16xi32>], vector<16xi32>,
        %add3A_1010 = arith.constant 1 : i32
        %add3A_1011 = vector.broadcast %add3A_1010 : i32 to vector<16xi32>
        %add3A_1012 = arith.addi %add3A_1003, %add3A_1011 : vector<16xi32>
        %scatter3A_1013 = arith.constant 0 : i32
        %scatter3A_1014 = arith.constant 0 : i32
        %scatter3A_1015 = arith.constant 0 : i32
        %scatter3A_1016 = tpu.memref_slice %arg7[%scatter3A_1013, %scatter3A_1014, %scatter3A_1015] : memref<2x64x64xi32, #tpu.memory_space<vmem>> -> memref<1x64x64xi32, #tpu.memory_space<vmem>>
        %scatter3A_1017 = tpu.memref_squeeze %scatter3A_1016 : memref<1x64x64xi32, #tpu.memory_space<vmem>> -> memref<64x64xi32, #tpu.memory_space<vmem>>
        tpu.vector_store_idx %scatter3A_1017[%broadcast_in_dim3A_1004, %add3A_1012], %or3A_997 : memref<64x64xi32, #tpu.memory_space<vmem>>[vector<16xi32>, vector<16xi32>], vector<16xi32>,
        %scan3A_1018 = arith.constant 1 : i32
        %scan3A_1019 = arith.addi %scan3A_923, %scan3A_1018 : i32
        %mul3A_1020 = arith.constant 2 : i32
        %mul3A_1021 = arith.muli %mul3A_1020, %scan3A_1019 : i32
        %get3A_1022 = arith.constant 0 : i32
        %get3A_1023 = arith.index_cast %get3A_1022 : i32 to index
        %get3A_1024 = arith.index_cast %mul3A_1021 : i32 to index
        %get3A_1025 = arith.constant 0 : index
        %get3A_1026 = tpu.vector_load %arg6[%get3A_1023, %get3A_1024, %get3A_1025] {strides = array<i32>} : memref<4x128x32xi32, #tpu.memory_space<vmem>>, vector<16xi32>,
        %add3A_1027 = arith.constant 1 : i32
        %add3A_1028 = arith.addi %mul3A_1021, %add3A_1027 : i32
        %get3A_1029 = arith.constant 0 : i32
        %get3A_1030 = arith.index_cast %get3A_1029 : i32 to index
        %get3A_1031 = arith.index_cast %add3A_1028 : i32 to index
        %get3A_1032 = arith.constant 0 : index
        %get3A_1033 = tpu.vector_load %arg6[%get3A_1030, %get3A_1031, %get3A_1032] {strides = array<i32>} : memref<4x128x32xi32, #tpu.memory_space<vmem>>, vector<16xi32>,
        %and3A_1034 = arith.constant 65535 : i32
        %and3A_1035 = vector.broadcast %and3A_1034 : i32 to vector<16xi32>
        %and3A_1036 = arith.andi %get3A_1026, %and3A_1035 : vector<16xi32>
        %shift_left3A_1037 = arith.constant 16 : i32
        %shift_left3A_1038 = vector.broadcast %shift_left3A_1037 : i32 to vector<16xi32>
        %shift_left3A_1039 = arith.shli %get3A_1033, %shift_left3A_1038 : vector<16xi32>
        %or3A_1040 = arith.ori %and3A_1036, %shift_left3A_1039 : vector<16xi32>
        %shift_right_arithmetic3A_1041 = arith.constant 16 : i32
        %shift_right_arithmetic3A_1042 = vector.broadcast %shift_right_arithmetic3A_1041 : i32 to vector<16xi32>
        %shift_right_arithmetic3A_1043 = arith.shrsi %get3A_1026, %shift_right_arithmetic3A_1042 : vector<16xi32>
        %and3A_1044 = arith.constant 65535 : i32
        %and3A_1045 = vector.broadcast %and3A_1044 : i32 to vector<16xi32>
        %and3A_1046 = arith.andi %shift_right_arithmetic3A_1043, %and3A_1045 : vector<16xi32>
        %and3A_1047 = arith.constant -65536 : i32
        %and3A_1048 = vector.broadcast %and3A_1047 : i32 to vector<16xi32>
        %and3A_1049 = arith.andi %get3A_1033, %and3A_1048 : vector<16xi32>
        %or3A_1050 = arith.ori %and3A_1046, %and3A_1049 : vector<16xi32>
        %mul3A_1051 = arith.constant 2 : i32
        %mul3A_1052 = vector.broadcast %mul3A_1051 : i32 to vector<16xi32>
        %mul3A_1053 = arith.muli %mul3A_1052, %iota3A : vector<16xi32>
        %add3A_1054 = arith.constant 0 : i32
        %add3A_1055 = vector.broadcast %add3A_1054 : i32 to vector<16xi32>
        %add3A_1056 = arith.addi %mul3A_1053, %add3A_1055 : vector<16xi32>
        %broadcast_in_dim3A_1057 = vector.broadcast %scan3A_1019 : i32 to vector<16xi32>
        %scatter3A_1058 = arith.constant 0 : i32
        %scatter3A_1059 = arith.constant 0 : i32
        %scatter3A_1060 = arith.constant 0 : i32
        %scatter3A_1061 = tpu.memref_slice %arg7[%scatter3A_1058, %scatter3A_1059, %scatter3A_1060] : memref<2x64x64xi32, #tpu.memory_space<vmem>> -> memref<1x64x64xi32, #tpu.memory_space<vmem>>
        %scatter3A_1062 = tpu.memref_squeeze %scatter3A_1061 : memref<1x64x64xi32, #tpu.memory_space<vmem>> -> memref<64x64xi32, #tpu.memory_space<vmem>>
        tpu.vector_store_idx %scatter3A_1062[%broadcast_in_dim3A_1057, %add3A_1056], %or3A_1040 : memref<64x64xi32, #tpu.memory_space<vmem>>[vector<16xi32>, vector<16xi32>], vector<16xi32>,
        %add3A_1063 = arith.constant 1 : i32
        %add3A_1064 = vector.broadcast %add3A_1063 : i32 to vector<16xi32>
        %add3A_1065 = arith.addi %add3A_1056, %add3A_1064 : vector<16xi32>
        %scatter3A_1066 = arith.constant 0 : i32
        %scatter3A_1067 = arith.constant 0 : i32
        %scatter3A_1068 = arith.constant 0 : i32
        %scatter3A_1069 = tpu.memref_slice %arg7[%scatter3A_1066, %scatter3A_1067, %scatter3A_1068] : memref<2x64x64xi32, #tpu.memory_space<vmem>> -> memref<1x64x64xi32, #tpu.memory_space<vmem>>
        %scatter3A_1070 = tpu.memref_squeeze %scatter3A_1069 : memref<1x64x64xi32, #tpu.memory_space<vmem>> -> memref<64x64xi32, #tpu.memory_space<vmem>>
        tpu.vector_store_idx %scatter3A_1070[%broadcast_in_dim3A_1057, %add3A_1065], %or3A_1050 : memref<64x64xi32, #tpu.memory_space<vmem>>[vector<16xi32>, vector<16xi32>], vector<16xi32>,
        %get3A_1071 = arith.constant 0 : i32
        %get3A_1072 = arith.index_cast %get3A_1071 : i32 to index
        %get3A_1073 = arith.index_cast %mul3A_1021 : i32 to index
        %get3A_1074 = arith.constant 16 : index
        %get3A_1075 = tpu.vector_load %arg6[%get3A_1072, %get3A_1073, %get3A_1074] {strides = array<i32>} : memref<4x128x32xi32, #tpu.memory_space<vmem>>, vector<16xi32>,
        %add3A_1076 = arith.constant 1 : i32
        %add3A_1077 = arith.addi %mul3A_1021, %add3A_1076 : i32
        %get3A_1078 = arith.constant 0 : i32
        %get3A_1079 = arith.index_cast %get3A_1078 : i32 to index
        %get3A_1080 = arith.index_cast %add3A_1077 : i32 to index
        %get3A_1081 = arith.constant 16 : index
        %get3A_1082 = tpu.vector_load %arg6[%get3A_1079, %get3A_1080, %get3A_1081] {strides = array<i32>} : memref<4x128x32xi32, #tpu.memory_space<vmem>>, vector<16xi32>,
        %and3A_1083 = arith.constant 65535 : i32
        %and3A_1084 = vector.broadcast %and3A_1083 : i32 to vector<16xi32>
        %and3A_1085 = arith.andi %get3A_1075, %and3A_1084 : vector<16xi32>
        %shift_left3A_1086 = arith.constant 16 : i32
        %shift_left3A_1087 = vector.broadcast %shift_left3A_1086 : i32 to vector<16xi32>
        %shift_left3A_1088 = arith.shli %get3A_1082, %shift_left3A_1087 : vector<16xi32>
        %or3A_1089 = arith.ori %and3A_1085, %shift_left3A_1088 : vector<16xi32>
        %shift_right_arithmetic3A_1090 = arith.constant 16 : i32
        %shift_right_arithmetic3A_1091 = vector.broadcast %shift_right_arithmetic3A_1090 : i32 to vector<16xi32>
        %shift_right_arithmetic3A_1092 = arith.shrsi %get3A_1075, %shift_right_arithmetic3A_1091 : vector<16xi32>
        %and3A_1093 = arith.constant 65535 : i32
        %and3A_1094 = vector.broadcast %and3A_1093 : i32 to vector<16xi32>
        %and3A_1095 = arith.andi %shift_right_arithmetic3A_1092, %and3A_1094 : vector<16xi32>
        %and3A_1096 = arith.constant -65536 : i32
        %and3A_1097 = vector.broadcast %and3A_1096 : i32 to vector<16xi32>
        %and3A_1098 = arith.andi %get3A_1082, %and3A_1097 : vector<16xi32>
        %or3A_1099 = arith.ori %and3A_1095, %and3A_1098 : vector<16xi32>
        %mul3A_1100 = arith.constant 2 : i32
        %mul3A_1101 = vector.broadcast %mul3A_1100 : i32 to vector<16xi32>
        %mul3A_1102 = arith.muli %mul3A_1101, %iota3A : vector<16xi32>
        %add3A_1103 = arith.constant 32 : i32
        %add3A_1104 = vector.broadcast %add3A_1103 : i32 to vector<16xi32>
        %add3A_1105 = arith.addi %mul3A_1102, %add3A_1104 : vector<16xi32>
        %broadcast_in_dim3A_1106 = vector.broadcast %scan3A_1019 : i32 to vector<16xi32>
        %scatter3A_1107 = arith.constant 0 : i32
        %scatter3A_1108 = arith.constant 0 : i32
        %scatter3A_1109 = arith.constant 0 : i32
        %scatter3A_1110 = tpu.memref_slice %arg7[%scatter3A_1107, %scatter3A_1108, %scatter3A_1109] : memref<2x64x64xi32, #tpu.memory_space<vmem>> -> memref<1x64x64xi32, #tpu.memory_space<vmem>>
        %scatter3A_1111 = tpu.memref_squeeze %scatter3A_1110 : memref<1x64x64xi32, #tpu.memory_space<vmem>> -> memref<64x64xi32, #tpu.memory_space<vmem>>
        tpu.vector_store_idx %scatter3A_1111[%broadcast_in_dim3A_1106, %add3A_1105], %or3A_1089 : memref<64x64xi32, #tpu.memory_space<vmem>>[vector<16xi32>, vector<16xi32>], vector<16xi32>,
        %add3A_1112 = arith.constant 1 : i32
        %add3A_1113 = vector.broadcast %add3A_1112 : i32 to vector<16xi32>
        %add3A_1114 = arith.addi %add3A_1105, %add3A_1113 : vector<16xi32>
        %scatter3A_1115 = arith.constant 0 : i32
        %scatter3A_1116 = arith.constant 0 : i32
        %scatter3A_1117 = arith.constant 0 : i32
        %scatter3A_1118 = tpu.memref_slice %arg7[%scatter3A_1115, %scatter3A_1116, %scatter3A_1117] : memref<2x64x64xi32, #tpu.memory_space<vmem>> -> memref<1x64x64xi32, #tpu.memory_space<vmem>>
        %scatter3A_1119 = tpu.memref_squeeze %scatter3A_1118 : memref<1x64x64xi32, #tpu.memory_space<vmem>> -> memref<64x64xi32, #tpu.memory_space<vmem>>
        tpu.vector_store_idx %scatter3A_1119[%broadcast_in_dim3A_1106, %add3A_1114], %or3A_1099 : memref<64x64xi32, #tpu.memory_space<vmem>>[vector<16xi32>, vector<16xi32>], vector<16xi32>,
      }
      %scan3A_538 = arith.constant 64 : i32
      %mul3A_539 = arith.constant 128 : i32
      %mul3A_540 = arith.muli %add3A_477, %mul3A_539 : i32
      %add3A_541 = arith.addi %mul3A_2, %mul3A_540 : i32
      %jit3A_542 = arith.constant 2 : i32
      %div3A_543 = arith.divsi %add3A_541, %jit3A_542 : i32
      %sign3A_544 = arith.constant 0 : i32
      %sign3A_545 = arith.cmpi sgt, %add3A_541, %sign3A_544 : i32
      %sign3A_546 = arith.extui %sign3A_545 : i1 to i32
      %sign3A_547 = arith.constant 0 : i32
      %sign3A_548 = arith.cmpi slt, %add3A_541, %sign3A_547 : i32
      %sign3A_549 = arith.extui %sign3A_548 : i1 to i32
      %sign3A_550 = arith.subi %sign3A_546, %sign3A_549 : i32
      %sign3A_551 = arith.constant 0 : i32
      %sign3A_552 = arith.cmpi sgt, %jit3A_542, %sign3A_551 : i32
      %sign3A_553 = arith.extui %sign3A_552 : i1 to i32
      %sign3A_554 = arith.constant 0 : i32
      %sign3A_555 = arith.cmpi slt, %jit3A_542, %sign3A_554 : i32
      %sign3A_556 = arith.extui %sign3A_555 : i1 to i32
      %sign3A_557 = arith.subi %sign3A_553, %sign3A_556 : i32
      %ne3A_558 = arith.cmpi ne, %sign3A_550, %sign3A_557 : i32
      %rem3A_559 = arith.remsi %add3A_541, %jit3A_542 : i32
      %ne3A_560 = arith.constant 0 : i32
      %ne3A_561 = arith.cmpi ne, %rem3A_559, %ne3A_560 : i32
      %and3A_562 = arith.andi %ne3A_558, %ne3A_561 : i1
      %sub3A_563 = arith.constant 1 : i32
      %sub3A_564 = arith.subi %div3A_543, %sub3A_563 : i32
      %select_n3A_565 = arith.select %and3A_562, %sub3A_564, %div3A_543 : i32
      %multiple_of3A_566 = tpu.assume_multiple %select_n3A_565, 64 : i32
      %dma_start3A_567 = arith.constant 0 : i32
      %dma_start3A_568 = arith.constant 0 : i32
      %dma_start3A_569 = arith.constant 0 : i32
      %dma_start3A_570 = tpu.memref_slice %arg7[%dma_start3A_567, %dma_start3A_568, %dma_start3A_569] : memref<2x64x64xi32, #tpu.memory_space<vmem>> -> memref<1x64x64xi32, #tpu.memory_space<vmem>>
      %dma_start3A_571 = tpu.memref_squeeze %dma_start3A_570 : memref<1x64x64xi32, #tpu.memory_space<vmem>> -> memref<64x64xi32, #tpu.memory_space<vmem>>
      %dma_start3A_572 = arith.constant 0 : i32
      %dma_start3A_573 = tpu.memref_slice %arg4[%multiple_of3A_566, %dma_start3A_572] : memref<409600x64xi32, #tpu.memory_space<hbm>> -> memref<64x64xi32, #tpu.memory_space<hbm>>
      %dma_start3A_574 = arith.constant 0 : i32
      %dma_start3A_575 = tpu.memref_slice %arg4[%multiple_of3A_566, %dma_start3A_574] : memref<409600x64xi32, #tpu.memory_space<hbm>> -> memref<64x64xi32, #tpu.memory_space<hbm>>
      %dma_start3A_576 = arith.constant 0 : i32
      %dma_start3A_577 = arith.constant 0 : i32
      %dma_start3A_578 = tpu.memref_slice %arg7[%dma_start3A_567, %dma_start3A_576, %dma_start3A_577] : memref<2x64x64xi32, #tpu.memory_space<vmem>> -> memref<1x64x64xi32, #tpu.memory_space<vmem>>
      %dma_start3A_579 = tpu.memref_squeeze %dma_start3A_578 : memref<1x64x64xi32, #tpu.memory_space<vmem>> -> memref<64x64xi32, #tpu.memory_space<vmem>>
      tpu.enqueue_dma source(%dma_start3A_579 : memref<64x64xi32, #tpu.memory_space<vmem>>) target(%dma_start3A_575 : memref<64x64xi32, #tpu.memory_space<hbm>>) target_semaphore(%arg12 : memref<!tpu.dma_semaphore, #tpu.memory_space<semaphore_mem>>)
      %add3A_580 = arith.constant 4 : i32
      %add3A_581 = arith.addi %add3A_477, %add3A_580 : i32
      %lt3A = arith.constant 200 : i32
      %lt3A_582 = arith.cmpi slt, %add3A_581, %lt3A : i32
      %convert_element_type3A = arith.extui %lt3A_582 : i1 to i32
      %cond3A = arith.constant 0 : i32
      %cond3A_583 = arith.cmpi ne, %convert_element_type3A, %cond3A : i32
      scf.if %cond3A_583 {
        %add3A_923 = arith.constant 4 : i32
        %add3A_924 = arith.addi %add3A_477, %add3A_923 : i32
        %mul3A_925 = arith.constant 128 : i32
        %mul3A_926 = arith.muli %add3A_924, %mul3A_925 : i32
        %multiple_of3A_927 = tpu.assume_multiple %mul3A_926, 128 : i32
        %dma_start3A_928 = arith.constant 0 : i32
        %dma_start3A_929 = arith.constant 0 : i32
        %dma_start3A_930 = arith.constant 0 : i32
        %dma_start3A_931 = tpu.memref_slice %arg6[%dma_start3A_928, %dma_start3A_929, %dma_start3A_930] : memref<4x128x32xi32, #tpu.memory_space<vmem>> -> memref<1x128x32xi32, #tpu.memory_space<vmem>>
        %dma_start3A_932 = tpu.memref_squeeze %dma_start3A_931 : memref<1x128x32xi32, #tpu.memory_space<vmem>> -> memref<128x32xi32, #tpu.memory_space<vmem>>
        %dma_start3A_933 = tpu.memref_slice %arg5[%multiple_of3A_927] : memref<25600xi32, #tpu.memory_space<vmem>> -> memref<128xi32, #tpu.memory_space<vmem>>
        %dma_start3A_934 = arith.constant 0 : i32
        %dma_start3A_935 = arith.constant 0 : i32
        %dma_start3A_936 = tpu.memref_slice %arg3[%dma_start3A_934, %dma_start3A_935] : memref<1000000x32xi32, #tpu.memory_space<hbm>> -> memref<1000000x32xi32, #tpu.memory_space<hbm>>
        tpu.enqueue_indirect_dma source(%dma_start3A_936 : memref<1000000x32xi32, #tpu.memory_space<hbm>>) target(%dma_start3A_932 : memref<128x32xi32, #tpu.memory_space<vmem>>) offsets(%dma_start3A_933 : memref<128xi32, #tpu.memory_space<vmem>>) semaphore(%arg8 : memref<!tpu.dma_semaphore, #tpu.memory_space<semaphore_mem>>)
      } else {
      }
      %mul3A_584 = arith.constant 4 : i32
      %mul3A_585 = arith.muli %scan3A_473, %mul3A_584 : i32
      %add3A_586 = arith.constant 1 : i32
      %add3A_587 = arith.addi %mul3A_585, %add3A_586 : i32
      %mul3A_588 = arith.constant 128 : i32
      %mul3A_589 = arith.muli %add3A_587, %mul3A_588 : i32
      %multiple_of3A_590 = tpu.assume_multiple %mul3A_589, 128 : i32
      %dma_wait3A_591 = arith.constant 1 : i32
      %dma_wait3A_592 = arith.constant 0 : i32
      %dma_wait3A_593 = arith.constant 0 : i32
      %dma_wait3A_594 = tpu.memref_slice %arg6[%dma_wait3A_591, %dma_wait3A_592, %dma_wait3A_593] : memref<4x128x32xi32, #tpu.memory_space<vmem>> -> memref<1x128x32xi32, #tpu.memory_space<vmem>>
      %dma_wait3A_595 = tpu.memref_squeeze %dma_wait3A_594 : memref<1x128x32xi32, #tpu.memory_space<vmem>> -> memref<128x32xi32, #tpu.memory_space<vmem>>
      %dma_wait3A_596 = tpu.memref_slice %arg5[%multiple_of3A_590] : memref<25600xi32, #tpu.memory_space<vmem>> -> memref<128xi32, #tpu.memory_space<vmem>>
      %dma_wait3A_597 = arith.constant 0 : i32
      %dma_wait3A_598 = arith.constant 0 : i32
      %dma_wait3A_599 = tpu.memref_slice %arg3[%dma_wait3A_597, %dma_wait3A_598] : memref<1000000x32xi32, #tpu.memory_space<hbm>> -> memref<1000000x32xi32, #tpu.memory_space<hbm>>
      tpu.wait_indirect_dma semaphore(%arg9 : memref<!tpu.dma_semaphore, #tpu.memory_space<semaphore_mem>>) src(%dma_wait3A_599 : memref<1000000x32xi32, #tpu.memory_space<hbm>>) dst(%dma_wait3A_595 : memref<128x32xi32, #tpu.memory_space<vmem>>)
      %sub3A_600 = arith.constant 2 : i32
      %sub3A_601 = arith.subi %add3A_587, %sub3A_600 : i32
      %mul3A_602 = arith.constant 128 : i32
      %mul3A_603 = arith.muli %sub3A_601, %mul3A_602 : i32
      %add3A_604 = arith.addi %mul3A_2, %mul3A_603 : i32
      %jit3A_605 = arith.constant 2 : i32
      %div3A_606 = arith.divsi %add3A_604, %jit3A_605 : i32
      %sign3A_607 = arith.constant 0 : i32
      %sign3A_608 = arith.cmpi sgt, %add3A_604, %sign3A_607 : i32
      %sign3A_609 = arith.extui %sign3A_608 : i1 to i32
      %sign3A_610 = arith.constant 0 : i32
      %sign3A_611 = arith.cmpi slt, %add3A_604, %sign3A_610 : i32
      %sign3A_612 = arith.extui %sign3A_611 : i1 to i32
      %sign3A_613 = arith.subi %sign3A_609, %sign3A_612 : i32
      %sign3A_614 = arith.constant 0 : i32
      %sign3A_615 = arith.cmpi sgt, %jit3A_605, %sign3A_614 : i32
      %sign3A_616 = arith.extui %sign3A_615 : i1 to i32
      %sign3A_617 = arith.constant 0 : i32
      %sign3A_618 = arith.cmpi slt, %jit3A_605, %sign3A_617 : i32
      %sign3A_619 = arith.extui %sign3A_618 : i1 to i32
      %sign3A_620 = arith.subi %sign3A_616, %sign3A_619 : i32
      %ne3A_621 = arith.cmpi ne, %sign3A_613, %sign3A_620 : i32
      %rem3A_622 = arith.remsi %add3A_604, %jit3A_605 : i32
      %ne3A_623 = arith.constant 0 : i32
      %ne3A_624 = arith.cmpi ne, %rem3A_622, %ne3A_623 : i32
      %and3A_625 = arith.andi %ne3A_621, %ne3A_624 : i1
      %sub3A_626 = arith.constant 1 : i32
      %sub3A_627 = arith.subi %div3A_606, %sub3A_626 : i32
      %select_n3A_628 = arith.select %and3A_625, %sub3A_627, %div3A_606 : i32
      %multiple_of3A_629 = tpu.assume_multiple %select_n3A_628, 64 : i32
      %dma_wait3A_630 = arith.constant 1 : i32
      %dma_wait3A_631 = arith.constant 0 : i32
      %dma_wait3A_632 = arith.constant 0 : i32
      %dma_wait3A_633 = tpu.memref_slice %arg7[%dma_wait3A_630, %dma_wait3A_631, %dma_wait3A_632] : memref<2x64x64xi32, #tpu.memory_space<vmem>> -> memref<1x64x64xi32, #tpu.memory_space<vmem>>
      %dma_wait3A_634 = tpu.memref_squeeze %dma_wait3A_633 : memref<1x64x64xi32, #tpu.memory_space<vmem>> -> memref<64x64xi32, #tpu.memory_space<vmem>>
      %dma_wait3A_635 = arith.constant 0 : i32
      %dma_wait3A_636 = tpu.memref_slice %arg4[%multiple_of3A_629, %dma_wait3A_635] : memref<409600x64xi32, #tpu.memory_space<hbm>> -> memref<64x64xi32, #tpu.memory_space<hbm>>
      %dma_wait3A_637 = arith.constant 0 : i32
      %dma_wait3A_638 = tpu.memref_slice %arg4[%multiple_of3A_629, %dma_wait3A_637] : memref<409600x64xi32, #tpu.memory_space<hbm>> -> memref<64x64xi32, #tpu.memory_space<hbm>>
      %dma_wait3A_639 = arith.constant 0 : i32
      %dma_wait3A_640 = arith.constant 0 : i32
      %dma_wait3A_641 = tpu.memref_slice %arg7[%dma_wait3A_630, %dma_wait3A_639, %dma_wait3A_640] : memref<2x64x64xi32, #tpu.memory_space<vmem>> -> memref<1x64x64xi32, #tpu.memory_space<vmem>>
      %dma_wait3A_642 = tpu.memref_squeeze %dma_wait3A_641 : memref<1x64x64xi32, #tpu.memory_space<vmem>> -> memref<64x64xi32, #tpu.memory_space<vmem>>
      tpu.wait_dma2 semaphore(%arg13 : memref<!tpu.dma_semaphore, #tpu.memory_space<semaphore_mem>>) src(%dma_wait3A_642 : memref<64x64xi32, #tpu.memory_space<vmem>>) dst(%dma_wait3A_638 : memref<64x64xi32, #tpu.memory_space<hbm>>)
      %scan3A_643 = arith.constant 0 : i32
      %scan3A_644 = arith.constant 0 : i32
      %scan3A_645 = arith.constant 64 : i32
      %scan3A_646 = arith.addi %scan3A_644, %scan3A_645 : i32
      %scan3A_647 = arith.constant 2 : i32
      scf.for %scan3A_923 = %scan3A_644 to %scan3A_646 step %scan3A_647  : i32 {
        %mul3A_924 = arith.constant 2 : i32
        %mul3A_925 = arith.muli %mul3A_924, %scan3A_923 : i32
        %get3A = arith.constant 1 : i32
        %get3A_926 = arith.index_cast %get3A : i32 to index
        %get3A_927 = arith.index_cast %mul3A_925 : i32 to index
        %get3A_928 = arith.constant 0 : index
        %get3A_929 = tpu.vector_load %arg6[%get3A_926, %get3A_927, %get3A_928] {strides = array<i32>} : memref<4x128x32xi32, #tpu.memory_space<vmem>>, vector<16xi32>,
        %add3A_930 = arith.constant 1 : i32
        %add3A_931 = arith.addi %mul3A_925, %add3A_930 : i32
        %get3A_932 = arith.constant 1 : i32
        %get3A_933 = arith.index_cast %get3A_932 : i32 to index
        %get3A_934 = arith.index_cast %add3A_931 : i32 to index
        %get3A_935 = arith.constant 0 : index
        %get3A_936 = tpu.vector_load %arg6[%get3A_933, %get3A_934, %get3A_935] {strides = array<i32>} : memref<4x128x32xi32, #tpu.memory_space<vmem>>, vector<16xi32>,
        %and3A_937 = arith.constant 65535 : i32
        %and3A_938 = vector.broadcast %and3A_937 : i32 to vector<16xi32>
        %and3A_939 = arith.andi %get3A_929, %and3A_938 : vector<16xi32>
        %shift_left3A = arith.constant 16 : i32
        %shift_left3A_940 = vector.broadcast %shift_left3A : i32 to vector<16xi32>
        %shift_left3A_941 = arith.shli %get3A_936, %shift_left3A_940 : vector<16xi32>
        %or3A = arith.ori %and3A_939, %shift_left3A_941 : vector<16xi32>
        %shift_right_arithmetic3A = arith.constant 16 : i32
        %shift_right_arithmetic3A_942 = vector.broadcast %shift_right_arithmetic3A : i32 to vector<16xi32>
        %shift_right_arithmetic3A_943 = arith.shrsi %get3A_929, %shift_right_arithmetic3A_942 : vector<16xi32>
        %and3A_944 = arith.constant 65535 : i32
        %and3A_945 = vector.broadcast %and3A_944 : i32 to vector<16xi32>
        %and3A_946 = arith.andi %shift_right_arithmetic3A_943, %and3A_945 : vector<16xi32>
        %and3A_947 = arith.constant -65536 : i32
        %and3A_948 = vector.broadcast %and3A_947 : i32 to vector<16xi32>
        %and3A_949 = arith.andi %get3A_936, %and3A_948 : vector<16xi32>
        %or3A_950 = arith.ori %and3A_946, %and3A_949 : vector<16xi32>
        %mul3A_951 = arith.constant 2 : i32
        %mul3A_952 = vector.broadcast %mul3A_951 : i32 to vector<16xi32>
        %mul3A_953 = arith.muli %mul3A_952, %iota3A : vector<16xi32>
        %add3A_954 = arith.constant 0 : i32
        %add3A_955 = vector.broadcast %add3A_954 : i32 to vector<16xi32>
        %add3A_956 = arith.addi %mul3A_953, %add3A_955 : vector<16xi32>
        %broadcast_in_dim3A = vector.broadcast %scan3A_923 : i32 to vector<16xi32>
        %scatter3A = arith.constant 1 : i32
        %scatter3A_957 = arith.constant 0 : i32
        %scatter3A_958 = arith.constant 0 : i32
        %scatter3A_959 = tpu.memref_slice %arg7[%scatter3A, %scatter3A_957, %scatter3A_958] : memref<2x64x64xi32, #tpu.memory_space<vmem>> -> memref<1x64x64xi32, #tpu.memory_space<vmem>>
        %scatter3A_960 = tpu.memref_squeeze %scatter3A_959 : memref<1x64x64xi32, #tpu.memory_space<vmem>> -> memref<64x64xi32, #tpu.memory_space<vmem>>
        tpu.vector_store_idx %scatter3A_960[%broadcast_in_dim3A, %add3A_956], %or3A : memref<64x64xi32, #tpu.memory_space<vmem>>[vector<16xi32>, vector<16xi32>], vector<16xi32>,
        %add3A_961 = arith.constant 1 : i32
        %add3A_962 = vector.broadcast %add3A_961 : i32 to vector<16xi32>
        %add3A_963 = arith.addi %add3A_956, %add3A_962 : vector<16xi32>
        %scatter3A_964 = arith.constant 1 : i32
        %scatter3A_965 = arith.constant 0 : i32
        %scatter3A_966 = arith.constant 0 : i32
        %scatter3A_967 = tpu.memref_slice %arg7[%scatter3A_964, %scatter3A_965, %scatter3A_966] : memref<2x64x64xi32, #tpu.memory_space<vmem>> -> memref<1x64x64xi32, #tpu.memory_space<vmem>>
        %scatter3A_968 = tpu.memref_squeeze %scatter3A_967 : memref<1x64x64xi32, #tpu.memory_space<vmem>> -> memref<64x64xi32, #tpu.memory_space<vmem>>
        tpu.vector_store_idx %scatter3A_968[%broadcast_in_dim3A, %add3A_963], %or3A_950 : memref<64x64xi32, #tpu.memory_space<vmem>>[vector<16xi32>, vector<16xi32>], vector<16xi32>,
        %get3A_969 = arith.constant 1 : i32
        %get3A_970 = arith.index_cast %get3A_969 : i32 to index
        %get3A_971 = arith.index_cast %mul3A_925 : i32 to index
        %get3A_972 = arith.constant 16 : index
        %get3A_973 = tpu.vector_load %arg6[%get3A_970, %get3A_971, %get3A_972] {strides = array<i32>} : memref<4x128x32xi32, #tpu.memory_space<vmem>>, vector<16xi32>,
        %add3A_974 = arith.constant 1 : i32
        %add3A_975 = arith.addi %mul3A_925, %add3A_974 : i32
        %get3A_976 = arith.constant 1 : i32
        %get3A_977 = arith.index_cast %get3A_976 : i32 to index
        %get3A_978 = arith.index_cast %add3A_975 : i32 to index
        %get3A_979 = arith.constant 16 : index
        %get3A_980 = tpu.vector_load %arg6[%get3A_977, %get3A_978, %get3A_979] {strides = array<i32>} : memref<4x128x32xi32, #tpu.memory_space<vmem>>, vector<16xi32>,
        %and3A_981 = arith.constant 65535 : i32
        %and3A_982 = vector.broadcast %and3A_981 : i32 to vector<16xi32>
        %and3A_983 = arith.andi %get3A_973, %and3A_982 : vector<16xi32>
        %shift_left3A_984 = arith.constant 16 : i32
        %shift_left3A_985 = vector.broadcast %shift_left3A_984 : i32 to vector<16xi32>
        %shift_left3A_986 = arith.shli %get3A_980, %shift_left3A_985 : vector<16xi32>
        %or3A_987 = arith.ori %and3A_983, %shift_left3A_986 : vector<16xi32>
        %shift_right_arithmetic3A_988 = arith.constant 16 : i32
        %shift_right_arithmetic3A_989 = vector.broadcast %shift_right_arithmetic3A_988 : i32 to vector<16xi32>
        %shift_right_arithmetic3A_990 = arith.shrsi %get3A_973, %shift_right_arithmetic3A_989 : vector<16xi32>
        %and3A_991 = arith.constant 65535 : i32
        %and3A_992 = vector.broadcast %and3A_991 : i32 to vector<16xi32>
        %and3A_993 = arith.andi %shift_right_arithmetic3A_990, %and3A_992 : vector<16xi32>
        %and3A_994 = arith.constant -65536 : i32
        %and3A_995 = vector.broadcast %and3A_994 : i32 to vector<16xi32>
        %and3A_996 = arith.andi %get3A_980, %and3A_995 : vector<16xi32>
        %or3A_997 = arith.ori %and3A_993, %and3A_996 : vector<16xi32>
        %mul3A_998 = arith.constant 2 : i32
        %mul3A_999 = vector.broadcast %mul3A_998 : i32 to vector<16xi32>
        %mul3A_1000 = arith.muli %mul3A_999, %iota3A : vector<16xi32>
        %add3A_1001 = arith.constant 32 : i32
        %add3A_1002 = vector.broadcast %add3A_1001 : i32 to vector<16xi32>
        %add3A_1003 = arith.addi %mul3A_1000, %add3A_1002 : vector<16xi32>
        %broadcast_in_dim3A_1004 = vector.broadcast %scan3A_923 : i32 to vector<16xi32>
        %scatter3A_1005 = arith.constant 1 : i32
        %scatter3A_1006 = arith.constant 0 : i32
        %scatter3A_1007 = arith.constant 0 : i32
        %scatter3A_1008 = tpu.memref_slice %arg7[%scatter3A_1005, %scatter3A_1006, %scatter3A_1007] : memref<2x64x64xi32, #tpu.memory_space<vmem>> -> memref<1x64x64xi32, #tpu.memory_space<vmem>>
        %scatter3A_1009 = tpu.memref_squeeze %scatter3A_1008 : memref<1x64x64xi32, #tpu.memory_space<vmem>> -> memref<64x64xi32, #tpu.memory_space<vmem>>
        tpu.vector_store_idx %scatter3A_1009[%broadcast_in_dim3A_1004, %add3A_1003], %or3A_987 : memref<64x64xi32, #tpu.memory_space<vmem>>[vector<16xi32>, vector<16xi32>], vector<16xi32>,
        %add3A_1010 = arith.constant 1 : i32
        %add3A_1011 = vector.broadcast %add3A_1010 : i32 to vector<16xi32>
        %add3A_1012 = arith.addi %add3A_1003, %add3A_1011 : vector<16xi32>
        %scatter3A_1013 = arith.constant 1 : i32
        %scatter3A_1014 = arith.constant 0 : i32
        %scatter3A_1015 = arith.constant 0 : i32
        %scatter3A_1016 = tpu.memref_slice %arg7[%scatter3A_1013, %scatter3A_1014, %scatter3A_1015] : memref<2x64x64xi32, #tpu.memory_space<vmem>> -> memref<1x64x64xi32, #tpu.memory_space<vmem>>
        %scatter3A_1017 = tpu.memref_squeeze %scatter3A_1016 : memref<1x64x64xi32, #tpu.memory_space<vmem>> -> memref<64x64xi32, #tpu.memory_space<vmem>>
        tpu.vector_store_idx %scatter3A_1017[%broadcast_in_dim3A_1004, %add3A_1012], %or3A_997 : memref<64x64xi32, #tpu.memory_space<vmem>>[vector<16xi32>, vector<16xi32>], vector<16xi32>,
        %scan3A_1018 = arith.constant 1 : i32
        %scan3A_1019 = arith.addi %scan3A_923, %scan3A_1018 : i32
        %mul3A_1020 = arith.constant 2 : i32
        %mul3A_1021 = arith.muli %mul3A_1020, %scan3A_1019 : i32
        %get3A_1022 = arith.constant 1 : i32
        %get3A_1023 = arith.index_cast %get3A_1022 : i32 to index
        %get3A_1024 = arith.index_cast %mul3A_1021 : i32 to index
        %get3A_1025 = arith.constant 0 : index
        %get3A_1026 = tpu.vector_load %arg6[%get3A_1023, %get3A_1024, %get3A_1025] {strides = array<i32>} : memref<4x128x32xi32, #tpu.memory_space<vmem>>, vector<16xi32>,
        %add3A_1027 = arith.constant 1 : i32
        %add3A_1028 = arith.addi %mul3A_1021, %add3A_1027 : i32
        %get3A_1029 = arith.constant 1 : i32
        %get3A_1030 = arith.index_cast %get3A_1029 : i32 to index
        %get3A_1031 = arith.index_cast %add3A_1028 : i32 to index
        %get3A_1032 = arith.constant 0 : index
        %get3A_1033 = tpu.vector_load %arg6[%get3A_1030, %get3A_1031, %get3A_1032] {strides = array<i32>} : memref<4x128x32xi32, #tpu.memory_space<vmem>>, vector<16xi32>,
        %and3A_1034 = arith.constant 65535 : i32
        %and3A_1035 = vector.broadcast %and3A_1034 : i32 to vector<16xi32>
        %and3A_1036 = arith.andi %get3A_1026, %and3A_1035 : vector<16xi32>
        %shift_left3A_1037 = arith.constant 16 : i32
        %shift_left3A_1038 = vector.broadcast %shift_left3A_1037 : i32 to vector<16xi32>
        %shift_left3A_1039 = arith.shli %get3A_1033, %shift_left3A_1038 : vector<16xi32>
        %or3A_1040 = arith.ori %and3A_1036, %shift_left3A_1039 : vector<16xi32>
        %shift_right_arithmetic3A_1041 = arith.constant 16 : i32
        %shift_right_arithmetic3A_1042 = vector.broadcast %shift_right_arithmetic3A_1041 : i32 to vector<16xi32>
        %shift_right_arithmetic3A_1043 = arith.shrsi %get3A_1026, %shift_right_arithmetic3A_1042 : vector<16xi32>
        %and3A_1044 = arith.constant 65535 : i32
        %and3A_1045 = vector.broadcast %and3A_1044 : i32 to vector<16xi32>
        %and3A_1046 = arith.andi %shift_right_arithmetic3A_1043, %and3A_1045 : vector<16xi32>
        %and3A_1047 = arith.constant -65536 : i32
        %and3A_1048 = vector.broadcast %and3A_1047 : i32 to vector<16xi32>
        %and3A_1049 = arith.andi %get3A_1033, %and3A_1048 : vector<16xi32>
        %or3A_1050 = arith.ori %and3A_1046, %and3A_1049 : vector<16xi32>
        %mul3A_1051 = arith.constant 2 : i32
        %mul3A_1052 = vector.broadcast %mul3A_1051 : i32 to vector<16xi32>
        %mul3A_1053 = arith.muli %mul3A_1052, %iota3A : vector<16xi32>
        %add3A_1054 = arith.constant 0 : i32
        %add3A_1055 = vector.broadcast %add3A_1054 : i32 to vector<16xi32>
        %add3A_1056 = arith.addi %mul3A_1053, %add3A_1055 : vector<16xi32>
        %broadcast_in_dim3A_1057 = vector.broadcast %scan3A_1019 : i32 to vector<16xi32>
        %scatter3A_1058 = arith.constant 1 : i32
        %scatter3A_1059 = arith.constant 0 : i32
        %scatter3A_1060 = arith.constant 0 : i32
        %scatter3A_1061 = tpu.memref_slice %arg7[%scatter3A_1058, %scatter3A_1059, %scatter3A_1060] : memref<2x64x64xi32, #tpu.memory_space<vmem>> -> memref<1x64x64xi32, #tpu.memory_space<vmem>>
        %scatter3A_1062 = tpu.memref_squeeze %scatter3A_1061 : memref<1x64x64xi32, #tpu.memory_space<vmem>> -> memref<64x64xi32, #tpu.memory_space<vmem>>
        tpu.vector_store_idx %scatter3A_1062[%broadcast_in_dim3A_1057, %add3A_1056], %or3A_1040 : memref<64x64xi32, #tpu.memory_space<vmem>>[vector<16xi32>, vector<16xi32>], vector<16xi32>,
        %add3A_1063 = arith.constant 1 : i32
        %add3A_1064 = vector.broadcast %add3A_1063 : i32 to vector<16xi32>
        %add3A_1065 = arith.addi %add3A_1056, %add3A_1064 : vector<16xi32>
        %scatter3A_1066 = arith.constant 1 : i32
        %scatter3A_1067 = arith.constant 0 : i32
        %scatter3A_1068 = arith.constant 0 : i32
        %scatter3A_1069 = tpu.memref_slice %arg7[%scatter3A_1066, %scatter3A_1067, %scatter3A_1068] : memref<2x64x64xi32, #tpu.memory_space<vmem>> -> memref<1x64x64xi32, #tpu.memory_space<vmem>>
        %scatter3A_1070 = tpu.memref_squeeze %scatter3A_1069 : memref<1x64x64xi32, #tpu.memory_space<vmem>> -> memref<64x64xi32, #tpu.memory_space<vmem>>
        tpu.vector_store_idx %scatter3A_1070[%broadcast_in_dim3A_1057, %add3A_1065], %or3A_1050 : memref<64x64xi32, #tpu.memory_space<vmem>>[vector<16xi32>, vector<16xi32>], vector<16xi32>,
        %get3A_1071 = arith.constant 1 : i32
        %get3A_1072 = arith.index_cast %get3A_1071 : i32 to index
        %get3A_1073 = arith.index_cast %mul3A_1021 : i32 to index
        %get3A_1074 = arith.constant 16 : index
        %get3A_1075 = tpu.vector_load %arg6[%get3A_1072, %get3A_1073, %get3A_1074] {strides = array<i32>} : memref<4x128x32xi32, #tpu.memory_space<vmem>>, vector<16xi32>,
        %add3A_1076 = arith.constant 1 : i32
        %add3A_1077 = arith.addi %mul3A_1021, %add3A_1076 : i32
        %get3A_1078 = arith.constant 1 : i32
        %get3A_1079 = arith.index_cast %get3A_1078 : i32 to index
        %get3A_1080 = arith.index_cast %add3A_1077 : i32 to index
        %get3A_1081 = arith.constant 16 : index
        %get3A_1082 = tpu.vector_load %arg6[%get3A_1079, %get3A_1080, %get3A_1081] {strides = array<i32>} : memref<4x128x32xi32, #tpu.memory_space<vmem>>, vector<16xi32>,
        %and3A_1083 = arith.constant 65535 : i32
        %and3A_1084 = vector.broadcast %and3A_1083 : i32 to vector<16xi32>
        %and3A_1085 = arith.andi %get3A_1075, %and3A_1084 : vector<16xi32>
        %shift_left3A_1086 = arith.constant 16 : i32
        %shift_left3A_1087 = vector.broadcast %shift_left3A_1086 : i32 to vector<16xi32>
        %shift_left3A_1088 = arith.shli %get3A_1082, %shift_left3A_1087 : vector<16xi32>
        %or3A_1089 = arith.ori %and3A_1085, %shift_left3A_1088 : vector<16xi32>
        %shift_right_arithmetic3A_1090 = arith.constant 16 : i32
        %shift_right_arithmetic3A_1091 = vector.broadcast %shift_right_arithmetic3A_1090 : i32 to vector<16xi32>
        %shift_right_arithmetic3A_1092 = arith.shrsi %get3A_1075, %shift_right_arithmetic3A_1091 : vector<16xi32>
        %and3A_1093 = arith.constant 65535 : i32
        %and3A_1094 = vector.broadcast %and3A_1093 : i32 to vector<16xi32>
        %and3A_1095 = arith.andi %shift_right_arithmetic3A_1092, %and3A_1094 : vector<16xi32>
        %and3A_1096 = arith.constant -65536 : i32
        %and3A_1097 = vector.broadcast %and3A_1096 : i32 to vector<16xi32>
        %and3A_1098 = arith.andi %get3A_1082, %and3A_1097 : vector<16xi32>
        %or3A_1099 = arith.ori %and3A_1095, %and3A_1098 : vector<16xi32>
        %mul3A_1100 = arith.constant 2 : i32
        %mul3A_1101 = vector.broadcast %mul3A_1100 : i32 to vector<16xi32>
        %mul3A_1102 = arith.muli %mul3A_1101, %iota3A : vector<16xi32>
        %add3A_1103 = arith.constant 32 : i32
        %add3A_1104 = vector.broadcast %add3A_1103 : i32 to vector<16xi32>
        %add3A_1105 = arith.addi %mul3A_1102, %add3A_1104 : vector<16xi32>
        %broadcast_in_dim3A_1106 = vector.broadcast %scan3A_1019 : i32 to vector<16xi32>
        %scatter3A_1107 = arith.constant 1 : i32
        %scatter3A_1108 = arith.constant 0 : i32
        %scatter3A_1109 = arith.constant 0 : i32
        %scatter3A_1110 = tpu.memref_slice %arg7[%scatter3A_1107, %scatter3A_1108, %scatter3A_1109] : memref<2x64x64xi32, #tpu.memory_space<vmem>> -> memref<1x64x64xi32, #tpu.memory_space<vmem>>
        %scatter3A_1111 = tpu.memref_squeeze %scatter3A_1110 : memref<1x64x64xi32, #tpu.memory_space<vmem>> -> memref<64x64xi32, #tpu.memory_space<vmem>>
        tpu.vector_store_idx %scatter3A_1111[%broadcast_in_dim3A_1106, %add3A_1105], %or3A_1089 : memref<64x64xi32, #tpu.memory_space<vmem>>[vector<16xi32>, vector<16xi32>], vector<16xi32>,
        %add3A_1112 = arith.constant 1 : i32
        %add3A_1113 = vector.broadcast %add3A_1112 : i32 to vector<16xi32>
        %add3A_1114 = arith.addi %add3A_1105, %add3A_1113 : vector<16xi32>
        %scatter3A_1115 = arith.constant 1 : i32
        %scatter3A_1116 = arith.constant 0 : i32
        %scatter3A_1117 = arith.constant 0 : i32
        %scatter3A_1118 = tpu.memref_slice %arg7[%scatter3A_1115, %scatter3A_1116, %scatter3A_1117] : memref<2x64x64xi32, #tpu.memory_space<vmem>> -> memref<1x64x64xi32, #tpu.memory_space<vmem>>
        %scatter3A_1119 = tpu.memref_squeeze %scatter3A_1118 : memref<1x64x64xi32, #tpu.memory_space<vmem>> -> memref<64x64xi32, #tpu.memory_space<vmem>>
        tpu.vector_store_idx %scatter3A_1119[%broadcast_in_dim3A_1106, %add3A_1114], %or3A_1099 : memref<64x64xi32, #tpu.memory_space<vmem>>[vector<16xi32>, vector<16xi32>], vector<16xi32>,
      }
      %scan3A_648 = arith.constant 64 : i32
      %mul3A_649 = arith.constant 128 : i32
      %mul3A_650 = arith.muli %add3A_587, %mul3A_649 : i32
      %add3A_651 = arith.addi %mul3A_2, %mul3A_650 : i32
      %jit3A_652 = arith.constant 2 : i32
      %div3A_653 = arith.divsi %add3A_651, %jit3A_652 : i32
      %sign3A_654 = arith.constant 0 : i32
      %sign3A_655 = arith.cmpi sgt, %add3A_651, %sign3A_654 : i32
      %sign3A_656 = arith.extui %sign3A_655 : i1 to i32
      %sign3A_657 = arith.constant 0 : i32
      %sign3A_658 = arith.cmpi slt, %add3A_651, %sign3A_657 : i32
      %sign3A_659 = arith.extui %sign3A_658 : i1 to i32
      %sign3A_660 = arith.subi %sign3A_656, %sign3A_659 : i32
      %sign3A_661 = arith.constant 0 : i32
      %sign3A_662 = arith.cmpi sgt, %jit3A_652, %sign3A_661 : i32
      %sign3A_663 = arith.extui %sign3A_662 : i1 to i32
      %sign3A_664 = arith.constant 0 : i32
      %sign3A_665 = arith.cmpi slt, %jit3A_652, %sign3A_664 : i32
      %sign3A_666 = arith.extui %sign3A_665 : i1 to i32
      %sign3A_667 = arith.subi %sign3A_663, %sign3A_666 : i32
      %ne3A_668 = arith.cmpi ne, %sign3A_660, %sign3A_667 : i32
      %rem3A_669 = arith.remsi %add3A_651, %jit3A_652 : i32
      %ne3A_670 = arith.constant 0 : i32
      %ne3A_671 = arith.cmpi ne, %rem3A_669, %ne3A_670 : i32
      %and3A_672 = arith.andi %ne3A_668, %ne3A_671 : i1
      %sub3A_673 = arith.constant 1 : i32
      %sub3A_674 = arith.subi %div3A_653, %sub3A_673 : i32
      %select_n3A_675 = arith.select %and3A_672, %sub3A_674, %div3A_653 : i32
      %multiple_of3A_676 = tpu.assume_multiple %select_n3A_675, 64 : i32
      %dma_start3A_677 = arith.constant 1 : i32
      %dma_start3A_678 = arith.constant 0 : i32
      %dma_start3A_679 = arith.constant 0 : i32
      %dma_start3A_680 = tpu.memref_slice %arg7[%dma_start3A_677, %dma_start3A_678, %dma_start3A_679] : memref<2x64x64xi32, #tpu.memory_space<vmem>> -> memref<1x64x64xi32, #tpu.memory_space<vmem>>
      %dma_start3A_681 = tpu.memref_squeeze %dma_start3A_680 : memref<1x64x64xi32, #tpu.memory_space<vmem>> -> memref<64x64xi32, #tpu.memory_space<vmem>>
      %dma_start3A_682 = arith.constant 0 : i32
      %dma_start3A_683 = tpu.memref_slice %arg4[%multiple_of3A_676, %dma_start3A_682] : memref<409600x64xi32, #tpu.memory_space<hbm>> -> memref<64x64xi32, #tpu.memory_space<hbm>>
      %dma_start3A_684 = arith.constant 0 : i32
      %dma_start3A_685 = tpu.memref_slice %arg4[%multiple_of3A_676, %dma_start3A_684] : memref<409600x64xi32, #tpu.memory_space<hbm>> -> memref<64x64xi32, #tpu.memory_space<hbm>>
      %dma_start3A_686 = arith.constant 0 : i32
      %dma_start3A_687 = arith.constant 0 : i32
      %dma_start3A_688 = tpu.memref_slice %arg7[%dma_start3A_677, %dma_start3A_686, %dma_start3A_687] : memref<2x64x64xi32, #tpu.memory_space<vmem>> -> memref<1x64x64xi32, #tpu.memory_space<vmem>>
      %dma_start3A_689 = tpu.memref_squeeze %dma_start3A_688 : memref<1x64x64xi32, #tpu.memory_space<vmem>> -> memref<64x64xi32, #tpu.memory_space<vmem>>
      tpu.enqueue_dma source(%dma_start3A_689 : memref<64x64xi32, #tpu.memory_space<vmem>>) target(%dma_start3A_685 : memref<64x64xi32, #tpu.memory_space<hbm>>) target_semaphore(%arg13 : memref<!tpu.dma_semaphore, #tpu.memory_space<semaphore_mem>>)
      %add3A_690 = arith.constant 4 : i32
      %add3A_691 = arith.addi %add3A_587, %add3A_690 : i32
      %lt3A_692 = arith.constant 200 : i32
      %lt3A_693 = arith.cmpi slt, %add3A_691, %lt3A_692 : i32
      %convert_element_type3A_694 = arith.extui %lt3A_693 : i1 to i32
      %cond3A_695 = arith.constant 0 : i32
      %cond3A_696 = arith.cmpi ne, %convert_element_type3A_694, %cond3A_695 : i32
      scf.if %cond3A_696 {
        %add3A_923 = arith.constant 4 : i32
        %add3A_924 = arith.addi %add3A_587, %add3A_923 : i32
        %mul3A_925 = arith.constant 128 : i32
        %mul3A_926 = arith.muli %add3A_924, %mul3A_925 : i32
        %multiple_of3A_927 = tpu.assume_multiple %mul3A_926, 128 : i32
        %dma_start3A_928 = arith.constant 1 : i32
        %dma_start3A_929 = arith.constant 0 : i32
        %dma_start3A_930 = arith.constant 0 : i32
        %dma_start3A_931 = tpu.memref_slice %arg6[%dma_start3A_928, %dma_start3A_929, %dma_start3A_930] : memref<4x128x32xi32, #tpu.memory_space<vmem>> -> memref<1x128x32xi32, #tpu.memory_space<vmem>>
        %dma_start3A_932 = tpu.memref_squeeze %dma_start3A_931 : memref<1x128x32xi32, #tpu.memory_space<vmem>> -> memref<128x32xi32, #tpu.memory_space<vmem>>
        %dma_start3A_933 = tpu.memref_slice %arg5[%multiple_of3A_927] : memref<25600xi32, #tpu.memory_space<vmem>> -> memref<128xi32, #tpu.memory_space<vmem>>
        %dma_start3A_934 = arith.constant 0 : i32
        %dma_start3A_935 = arith.constant 0 : i32
        %dma_start3A_936 = tpu.memref_slice %arg3[%dma_start3A_934, %dma_start3A_935] : memref<1000000x32xi32, #tpu.memory_space<hbm>> -> memref<1000000x32xi32, #tpu.memory_space<hbm>>
        tpu.enqueue_indirect_dma source(%dma_start3A_936 : memref<1000000x32xi32, #tpu.memory_space<hbm>>) target(%dma_start3A_932 : memref<128x32xi32, #tpu.memory_space<vmem>>) offsets(%dma_start3A_933 : memref<128xi32, #tpu.memory_space<vmem>>) semaphore(%arg9 : memref<!tpu.dma_semaphore, #tpu.memory_space<semaphore_mem>>)
      } else {
      }
      %mul3A_697 = arith.constant 4 : i32
      %mul3A_698 = arith.muli %scan3A_473, %mul3A_697 : i32
      %add3A_699 = arith.constant 2 : i32
      %add3A_700 = arith.addi %mul3A_698, %add3A_699 : i32
      %mul3A_701 = arith.constant 128 : i32
      %mul3A_702 = arith.muli %add3A_700, %mul3A_701 : i32
      %multiple_of3A_703 = tpu.assume_multiple %mul3A_702, 128 : i32
      %dma_wait3A_704 = arith.constant 2 : i32
      %dma_wait3A_705 = arith.constant 0 : i32
      %dma_wait3A_706 = arith.constant 0 : i32
      %dma_wait3A_707 = tpu.memref_slice %arg6[%dma_wait3A_704, %dma_wait3A_705, %dma_wait3A_706] : memref<4x128x32xi32, #tpu.memory_space<vmem>> -> memref<1x128x32xi32, #tpu.memory_space<vmem>>
      %dma_wait3A_708 = tpu.memref_squeeze %dma_wait3A_707 : memref<1x128x32xi32, #tpu.memory_space<vmem>> -> memref<128x32xi32, #tpu.memory_space<vmem>>
      %dma_wait3A_709 = tpu.memref_slice %arg5[%multiple_of3A_703] : memref<25600xi32, #tpu.memory_space<vmem>> -> memref<128xi32, #tpu.memory_space<vmem>>
      %dma_wait3A_710 = arith.constant 0 : i32
      %dma_wait3A_711 = arith.constant 0 : i32
      %dma_wait3A_712 = tpu.memref_slice %arg3[%dma_wait3A_710, %dma_wait3A_711] : memref<1000000x32xi32, #tpu.memory_space<hbm>> -> memref<1000000x32xi32, #tpu.memory_space<hbm>>
      tpu.wait_indirect_dma semaphore(%arg10 : memref<!tpu.dma_semaphore, #tpu.memory_space<semaphore_mem>>) src(%dma_wait3A_712 : memref<1000000x32xi32, #tpu.memory_space<hbm>>) dst(%dma_wait3A_708 : memref<128x32xi32, #tpu.memory_space<vmem>>)
      %sub3A_713 = arith.constant 2 : i32
      %sub3A_714 = arith.subi %add3A_700, %sub3A_713 : i32
      %mul3A_715 = arith.constant 128 : i32
      %mul3A_716 = arith.muli %sub3A_714, %mul3A_715 : i32
      %add3A_717 = arith.addi %mul3A_2, %mul3A_716 : i32
      %jit3A_718 = arith.constant 2 : i32
      %div3A_719 = arith.divsi %add3A_717, %jit3A_718 : i32
      %sign3A_720 = arith.constant 0 : i32
      %sign3A_721 = arith.cmpi sgt, %add3A_717, %sign3A_720 : i32
      %sign3A_722 = arith.extui %sign3A_721 : i1 to i32
      %sign3A_723 = arith.constant 0 : i32
      %sign3A_724 = arith.cmpi slt, %add3A_717, %sign3A_723 : i32
      %sign3A_725 = arith.extui %sign3A_724 : i1 to i32
      %sign3A_726 = arith.subi %sign3A_722, %sign3A_725 : i32
      %sign3A_727 = arith.constant 0 : i32
      %sign3A_728 = arith.cmpi sgt, %jit3A_718, %sign3A_727 : i32
      %sign3A_729 = arith.extui %sign3A_728 : i1 to i32
      %sign3A_730 = arith.constant 0 : i32
      %sign3A_731 = arith.cmpi slt, %jit3A_718, %sign3A_730 : i32
      %sign3A_732 = arith.extui %sign3A_731 : i1 to i32
      %sign3A_733 = arith.subi %sign3A_729, %sign3A_732 : i32
      %ne3A_734 = arith.cmpi ne, %sign3A_726, %sign3A_733 : i32
      %rem3A_735 = arith.remsi %add3A_717, %jit3A_718 : i32
      %ne3A_736 = arith.constant 0 : i32
      %ne3A_737 = arith.cmpi ne, %rem3A_735, %ne3A_736 : i32
      %and3A_738 = arith.andi %ne3A_734, %ne3A_737 : i1
      %sub3A_739 = arith.constant 1 : i32
      %sub3A_740 = arith.subi %div3A_719, %sub3A_739 : i32
      %select_n3A_741 = arith.select %and3A_738, %sub3A_740, %div3A_719 : i32
      %multiple_of3A_742 = tpu.assume_multiple %select_n3A_741, 64 : i32
      %dma_wait3A_743 = arith.constant 0 : i32
      %dma_wait3A_744 = arith.constant 0 : i32
      %dma_wait3A_745 = arith.constant 0 : i32
      %dma_wait3A_746 = tpu.memref_slice %arg7[%dma_wait3A_743, %dma_wait3A_744, %dma_wait3A_745] : memref<2x64x64xi32, #tpu.memory_space<vmem>> -> memref<1x64x64xi32, #tpu.memory_space<vmem>>
      %dma_wait3A_747 = tpu.memref_squeeze %dma_wait3A_746 : memref<1x64x64xi32, #tpu.memory_space<vmem>> -> memref<64x64xi32, #tpu.memory_space<vmem>>
      %dma_wait3A_748 = arith.constant 0 : i32
      %dma_wait3A_749 = tpu.memref_slice %arg4[%multiple_of3A_742, %dma_wait3A_748] : memref<409600x64xi32, #tpu.memory_space<hbm>> -> memref<64x64xi32, #tpu.memory_space<hbm>>
      %dma_wait3A_750 = arith.constant 0 : i32
      %dma_wait3A_751 = tpu.memref_slice %arg4[%multiple_of3A_742, %dma_wait3A_750] : memref<409600x64xi32, #tpu.memory_space<hbm>> -> memref<64x64xi32, #tpu.memory_space<hbm>>
      %dma_wait3A_752 = arith.constant 0 : i32
      %dma_wait3A_753 = arith.constant 0 : i32
      %dma_wait3A_754 = tpu.memref_slice %arg7[%dma_wait3A_743, %dma_wait3A_752, %dma_wait3A_753] : memref<2x64x64xi32, #tpu.memory_space<vmem>> -> memref<1x64x64xi32, #tpu.memory_space<vmem>>
      %dma_wait3A_755 = tpu.memref_squeeze %dma_wait3A_754 : memref<1x64x64xi32, #tpu.memory_space<vmem>> -> memref<64x64xi32, #tpu.memory_space<vmem>>
      tpu.wait_dma2 semaphore(%arg12 : memref<!tpu.dma_semaphore, #tpu.memory_space<semaphore_mem>>) src(%dma_wait3A_755 : memref<64x64xi32, #tpu.memory_space<vmem>>) dst(%dma_wait3A_751 : memref<64x64xi32, #tpu.memory_space<hbm>>)
      %scan3A_756 = arith.constant 0 : i32
      %scan3A_757 = arith.constant 0 : i32
      %scan3A_758 = arith.constant 64 : i32
      %scan3A_759 = arith.addi %scan3A_757, %scan3A_758 : i32
      %scan3A_760 = arith.constant 2 : i32
      scf.for %scan3A_923 = %scan3A_757 to %scan3A_759 step %scan3A_760  : i32 {
        %mul3A_924 = arith.constant 2 : i32
        %mul3A_925 = arith.muli %mul3A_924, %scan3A_923 : i32
        %get3A = arith.constant 2 : i32
        %get3A_926 = arith.index_cast %get3A : i32 to index
        %get3A_927 = arith.index_cast %mul3A_925 : i32 to index
        %get3A_928 = arith.constant 0 : index
        %get3A_929 = tpu.vector_load %arg6[%get3A_926, %get3A_927, %get3A_928] {strides = array<i32>} : memref<4x128x32xi32, #tpu.memory_space<vmem>>, vector<16xi32>,
        %add3A_930 = arith.constant 1 : i32
        %add3A_931 = arith.addi %mul3A_925, %add3A_930 : i32
        %get3A_932 = arith.constant 2 : i32
        %get3A_933 = arith.index_cast %get3A_932 : i32 to index
        %get3A_934 = arith.index_cast %add3A_931 : i32 to index
        %get3A_935 = arith.constant 0 : index
        %get3A_936 = tpu.vector_load %arg6[%get3A_933, %get3A_934, %get3A_935] {strides = array<i32>} : memref<4x128x32xi32, #tpu.memory_space<vmem>>, vector<16xi32>,
        %and3A_937 = arith.constant 65535 : i32
        %and3A_938 = vector.broadcast %and3A_937 : i32 to vector<16xi32>
        %and3A_939 = arith.andi %get3A_929, %and3A_938 : vector<16xi32>
        %shift_left3A = arith.constant 16 : i32
        %shift_left3A_940 = vector.broadcast %shift_left3A : i32 to vector<16xi32>
        %shift_left3A_941 = arith.shli %get3A_936, %shift_left3A_940 : vector<16xi32>
        %or3A = arith.ori %and3A_939, %shift_left3A_941 : vector<16xi32>
        %shift_right_arithmetic3A = arith.constant 16 : i32
        %shift_right_arithmetic3A_942 = vector.broadcast %shift_right_arithmetic3A : i32 to vector<16xi32>
        %shift_right_arithmetic3A_943 = arith.shrsi %get3A_929, %shift_right_arithmetic3A_942 : vector<16xi32>
        %and3A_944 = arith.constant 65535 : i32
        %and3A_945 = vector.broadcast %and3A_944 : i32 to vector<16xi32>
        %and3A_946 = arith.andi %shift_right_arithmetic3A_943, %and3A_945 : vector<16xi32>
        %and3A_947 = arith.constant -65536 : i32
        %and3A_948 = vector.broadcast %and3A_947 : i32 to vector<16xi32>
        %and3A_949 = arith.andi %get3A_936, %and3A_948 : vector<16xi32>
        %or3A_950 = arith.ori %and3A_946, %and3A_949 : vector<16xi32>
        %mul3A_951 = arith.constant 2 : i32
        %mul3A_952 = vector.broadcast %mul3A_951 : i32 to vector<16xi32>
        %mul3A_953 = arith.muli %mul3A_952, %iota3A : vector<16xi32>
        %add3A_954 = arith.constant 0 : i32
        %add3A_955 = vector.broadcast %add3A_954 : i32 to vector<16xi32>
        %add3A_956 = arith.addi %mul3A_953, %add3A_955 : vector<16xi32>
        %broadcast_in_dim3A = vector.broadcast %scan3A_923 : i32 to vector<16xi32>
        %scatter3A = arith.constant 0 : i32
        %scatter3A_957 = arith.constant 0 : i32
        %scatter3A_958 = arith.constant 0 : i32
        %scatter3A_959 = tpu.memref_slice %arg7[%scatter3A, %scatter3A_957, %scatter3A_958] : memref<2x64x64xi32, #tpu.memory_space<vmem>> -> memref<1x64x64xi32, #tpu.memory_space<vmem>>
        %scatter3A_960 = tpu.memref_squeeze %scatter3A_959 : memref<1x64x64xi32, #tpu.memory_space<vmem>> -> memref<64x64xi32, #tpu.memory_space<vmem>>
        tpu.vector_store_idx %scatter3A_960[%broadcast_in_dim3A, %add3A_956], %or3A : memref<64x64xi32, #tpu.memory_space<vmem>>[vector<16xi32>, vector<16xi32>], vector<16xi32>,
        %add3A_961 = arith.constant 1 : i32
        %add3A_962 = vector.broadcast %add3A_961 : i32 to vector<16xi32>
        %add3A_963 = arith.addi %add3A_956, %add3A_962 : vector<16xi32>
        %scatter3A_964 = arith.constant 0 : i32
        %scatter3A_965 = arith.constant 0 : i32
        %scatter3A_966 = arith.constant 0 : i32
        %scatter3A_967 = tpu.memref_slice %arg7[%scatter3A_964, %scatter3A_965, %scatter3A_966] : memref<2x64x64xi32, #tpu.memory_space<vmem>> -> memref<1x64x64xi32, #tpu.memory_space<vmem>>
        %scatter3A_968 = tpu.memref_squeeze %scatter3A_967 : memref<1x64x64xi32, #tpu.memory_space<vmem>> -> memref<64x64xi32, #tpu.memory_space<vmem>>
        tpu.vector_store_idx %scatter3A_968[%broadcast_in_dim3A, %add3A_963], %or3A_950 : memref<64x64xi32, #tpu.memory_space<vmem>>[vector<16xi32>, vector<16xi32>], vector<16xi32>,
        %get3A_969 = arith.constant 2 : i32
        %get3A_970 = arith.index_cast %get3A_969 : i32 to index
        %get3A_971 = arith.index_cast %mul3A_925 : i32 to index
        %get3A_972 = arith.constant 16 : index
        %get3A_973 = tpu.vector_load %arg6[%get3A_970, %get3A_971, %get3A_972] {strides = array<i32>} : memref<4x128x32xi32, #tpu.memory_space<vmem>>, vector<16xi32>,
        %add3A_974 = arith.constant 1 : i32
        %add3A_975 = arith.addi %mul3A_925, %add3A_974 : i32
        %get3A_976 = arith.constant 2 : i32
        %get3A_977 = arith.index_cast %get3A_976 : i32 to index
        %get3A_978 = arith.index_cast %add3A_975 : i32 to index
        %get3A_979 = arith.constant 16 : index
        %get3A_980 = tpu.vector_load %arg6[%get3A_977, %get3A_978, %get3A_979] {strides = array<i32>} : memref<4x128x32xi32, #tpu.memory_space<vmem>>, vector<16xi32>,
        %and3A_981 = arith.constant 65535 : i32
        %and3A_982 = vector.broadcast %and3A_981 : i32 to vector<16xi32>
        %and3A_983 = arith.andi %get3A_973, %and3A_982 : vector<16xi32>
        %shift_left3A_984 = arith.constant 16 : i32
        %shift_left3A_985 = vector.broadcast %shift_left3A_984 : i32 to vector<16xi32>
        %shift_left3A_986 = arith.shli %get3A_980, %shift_left3A_985 : vector<16xi32>
        %or3A_987 = arith.ori %and3A_983, %shift_left3A_986 : vector<16xi32>
        %shift_right_arithmetic3A_988 = arith.constant 16 : i32
        %shift_right_arithmetic3A_989 = vector.broadcast %shift_right_arithmetic3A_988 : i32 to vector<16xi32>
        %shift_right_arithmetic3A_990 = arith.shrsi %get3A_973, %shift_right_arithmetic3A_989 : vector<16xi32>
        %and3A_991 = arith.constant 65535 : i32
        %and3A_992 = vector.broadcast %and3A_991 : i32 to vector<16xi32>
        %and3A_993 = arith.andi %shift_right_arithmetic3A_990, %and3A_992 : vector<16xi32>
        %and3A_994 = arith.constant -65536 : i32
        %and3A_995 = vector.broadcast %and3A_994 : i32 to vector<16xi32>
        %and3A_996 = arith.andi %get3A_980, %and3A_995 : vector<16xi32>
        %or3A_997 = arith.ori %and3A_993, %and3A_996 : vector<16xi32>
        %mul3A_998 = arith.constant 2 : i32
        %mul3A_999 = vector.broadcast %mul3A_998 : i32 to vector<16xi32>
        %mul3A_1000 = arith.muli %mul3A_999, %iota3A : vector<16xi32>
        %add3A_1001 = arith.constant 32 : i32
        %add3A_1002 = vector.broadcast %add3A_1001 : i32 to vector<16xi32>
        %add3A_1003 = arith.addi %mul3A_1000, %add3A_1002 : vector<16xi32>
        %broadcast_in_dim3A_1004 = vector.broadcast %scan3A_923 : i32 to vector<16xi32>
        %scatter3A_1005 = arith.constant 0 : i32
        %scatter3A_1006 = arith.constant 0 : i32
        %scatter3A_1007 = arith.constant 0 : i32
        %scatter3A_1008 = tpu.memref_slice %arg7[%scatter3A_1005, %scatter3A_1006, %scatter3A_1007] : memref<2x64x64xi32, #tpu.memory_space<vmem>> -> memref<1x64x64xi32, #tpu.memory_space<vmem>>
        %scatter3A_1009 = tpu.memref_squeeze %scatter3A_1008 : memref<1x64x64xi32, #tpu.memory_space<vmem>> -> memref<64x64xi32, #tpu.memory_space<vmem>>
        tpu.vector_store_idx %scatter3A_1009[%broadcast_in_dim3A_1004, %add3A_1003], %or3A_987 : memref<64x64xi32, #tpu.memory_space<vmem>>[vector<16xi32>, vector<16xi32>], vector<16xi32>,
        %add3A_1010 = arith.constant 1 : i32
        %add3A_1011 = vector.broadcast %add3A_1010 : i32 to vector<16xi32>
        %add3A_1012 = arith.addi %add3A_1003, %add3A_1011 : vector<16xi32>
        %scatter3A_1013 = arith.constant 0 : i32
        %scatter3A_1014 = arith.constant 0 : i32
        %scatter3A_1015 = arith.constant 0 : i32
        %scatter3A_1016 = tpu.memref_slice %arg7[%scatter3A_1013, %scatter3A_1014, %scatter3A_1015] : memref<2x64x64xi32, #tpu.memory_space<vmem>> -> memref<1x64x64xi32, #tpu.memory_space<vmem>>
        %scatter3A_1017 = tpu.memref_squeeze %scatter3A_1016 : memref<1x64x64xi32, #tpu.memory_space<vmem>> -> memref<64x64xi32, #tpu.memory_space<vmem>>
        tpu.vector_store_idx %scatter3A_1017[%broadcast_in_dim3A_1004, %add3A_1012], %or3A_997 : memref<64x64xi32, #tpu.memory_space<vmem>>[vector<16xi32>, vector<16xi32>], vector<16xi32>,
        %scan3A_1018 = arith.constant 1 : i32
        %scan3A_1019 = arith.addi %scan3A_923, %scan3A_1018 : i32
        %mul3A_1020 = arith.constant 2 : i32
        %mul3A_1021 = arith.muli %mul3A_1020, %scan3A_1019 : i32
        %get3A_1022 = arith.constant 2 : i32
        %get3A_1023 = arith.index_cast %get3A_1022 : i32 to index
        %get3A_1024 = arith.index_cast %mul3A_1021 : i32 to index
        %get3A_1025 = arith.constant 0 : index
        %get3A_1026 = tpu.vector_load %arg6[%get3A_1023, %get3A_1024, %get3A_1025] {strides = array<i32>} : memref<4x128x32xi32, #tpu.memory_space<vmem>>, vector<16xi32>,
        %add3A_1027 = arith.constant 1 : i32
        %add3A_1028 = arith.addi %mul3A_1021, %add3A_1027 : i32
        %get3A_1029 = arith.constant 2 : i32
        %get3A_1030 = arith.index_cast %get3A_1029 : i32 to index
        %get3A_1031 = arith.index_cast %add3A_1028 : i32 to index
        %get3A_1032 = arith.constant 0 : index
        %get3A_1033 = tpu.vector_load %arg6[%get3A_1030, %get3A_1031, %get3A_1032] {strides = array<i32>} : memref<4x128x32xi32, #tpu.memory_space<vmem>>, vector<16xi32>,
        %and3A_1034 = arith.constant 65535 : i32
        %and3A_1035 = vector.broadcast %and3A_1034 : i32 to vector<16xi32>
        %and3A_1036 = arith.andi %get3A_1026, %and3A_1035 : vector<16xi32>
        %shift_left3A_1037 = arith.constant 16 : i32
        %shift_left3A_1038 = vector.broadcast %shift_left3A_1037 : i32 to vector<16xi32>
        %shift_left3A_1039 = arith.shli %get3A_1033, %shift_left3A_1038 : vector<16xi32>
        %or3A_1040 = arith.ori %and3A_1036, %shift_left3A_1039 : vector<16xi32>
        %shift_right_arithmetic3A_1041 = arith.constant 16 : i32
        %shift_right_arithmetic3A_1042 = vector.broadcast %shift_right_arithmetic3A_1041 : i32 to vector<16xi32>
        %shift_right_arithmetic3A_1043 = arith.shrsi %get3A_1026, %shift_right_arithmetic3A_1042 : vector<16xi32>
        %and3A_1044 = arith.constant 65535 : i32
        %and3A_1045 = vector.broadcast %and3A_1044 : i32 to vector<16xi32>
        %and3A_1046 = arith.andi %shift_right_arithmetic3A_1043, %and3A_1045 : vector<16xi32>
        %and3A_1047 = arith.constant -65536 : i32
        %and3A_1048 = vector.broadcast %and3A_1047 : i32 to vector<16xi32>
        %and3A_1049 = arith.andi %get3A_1033, %and3A_1048 : vector<16xi32>
        %or3A_1050 = arith.ori %and3A_1046, %and3A_1049 : vector<16xi32>
        %mul3A_1051 = arith.constant 2 : i32
        %mul3A_1052 = vector.broadcast %mul3A_1051 : i32 to vector<16xi32>
        %mul3A_1053 = arith.muli %mul3A_1052, %iota3A : vector<16xi32>
        %add3A_1054 = arith.constant 0 : i32
        %add3A_1055 = vector.broadcast %add3A_1054 : i32 to vector<16xi32>
        %add3A_1056 = arith.addi %mul3A_1053, %add3A_1055 : vector<16xi32>
        %broadcast_in_dim3A_1057 = vector.broadcast %scan3A_1019 : i32 to vector<16xi32>
        %scatter3A_1058 = arith.constant 0 : i32
        %scatter3A_1059 = arith.constant 0 : i32
        %scatter3A_1060 = arith.constant 0 : i32
        %scatter3A_1061 = tpu.memref_slice %arg7[%scatter3A_1058, %scatter3A_1059, %scatter3A_1060] : memref<2x64x64xi32, #tpu.memory_space<vmem>> -> memref<1x64x64xi32, #tpu.memory_space<vmem>>
        %scatter3A_1062 = tpu.memref_squeeze %scatter3A_1061 : memref<1x64x64xi32, #tpu.memory_space<vmem>> -> memref<64x64xi32, #tpu.memory_space<vmem>>
        tpu.vector_store_idx %scatter3A_1062[%broadcast_in_dim3A_1057, %add3A_1056], %or3A_1040 : memref<64x64xi32, #tpu.memory_space<vmem>>[vector<16xi32>, vector<16xi32>], vector<16xi32>,
        %add3A_1063 = arith.constant 1 : i32
        %add3A_1064 = vector.broadcast %add3A_1063 : i32 to vector<16xi32>
        %add3A_1065 = arith.addi %add3A_1056, %add3A_1064 : vector<16xi32>
        %scatter3A_1066 = arith.constant 0 : i32
        %scatter3A_1067 = arith.constant 0 : i32
        %scatter3A_1068 = arith.constant 0 : i32
        %scatter3A_1069 = tpu.memref_slice %arg7[%scatter3A_1066, %scatter3A_1067, %scatter3A_1068] : memref<2x64x64xi32, #tpu.memory_space<vmem>> -> memref<1x64x64xi32, #tpu.memory_space<vmem>>
        %scatter3A_1070 = tpu.memref_squeeze %scatter3A_1069 : memref<1x64x64xi32, #tpu.memory_space<vmem>> -> memref<64x64xi32, #tpu.memory_space<vmem>>
        tpu.vector_store_idx %scatter3A_1070[%broadcast_in_dim3A_1057, %add3A_1065], %or3A_1050 : memref<64x64xi32, #tpu.memory_space<vmem>>[vector<16xi32>, vector<16xi32>], vector<16xi32>,
        %get3A_1071 = arith.constant 2 : i32
        %get3A_1072 = arith.index_cast %get3A_1071 : i32 to index
        %get3A_1073 = arith.index_cast %mul3A_1021 : i32 to index
        %get3A_1074 = arith.constant 16 : index
        %get3A_1075 = tpu.vector_load %arg6[%get3A_1072, %get3A_1073, %get3A_1074] {strides = array<i32>} : memref<4x128x32xi32, #tpu.memory_space<vmem>>, vector<16xi32>,
        %add3A_1076 = arith.constant 1 : i32
        %add3A_1077 = arith.addi %mul3A_1021, %add3A_1076 : i32
        %get3A_1078 = arith.constant 2 : i32
        %get3A_1079 = arith.index_cast %get3A_1078 : i32 to index
        %get3A_1080 = arith.index_cast %add3A_1077 : i32 to index
        %get3A_1081 = arith.constant 16 : index
        %get3A_1082 = tpu.vector_load %arg6[%get3A_1079, %get3A_1080, %get3A_1081] {strides = array<i32>} : memref<4x128x32xi32, #tpu.memory_space<vmem>>, vector<16xi32>,
        %and3A_1083 = arith.constant 65535 : i32
        %and3A_1084 = vector.broadcast %and3A_1083 : i32 to vector<16xi32>
        %and3A_1085 = arith.andi %get3A_1075, %and3A_1084 : vector<16xi32>
        %shift_left3A_1086 = arith.constant 16 : i32
        %shift_left3A_1087 = vector.broadcast %shift_left3A_1086 : i32 to vector<16xi32>
        %shift_left3A_1088 = arith.shli %get3A_1082, %shift_left3A_1087 : vector<16xi32>
        %or3A_1089 = arith.ori %and3A_1085, %shift_left3A_1088 : vector<16xi32>
        %shift_right_arithmetic3A_1090 = arith.constant 16 : i32
        %shift_right_arithmetic3A_1091 = vector.broadcast %shift_right_arithmetic3A_1090 : i32 to vector<16xi32>
        %shift_right_arithmetic3A_1092 = arith.shrsi %get3A_1075, %shift_right_arithmetic3A_1091 : vector<16xi32>
        %and3A_1093 = arith.constant 65535 : i32
        %and3A_1094 = vector.broadcast %and3A_1093 : i32 to vector<16xi32>
        %and3A_1095 = arith.andi %shift_right_arithmetic3A_1092, %and3A_1094 : vector<16xi32>
        %and3A_1096 = arith.constant -65536 : i32
        %and3A_1097 = vector.broadcast %and3A_1096 : i32 to vector<16xi32>
        %and3A_1098 = arith.andi %get3A_1082, %and3A_1097 : vector<16xi32>
        %or3A_1099 = arith.ori %and3A_1095, %and3A_1098 : vector<16xi32>
        %mul3A_1100 = arith.constant 2 : i32
        %mul3A_1101 = vector.broadcast %mul3A_1100 : i32 to vector<16xi32>
        %mul3A_1102 = arith.muli %mul3A_1101, %iota3A : vector<16xi32>
        %add3A_1103 = arith.constant 32 : i32
        %add3A_1104 = vector.broadcast %add3A_1103 : i32 to vector<16xi32>
        %add3A_1105 = arith.addi %mul3A_1102, %add3A_1104 : vector<16xi32>
        %broadcast_in_dim3A_1106 = vector.broadcast %scan3A_1019 : i32 to vector<16xi32>
        %scatter3A_1107 = arith.constant 0 : i32
        %scatter3A_1108 = arith.constant 0 : i32
        %scatter3A_1109 = arith.constant 0 : i32
        %scatter3A_1110 = tpu.memref_slice %arg7[%scatter3A_1107, %scatter3A_1108, %scatter3A_1109] : memref<2x64x64xi32, #tpu.memory_space<vmem>> -> memref<1x64x64xi32, #tpu.memory_space<vmem>>
        %scatter3A_1111 = tpu.memref_squeeze %scatter3A_1110 : memref<1x64x64xi32, #tpu.memory_space<vmem>> -> memref<64x64xi32, #tpu.memory_space<vmem>>
        tpu.vector_store_idx %scatter3A_1111[%broadcast_in_dim3A_1106, %add3A_1105], %or3A_1089 : memref<64x64xi32, #tpu.memory_space<vmem>>[vector<16xi32>, vector<16xi32>], vector<16xi32>,
        %add3A_1112 = arith.constant 1 : i32
        %add3A_1113 = vector.broadcast %add3A_1112 : i32 to vector<16xi32>
        %add3A_1114 = arith.addi %add3A_1105, %add3A_1113 : vector<16xi32>
        %scatter3A_1115 = arith.constant 0 : i32
        %scatter3A_1116 = arith.constant 0 : i32
        %scatter3A_1117 = arith.constant 0 : i32
        %scatter3A_1118 = tpu.memref_slice %arg7[%scatter3A_1115, %scatter3A_1116, %scatter3A_1117] : memref<2x64x64xi32, #tpu.memory_space<vmem>> -> memref<1x64x64xi32, #tpu.memory_space<vmem>>
        %scatter3A_1119 = tpu.memref_squeeze %scatter3A_1118 : memref<1x64x64xi32, #tpu.memory_space<vmem>> -> memref<64x64xi32, #tpu.memory_space<vmem>>
        tpu.vector_store_idx %scatter3A_1119[%broadcast_in_dim3A_1106, %add3A_1114], %or3A_1099 : memref<64x64xi32, #tpu.memory_space<vmem>>[vector<16xi32>, vector<16xi32>], vector<16xi32>,
      }
      %scan3A_761 = arith.constant 64 : i32
      %mul3A_762 = arith.constant 128 : i32
      %mul3A_763 = arith.muli %add3A_700, %mul3A_762 : i32
      %add3A_764 = arith.addi %mul3A_2, %mul3A_763 : i32
      %jit3A_765 = arith.constant 2 : i32
      %div3A_766 = arith.divsi %add3A_764, %jit3A_765 : i32
      %sign3A_767 = arith.constant 0 : i32
      %sign3A_768 = arith.cmpi sgt, %add3A_764, %sign3A_767 : i32
      %sign3A_769 = arith.extui %sign3A_768 : i1 to i32
      %sign3A_770 = arith.constant 0 : i32
      %sign3A_771 = arith.cmpi slt, %add3A_764, %sign3A_770 : i32
      %sign3A_772 = arith.extui %sign3A_771 : i1 to i32
      %sign3A_773 = arith.subi %sign3A_769, %sign3A_772 : i32
      %sign3A_774 = arith.constant 0 : i32
      %sign3A_775 = arith.cmpi sgt, %jit3A_765, %sign3A_774 : i32
      %sign3A_776 = arith.extui %sign3A_775 : i1 to i32
      %sign3A_777 = arith.constant 0 : i32
      %sign3A_778 = arith.cmpi slt, %jit3A_765, %sign3A_777 : i32
      %sign3A_779 = arith.extui %sign3A_778 : i1 to i32
      %sign3A_780 = arith.subi %sign3A_776, %sign3A_779 : i32
      %ne3A_781 = arith.cmpi ne, %sign3A_773, %sign3A_780 : i32
      %rem3A_782 = arith.remsi %add3A_764, %jit3A_765 : i32
      %ne3A_783 = arith.constant 0 : i32
      %ne3A_784 = arith.cmpi ne, %rem3A_782, %ne3A_783 : i32
      %and3A_785 = arith.andi %ne3A_781, %ne3A_784 : i1
      %sub3A_786 = arith.constant 1 : i32
      %sub3A_787 = arith.subi %div3A_766, %sub3A_786 : i32
      %select_n3A_788 = arith.select %and3A_785, %sub3A_787, %div3A_766 : i32
      %multiple_of3A_789 = tpu.assume_multiple %select_n3A_788, 64 : i32
      %dma_start3A_790 = arith.constant 0 : i32
      %dma_start3A_791 = arith.constant 0 : i32
      %dma_start3A_792 = arith.constant 0 : i32
      %dma_start3A_793 = tpu.memref_slice %arg7[%dma_start3A_790, %dma_start3A_791, %dma_start3A_792] : memref<2x64x64xi32, #tpu.memory_space<vmem>> -> memref<1x64x64xi32, #tpu.memory_space<vmem>>
      %dma_start3A_794 = tpu.memref_squeeze %dma_start3A_793 : memref<1x64x64xi32, #tpu.memory_space<vmem>> -> memref<64x64xi32, #tpu.memory_space<vmem>>
      %dma_start3A_795 = arith.constant 0 : i32
      %dma_start3A_796 = tpu.memref_slice %arg4[%multiple_of3A_789, %dma_start3A_795] : memref<409600x64xi32, #tpu.memory_space<hbm>> -> memref<64x64xi32, #tpu.memory_space<hbm>>
      %dma_start3A_797 = arith.constant 0 : i32
      %dma_start3A_798 = tpu.memref_slice %arg4[%multiple_of3A_789, %dma_start3A_797] : memref<409600x64xi32, #tpu.memory_space<hbm>> -> memref<64x64xi32, #tpu.memory_space<hbm>>
      %dma_start3A_799 = arith.constant 0 : i32
      %dma_start3A_800 = arith.constant 0 : i32
      %dma_start3A_801 = tpu.memref_slice %arg7[%dma_start3A_790, %dma_start3A_799, %dma_start3A_800] : memref<2x64x64xi32, #tpu.memory_space<vmem>> -> memref<1x64x64xi32, #tpu.memory_space<vmem>>
      %dma_start3A_802 = tpu.memref_squeeze %dma_start3A_801 : memref<1x64x64xi32, #tpu.memory_space<vmem>> -> memref<64x64xi32, #tpu.memory_space<vmem>>
      tpu.enqueue_dma source(%dma_start3A_802 : memref<64x64xi32, #tpu.memory_space<vmem>>) target(%dma_start3A_798 : memref<64x64xi32, #tpu.memory_space<hbm>>) target_semaphore(%arg12 : memref<!tpu.dma_semaphore, #tpu.memory_space<semaphore_mem>>)
      %add3A_803 = arith.constant 4 : i32
      %add3A_804 = arith.addi %add3A_700, %add3A_803 : i32
      %lt3A_805 = arith.constant 200 : i32
      %lt3A_806 = arith.cmpi slt, %add3A_804, %lt3A_805 : i32
      %convert_element_type3A_807 = arith.extui %lt3A_806 : i1 to i32
      %cond3A_808 = arith.constant 0 : i32
      %cond3A_809 = arith.cmpi ne, %convert_element_type3A_807, %cond3A_808 : i32
      scf.if %cond3A_809 {
        %add3A_923 = arith.constant 4 : i32
        %add3A_924 = arith.addi %add3A_700, %add3A_923 : i32
        %mul3A_925 = arith.constant 128 : i32
        %mul3A_926 = arith.muli %add3A_924, %mul3A_925 : i32
        %multiple_of3A_927 = tpu.assume_multiple %mul3A_926, 128 : i32
        %dma_start3A_928 = arith.constant 2 : i32
        %dma_start3A_929 = arith.constant 0 : i32
        %dma_start3A_930 = arith.constant 0 : i32
        %dma_start3A_931 = tpu.memref_slice %arg6[%dma_start3A_928, %dma_start3A_929, %dma_start3A_930] : memref<4x128x32xi32, #tpu.memory_space<vmem>> -> memref<1x128x32xi32, #tpu.memory_space<vmem>>
        %dma_start3A_932 = tpu.memref_squeeze %dma_start3A_931 : memref<1x128x32xi32, #tpu.memory_space<vmem>> -> memref<128x32xi32, #tpu.memory_space<vmem>>
        %dma_start3A_933 = tpu.memref_slice %arg5[%multiple_of3A_927] : memref<25600xi32, #tpu.memory_space<vmem>> -> memref<128xi32, #tpu.memory_space<vmem>>
        %dma_start3A_934 = arith.constant 0 : i32
        %dma_start3A_935 = arith.constant 0 : i32
        %dma_start3A_936 = tpu.memref_slice %arg3[%dma_start3A_934, %dma_start3A_935] : memref<1000000x32xi32, #tpu.memory_space<hbm>> -> memref<1000000x32xi32, #tpu.memory_space<hbm>>
        tpu.enqueue_indirect_dma source(%dma_start3A_936 : memref<1000000x32xi32, #tpu.memory_space<hbm>>) target(%dma_start3A_932 : memref<128x32xi32, #tpu.memory_space<vmem>>) offsets(%dma_start3A_933 : memref<128xi32, #tpu.memory_space<vmem>>) semaphore(%arg10 : memref<!tpu.dma_semaphore, #tpu.memory_space<semaphore_mem>>)
      } else {
      }
      %mul3A_810 = arith.constant 4 : i32
      %mul3A_811 = arith.muli %scan3A_473, %mul3A_810 : i32
      %add3A_812 = arith.constant 3 : i32
      %add3A_813 = arith.addi %mul3A_811, %add3A_812 : i32
      %mul3A_814 = arith.constant 128 : i32
      %mul3A_815 = arith.muli %add3A_813, %mul3A_814 : i32
      %multiple_of3A_816 = tpu.assume_multiple %mul3A_815, 128 : i32
      %dma_wait3A_817 = arith.constant 3 : i32
      %dma_wait3A_818 = arith.constant 0 : i32
      %dma_wait3A_819 = arith.constant 0 : i32
      %dma_wait3A_820 = tpu.memref_slice %arg6[%dma_wait3A_817, %dma_wait3A_818, %dma_wait3A_819] : memref<4x128x32xi32, #tpu.memory_space<vmem>> -> memref<1x128x32xi32, #tpu.memory_space<vmem>>
      %dma_wait3A_821 = tpu.memref_squeeze %dma_wait3A_820 : memref<1x128x32xi32, #tpu.memory_space<vmem>> -> memref<128x32xi32, #tpu.memory_space<vmem>>
      %dma_wait3A_822 = tpu.memref_slice %arg5[%multiple_of3A_816] : memref<25600xi32, #tpu.memory_space<vmem>> -> memref<128xi32, #tpu.memory_space<vmem>>
      %dma_wait3A_823 = arith.constant 0 : i32
      %dma_wait3A_824 = arith.constant 0 : i32
      %dma_wait3A_825 = tpu.memref_slice %arg3[%dma_wait3A_823, %dma_wait3A_824] : memref<1000000x32xi32, #tpu.memory_space<hbm>> -> memref<1000000x32xi32, #tpu.memory_space<hbm>>
      tpu.wait_indirect_dma semaphore(%arg11 : memref<!tpu.dma_semaphore, #tpu.memory_space<semaphore_mem>>) src(%dma_wait3A_825 : memref<1000000x32xi32, #tpu.memory_space<hbm>>) dst(%dma_wait3A_821 : memref<128x32xi32, #tpu.memory_space<vmem>>)
      %sub3A_826 = arith.constant 2 : i32
      %sub3A_827 = arith.subi %add3A_813, %sub3A_826 : i32
      %mul3A_828 = arith.constant 128 : i32
      %mul3A_829 = arith.muli %sub3A_827, %mul3A_828 : i32
      %add3A_830 = arith.addi %mul3A_2, %mul3A_829 : i32
      %jit3A_831 = arith.constant 2 : i32
      %div3A_832 = arith.divsi %add3A_830, %jit3A_831 : i32
      %sign3A_833 = arith.constant 0 : i32
      %sign3A_834 = arith.cmpi sgt, %add3A_830, %sign3A_833 : i32
      %sign3A_835 = arith.extui %sign3A_834 : i1 to i32
      %sign3A_836 = arith.constant 0 : i32
      %sign3A_837 = arith.cmpi slt, %add3A_830, %sign3A_836 : i32
      %sign3A_838 = arith.extui %sign3A_837 : i1 to i32
      %sign3A_839 = arith.subi %sign3A_835, %sign3A_838 : i32
      %sign3A_840 = arith.constant 0 : i32
      %sign3A_841 = arith.cmpi sgt, %jit3A_831, %sign3A_840 : i32
      %sign3A_842 = arith.extui %sign3A_841 : i1 to i32
      %sign3A_843 = arith.constant 0 : i32
      %sign3A_844 = arith.cmpi slt, %jit3A_831, %sign3A_843 : i32
      %sign3A_845 = arith.extui %sign3A_844 : i1 to i32
      %sign3A_846 = arith.subi %sign3A_842, %sign3A_845 : i32
      %ne3A_847 = arith.cmpi ne, %sign3A_839, %sign3A_846 : i32
      %rem3A_848 = arith.remsi %add3A_830, %jit3A_831 : i32
      %ne3A_849 = arith.constant 0 : i32
      %ne3A_850 = arith.cmpi ne, %rem3A_848, %ne3A_849 : i32
      %and3A_851 = arith.andi %ne3A_847, %ne3A_850 : i1
      %sub3A_852 = arith.constant 1 : i32
      %sub3A_853 = arith.subi %div3A_832, %sub3A_852 : i32
      %select_n3A_854 = arith.select %and3A_851, %sub3A_853, %div3A_832 : i32
      %multiple_of3A_855 = tpu.assume_multiple %select_n3A_854, 64 : i32
      %dma_wait3A_856 = arith.constant 1 : i32
      %dma_wait3A_857 = arith.constant 0 : i32
      %dma_wait3A_858 = arith.constant 0 : i32
      %dma_wait3A_859 = tpu.memref_slice %arg7[%dma_wait3A_856, %dma_wait3A_857, %dma_wait3A_858] : memref<2x64x64xi32, #tpu.memory_space<vmem>> -> memref<1x64x64xi32, #tpu.memory_space<vmem>>
      %dma_wait3A_860 = tpu.memref_squeeze %dma_wait3A_859 : memref<1x64x64xi32, #tpu.memory_space<vmem>> -> memref<64x64xi32, #tpu.memory_space<vmem>>
      %dma_wait3A_861 = arith.constant 0 : i32
      %dma_wait3A_862 = tpu.memref_slice %arg4[%multiple_of3A_855, %dma_wait3A_861] : memref<409600x64xi32, #tpu.memory_space<hbm>> -> memref<64x64xi32, #tpu.memory_space<hbm>>
      %dma_wait3A_863 = arith.constant 0 : i32
      %dma_wait3A_864 = tpu.memref_slice %arg4[%multiple_of3A_855, %dma_wait3A_863] : memref<409600x64xi32, #tpu.memory_space<hbm>> -> memref<64x64xi32, #tpu.memory_space<hbm>>
      %dma_wait3A_865 = arith.constant 0 : i32
      %dma_wait3A_866 = arith.constant 0 : i32
      %dma_wait3A_867 = tpu.memref_slice %arg7[%dma_wait3A_856, %dma_wait3A_865, %dma_wait3A_866] : memref<2x64x64xi32, #tpu.memory_space<vmem>> -> memref<1x64x64xi32, #tpu.memory_space<vmem>>
      %dma_wait3A_868 = tpu.memref_squeeze %dma_wait3A_867 : memref<1x64x64xi32, #tpu.memory_space<vmem>> -> memref<64x64xi32, #tpu.memory_space<vmem>>
      tpu.wait_dma2 semaphore(%arg13 : memref<!tpu.dma_semaphore, #tpu.memory_space<semaphore_mem>>) src(%dma_wait3A_868 : memref<64x64xi32, #tpu.memory_space<vmem>>) dst(%dma_wait3A_864 : memref<64x64xi32, #tpu.memory_space<hbm>>)
      %scan3A_869 = arith.constant 0 : i32
      %scan3A_870 = arith.constant 0 : i32
      %scan3A_871 = arith.constant 64 : i32
      %scan3A_872 = arith.addi %scan3A_870, %scan3A_871 : i32
      %scan3A_873 = arith.constant 2 : i32
      scf.for %scan3A_923 = %scan3A_870 to %scan3A_872 step %scan3A_873  : i32 {
        %mul3A_924 = arith.constant 2 : i32
        %mul3A_925 = arith.muli %mul3A_924, %scan3A_923 : i32
        %get3A = arith.constant 3 : i32
        %get3A_926 = arith.index_cast %get3A : i32 to index
        %get3A_927 = arith.index_cast %mul3A_925 : i32 to index
        %get3A_928 = arith.constant 0 : index
        %get3A_929 = tpu.vector_load %arg6[%get3A_926, %get3A_927, %get3A_928] {strides = array<i32>} : memref<4x128x32xi32, #tpu.memory_space<vmem>>, vector<16xi32>,
        %add3A_930 = arith.constant 1 : i32
        %add3A_931 = arith.addi %mul3A_925, %add3A_930 : i32
        %get3A_932 = arith.constant 3 : i32
        %get3A_933 = arith.index_cast %get3A_932 : i32 to index
        %get3A_934 = arith.index_cast %add3A_931 : i32 to index
        %get3A_935 = arith.constant 0 : index
        %get3A_936 = tpu.vector_load %arg6[%get3A_933, %get3A_934, %get3A_935] {strides = array<i32>} : memref<4x128x32xi32, #tpu.memory_space<vmem>>, vector<16xi32>,
        %and3A_937 = arith.constant 65535 : i32
        %and3A_938 = vector.broadcast %and3A_937 : i32 to vector<16xi32>
        %and3A_939 = arith.andi %get3A_929, %and3A_938 : vector<16xi32>
        %shift_left3A = arith.constant 16 : i32
        %shift_left3A_940 = vector.broadcast %shift_left3A : i32 to vector<16xi32>
        %shift_left3A_941 = arith.shli %get3A_936, %shift_left3A_940 : vector<16xi32>
        %or3A = arith.ori %and3A_939, %shift_left3A_941 : vector<16xi32>
        %shift_right_arithmetic3A = arith.constant 16 : i32
        %shift_right_arithmetic3A_942 = vector.broadcast %shift_right_arithmetic3A : i32 to vector<16xi32>
        %shift_right_arithmetic3A_943 = arith.shrsi %get3A_929, %shift_right_arithmetic3A_942 : vector<16xi32>
        %and3A_944 = arith.constant 65535 : i32
        %and3A_945 = vector.broadcast %and3A_944 : i32 to vector<16xi32>
        %and3A_946 = arith.andi %shift_right_arithmetic3A_943, %and3A_945 : vector<16xi32>
        %and3A_947 = arith.constant -65536 : i32
        %and3A_948 = vector.broadcast %and3A_947 : i32 to vector<16xi32>
        %and3A_949 = arith.andi %get3A_936, %and3A_948 : vector<16xi32>
        %or3A_950 = arith.ori %and3A_946, %and3A_949 : vector<16xi32>
        %mul3A_951 = arith.constant 2 : i32
        %mul3A_952 = vector.broadcast %mul3A_951 : i32 to vector<16xi32>
        %mul3A_953 = arith.muli %mul3A_952, %iota3A : vector<16xi32>
        %add3A_954 = arith.constant 0 : i32
        %add3A_955 = vector.broadcast %add3A_954 : i32 to vector<16xi32>
        %add3A_956 = arith.addi %mul3A_953, %add3A_955 : vector<16xi32>
        %broadcast_in_dim3A = vector.broadcast %scan3A_923 : i32 to vector<16xi32>
        %scatter3A = arith.constant 1 : i32
        %scatter3A_957 = arith.constant 0 : i32
        %scatter3A_958 = arith.constant 0 : i32
        %scatter3A_959 = tpu.memref_slice %arg7[%scatter3A, %scatter3A_957, %scatter3A_958] : memref<2x64x64xi32, #tpu.memory_space<vmem>> -> memref<1x64x64xi32, #tpu.memory_space<vmem>>
        %scatter3A_960 = tpu.memref_squeeze %scatter3A_959 : memref<1x64x64xi32, #tpu.memory_space<vmem>> -> memref<64x64xi32, #tpu.memory_space<vmem>>
        tpu.vector_store_idx %scatter3A_960[%broadcast_in_dim3A, %add3A_956], %or3A : memref<64x64xi32, #tpu.memory_space<vmem>>[vector<16xi32>, vector<16xi32>], vector<16xi32>,
        %add3A_961 = arith.constant 1 : i32
        %add3A_962 = vector.broadcast %add3A_961 : i32 to vector<16xi32>
        %add3A_963 = arith.addi %add3A_956, %add3A_962 : vector<16xi32>
        %scatter3A_964 = arith.constant 1 : i32
        %scatter3A_965 = arith.constant 0 : i32
        %scatter3A_966 = arith.constant 0 : i32
        %scatter3A_967 = tpu.memref_slice %arg7[%scatter3A_964, %scatter3A_965, %scatter3A_966] : memref<2x64x64xi32, #tpu.memory_space<vmem>> -> memref<1x64x64xi32, #tpu.memory_space<vmem>>
        %scatter3A_968 = tpu.memref_squeeze %scatter3A_967 : memref<1x64x64xi32, #tpu.memory_space<vmem>> -> memref<64x64xi32, #tpu.memory_space<vmem>>
        tpu.vector_store_idx %scatter3A_968[%broadcast_in_dim3A, %add3A_963], %or3A_950 : memref<64x64xi32, #tpu.memory_space<vmem>>[vector<16xi32>, vector<16xi32>], vector<16xi32>,
        %get3A_969 = arith.constant 3 : i32
        %get3A_970 = arith.index_cast %get3A_969 : i32 to index
        %get3A_971 = arith.index_cast %mul3A_925 : i32 to index
        %get3A_972 = arith.constant 16 : index
        %get3A_973 = tpu.vector_load %arg6[%get3A_970, %get3A_971, %get3A_972] {strides = array<i32>} : memref<4x128x32xi32, #tpu.memory_space<vmem>>, vector<16xi32>,
        %add3A_974 = arith.constant 1 : i32
        %add3A_975 = arith.addi %mul3A_925, %add3A_974 : i32
        %get3A_976 = arith.constant 3 : i32
        %get3A_977 = arith.index_cast %get3A_976 : i32 to index
        %get3A_978 = arith.index_cast %add3A_975 : i32 to index
        %get3A_979 = arith.constant 16 : index
        %get3A_980 = tpu.vector_load %arg6[%get3A_977, %get3A_978, %get3A_979] {strides = array<i32>} : memref<4x128x32xi32, #tpu.memory_space<vmem>>, vector<16xi32>,
        %and3A_981 = arith.constant 65535 : i32
        %and3A_982 = vector.broadcast %and3A_981 : i32 to vector<16xi32>
        %and3A_983 = arith.andi %get3A_973, %and3A_982 : vector<16xi32>
        %shift_left3A_984 = arith.constant 16 : i32
        %shift_left3A_985 = vector.broadcast %shift_left3A_984 : i32 to vector<16xi32>
        %shift_left3A_986 = arith.shli %get3A_980, %shift_left3A_985 : vector<16xi32>
        %or3A_987 = arith.ori %and3A_983, %shift_left3A_986 : vector<16xi32>
        %shift_right_arithmetic3A_988 = arith.constant 16 : i32
        %shift_right_arithmetic3A_989 = vector.broadcast %shift_right_arithmetic3A_988 : i32 to vector<16xi32>
        %shift_right_arithmetic3A_990 = arith.shrsi %get3A_973, %shift_right_arithmetic3A_989 : vector<16xi32>
        %and3A_991 = arith.constant 65535 : i32
        %and3A_992 = vector.broadcast %and3A_991 : i32 to vector<16xi32>
        %and3A_993 = arith.andi %shift_right_arithmetic3A_990, %and3A_992 : vector<16xi32>
        %and3A_994 = arith.constant -65536 : i32
        %and3A_995 = vector.broadcast %and3A_994 : i32 to vector<16xi32>
        %and3A_996 = arith.andi %get3A_980, %and3A_995 : vector<16xi32>
        %or3A_997 = arith.ori %and3A_993, %and3A_996 : vector<16xi32>
        %mul3A_998 = arith.constant 2 : i32
        %mul3A_999 = vector.broadcast %mul3A_998 : i32 to vector<16xi32>
        %mul3A_1000 = arith.muli %mul3A_999, %iota3A : vector<16xi32>
        %add3A_1001 = arith.constant 32 : i32
        %add3A_1002 = vector.broadcast %add3A_1001 : i32 to vector<16xi32>
        %add3A_1003 = arith.addi %mul3A_1000, %add3A_1002 : vector<16xi32>
        %broadcast_in_dim3A_1004 = vector.broadcast %scan3A_923 : i32 to vector<16xi32>
        %scatter3A_1005 = arith.constant 1 : i32
        %scatter3A_1006 = arith.constant 0 : i32
        %scatter3A_1007 = arith.constant 0 : i32
        %scatter3A_1008 = tpu.memref_slice %arg7[%scatter3A_1005, %scatter3A_1006, %scatter3A_1007] : memref<2x64x64xi32, #tpu.memory_space<vmem>> -> memref<1x64x64xi32, #tpu.memory_space<vmem>>
        %scatter3A_1009 = tpu.memref_squeeze %scatter3A_1008 : memref<1x64x64xi32, #tpu.memory_space<vmem>> -> memref<64x64xi32, #tpu.memory_space<vmem>>
        tpu.vector_store_idx %scatter3A_1009[%broadcast_in_dim3A_1004, %add3A_1003], %or3A_987 : memref<64x64xi32, #tpu.memory_space<vmem>>[vector<16xi32>, vector<16xi32>], vector<16xi32>,
        %add3A_1010 = arith.constant 1 : i32
        %add3A_1011 = vector.broadcast %add3A_1010 : i32 to vector<16xi32>
        %add3A_1012 = arith.addi %add3A_1003, %add3A_1011 : vector<16xi32>
        %scatter3A_1013 = arith.constant 1 : i32
        %scatter3A_1014 = arith.constant 0 : i32
        %scatter3A_1015 = arith.constant 0 : i32
        %scatter3A_1016 = tpu.memref_slice %arg7[%scatter3A_1013, %scatter3A_1014, %scatter3A_1015] : memref<2x64x64xi32, #tpu.memory_space<vmem>> -> memref<1x64x64xi32, #tpu.memory_space<vmem>>
        %scatter3A_1017 = tpu.memref_squeeze %scatter3A_1016 : memref<1x64x64xi32, #tpu.memory_space<vmem>> -> memref<64x64xi32, #tpu.memory_space<vmem>>
        tpu.vector_store_idx %scatter3A_1017[%broadcast_in_dim3A_1004, %add3A_1012], %or3A_997 : memref<64x64xi32, #tpu.memory_space<vmem>>[vector<16xi32>, vector<16xi32>], vector<16xi32>,
        %scan3A_1018 = arith.constant 1 : i32
        %scan3A_1019 = arith.addi %scan3A_923, %scan3A_1018 : i32
        %mul3A_1020 = arith.constant 2 : i32
        %mul3A_1021 = arith.muli %mul3A_1020, %scan3A_1019 : i32
        %get3A_1022 = arith.constant 3 : i32
        %get3A_1023 = arith.index_cast %get3A_1022 : i32 to index
        %get3A_1024 = arith.index_cast %mul3A_1021 : i32 to index
        %get3A_1025 = arith.constant 0 : index
        %get3A_1026 = tpu.vector_load %arg6[%get3A_1023, %get3A_1024, %get3A_1025] {strides = array<i32>} : memref<4x128x32xi32, #tpu.memory_space<vmem>>, vector<16xi32>,
        %add3A_1027 = arith.constant 1 : i32
        %add3A_1028 = arith.addi %mul3A_1021, %add3A_1027 : i32
        %get3A_1029 = arith.constant 3 : i32
        %get3A_1030 = arith.index_cast %get3A_1029 : i32 to index
        %get3A_1031 = arith.index_cast %add3A_1028 : i32 to index
        %get3A_1032 = arith.constant 0 : index
        %get3A_1033 = tpu.vector_load %arg6[%get3A_1030, %get3A_1031, %get3A_1032] {strides = array<i32>} : memref<4x128x32xi32, #tpu.memory_space<vmem>>, vector<16xi32>,
        %and3A_1034 = arith.constant 65535 : i32
        %and3A_1035 = vector.broadcast %and3A_1034 : i32 to vector<16xi32>
        %and3A_1036 = arith.andi %get3A_1026, %and3A_1035 : vector<16xi32>
        %shift_left3A_1037 = arith.constant 16 : i32
        %shift_left3A_1038 = vector.broadcast %shift_left3A_1037 : i32 to vector<16xi32>
        %shift_left3A_1039 = arith.shli %get3A_1033, %shift_left3A_1038 : vector<16xi32>
        %or3A_1040 = arith.ori %and3A_1036, %shift_left3A_1039 : vector<16xi32>
        %shift_right_arithmetic3A_1041 = arith.constant 16 : i32
        %shift_right_arithmetic3A_1042 = vector.broadcast %shift_right_arithmetic3A_1041 : i32 to vector<16xi32>
        %shift_right_arithmetic3A_1043 = arith.shrsi %get3A_1026, %shift_right_arithmetic3A_1042 : vector<16xi32>
        %and3A_1044 = arith.constant 65535 : i32
        %and3A_1045 = vector.broadcast %and3A_1044 : i32 to vector<16xi32>
        %and3A_1046 = arith.andi %shift_right_arithmetic3A_1043, %and3A_1045 : vector<16xi32>
        %and3A_1047 = arith.constant -65536 : i32
        %and3A_1048 = vector.broadcast %and3A_1047 : i32 to vector<16xi32>
        %and3A_1049 = arith.andi %get3A_1033, %and3A_1048 : vector<16xi32>
        %or3A_1050 = arith.ori %and3A_1046, %and3A_1049 : vector<16xi32>
        %mul3A_1051 = arith.constant 2 : i32
        %mul3A_1052 = vector.broadcast %mul3A_1051 : i32 to vector<16xi32>
        %mul3A_1053 = arith.muli %mul3A_1052, %iota3A : vector<16xi32>
        %add3A_1054 = arith.constant 0 : i32
        %add3A_1055 = vector.broadcast %add3A_1054 : i32 to vector<16xi32>
        %add3A_1056 = arith.addi %mul3A_1053, %add3A_1055 : vector<16xi32>
        %broadcast_in_dim3A_1057 = vector.broadcast %scan3A_1019 : i32 to vector<16xi32>
        %scatter3A_1058 = arith.constant 1 : i32
        %scatter3A_1059 = arith.constant 0 : i32
        %scatter3A_1060 = arith.constant 0 : i32
        %scatter3A_1061 = tpu.memref_slice %arg7[%scatter3A_1058, %scatter3A_1059, %scatter3A_1060] : memref<2x64x64xi32, #tpu.memory_space<vmem>> -> memref<1x64x64xi32, #tpu.memory_space<vmem>>
        %scatter3A_1062 = tpu.memref_squeeze %scatter3A_1061 : memref<1x64x64xi32, #tpu.memory_space<vmem>> -> memref<64x64xi32, #tpu.memory_space<vmem>>
        tpu.vector_store_idx %scatter3A_1062[%broadcast_in_dim3A_1057, %add3A_1056], %or3A_1040 : memref<64x64xi32, #tpu.memory_space<vmem>>[vector<16xi32>, vector<16xi32>], vector<16xi32>,
        %add3A_1063 = arith.constant 1 : i32
        %add3A_1064 = vector.broadcast %add3A_1063 : i32 to vector<16xi32>
        %add3A_1065 = arith.addi %add3A_1056, %add3A_1064 : vector<16xi32>
        %scatter3A_1066 = arith.constant 1 : i32
        %scatter3A_1067 = arith.constant 0 : i32
        %scatter3A_1068 = arith.constant 0 : i32
        %scatter3A_1069 = tpu.memref_slice %arg7[%scatter3A_1066, %scatter3A_1067, %scatter3A_1068] : memref<2x64x64xi32, #tpu.memory_space<vmem>> -> memref<1x64x64xi32, #tpu.memory_space<vmem>>
        %scatter3A_1070 = tpu.memref_squeeze %scatter3A_1069 : memref<1x64x64xi32, #tpu.memory_space<vmem>> -> memref<64x64xi32, #tpu.memory_space<vmem>>
        tpu.vector_store_idx %scatter3A_1070[%broadcast_in_dim3A_1057, %add3A_1065], %or3A_1050 : memref<64x64xi32, #tpu.memory_space<vmem>>[vector<16xi32>, vector<16xi32>], vector<16xi32>,
        %get3A_1071 = arith.constant 3 : i32
        %get3A_1072 = arith.index_cast %get3A_1071 : i32 to index
        %get3A_1073 = arith.index_cast %mul3A_1021 : i32 to index
        %get3A_1074 = arith.constant 16 : index
        %get3A_1075 = tpu.vector_load %arg6[%get3A_1072, %get3A_1073, %get3A_1074] {strides = array<i32>} : memref<4x128x32xi32, #tpu.memory_space<vmem>>, vector<16xi32>,
        %add3A_1076 = arith.constant 1 : i32
        %add3A_1077 = arith.addi %mul3A_1021, %add3A_1076 : i32
        %get3A_1078 = arith.constant 3 : i32
        %get3A_1079 = arith.index_cast %get3A_1078 : i32 to index
        %get3A_1080 = arith.index_cast %add3A_1077 : i32 to index
        %get3A_1081 = arith.constant 16 : index
        %get3A_1082 = tpu.vector_load %arg6[%get3A_1079, %get3A_1080, %get3A_1081] {strides = array<i32>} : memref<4x128x32xi32, #tpu.memory_space<vmem>>, vector<16xi32>,
        %and3A_1083 = arith.constant 65535 : i32
        %and3A_1084 = vector.broadcast %and3A_1083 : i32 to vector<16xi32>
        %and3A_1085 = arith.andi %get3A_1075, %and3A_1084 : vector<16xi32>
        %shift_left3A_1086 = arith.constant 16 : i32
        %shift_left3A_1087 = vector.broadcast %shift_left3A_1086 : i32 to vector<16xi32>
        %shift_left3A_1088 = arith.shli %get3A_1082, %shift_left3A_1087 : vector<16xi32>
        %or3A_1089 = arith.ori %and3A_1085, %shift_left3A_1088 : vector<16xi32>
        %shift_right_arithmetic3A_1090 = arith.constant 16 : i32
        %shift_right_arithmetic3A_1091 = vector.broadcast %shift_right_arithmetic3A_1090 : i32 to vector<16xi32>
        %shift_right_arithmetic3A_1092 = arith.shrsi %get3A_1075, %shift_right_arithmetic3A_1091 : vector<16xi32>
        %and3A_1093 = arith.constant 65535 : i32
        %and3A_1094 = vector.broadcast %and3A_1093 : i32 to vector<16xi32>
        %and3A_1095 = arith.andi %shift_right_arithmetic3A_1092, %and3A_1094 : vector<16xi32>
        %and3A_1096 = arith.constant -65536 : i32
        %and3A_1097 = vector.broadcast %and3A_1096 : i32 to vector<16xi32>
        %and3A_1098 = arith.andi %get3A_1082, %and3A_1097 : vector<16xi32>
        %or3A_1099 = arith.ori %and3A_1095, %and3A_1098 : vector<16xi32>
        %mul3A_1100 = arith.constant 2 : i32
        %mul3A_1101 = vector.broadcast %mul3A_1100 : i32 to vector<16xi32>
        %mul3A_1102 = arith.muli %mul3A_1101, %iota3A : vector<16xi32>
        %add3A_1103 = arith.constant 32 : i32
        %add3A_1104 = vector.broadcast %add3A_1103 : i32 to vector<16xi32>
        %add3A_1105 = arith.addi %mul3A_1102, %add3A_1104 : vector<16xi32>
        %broadcast_in_dim3A_1106 = vector.broadcast %scan3A_1019 : i32 to vector<16xi32>
        %scatter3A_1107 = arith.constant 1 : i32
        %scatter3A_1108 = arith.constant 0 : i32
        %scatter3A_1109 = arith.constant 0 : i32
        %scatter3A_1110 = tpu.memref_slice %arg7[%scatter3A_1107, %scatter3A_1108, %scatter3A_1109] : memref<2x64x64xi32, #tpu.memory_space<vmem>> -> memref<1x64x64xi32, #tpu.memory_space<vmem>>
        %scatter3A_1111 = tpu.memref_squeeze %scatter3A_1110 : memref<1x64x64xi32, #tpu.memory_space<vmem>> -> memref<64x64xi32, #tpu.memory_space<vmem>>
        tpu.vector_store_idx %scatter3A_1111[%broadcast_in_dim3A_1106, %add3A_1105], %or3A_1089 : memref<64x64xi32, #tpu.memory_space<vmem>>[vector<16xi32>, vector<16xi32>], vector<16xi32>,
        %add3A_1112 = arith.constant 1 : i32
        %add3A_1113 = vector.broadcast %add3A_1112 : i32 to vector<16xi32>
        %add3A_1114 = arith.addi %add3A_1105, %add3A_1113 : vector<16xi32>
        %scatter3A_1115 = arith.constant 1 : i32
        %scatter3A_1116 = arith.constant 0 : i32
        %scatter3A_1117 = arith.constant 0 : i32
        %scatter3A_1118 = tpu.memref_slice %arg7[%scatter3A_1115, %scatter3A_1116, %scatter3A_1117] : memref<2x64x64xi32, #tpu.memory_space<vmem>> -> memref<1x64x64xi32, #tpu.memory_space<vmem>>
        %scatter3A_1119 = tpu.memref_squeeze %scatter3A_1118 : memref<1x64x64xi32, #tpu.memory_space<vmem>> -> memref<64x64xi32, #tpu.memory_space<vmem>>
        tpu.vector_store_idx %scatter3A_1119[%broadcast_in_dim3A_1106, %add3A_1114], %or3A_1099 : memref<64x64xi32, #tpu.memory_space<vmem>>[vector<16xi32>, vector<16xi32>], vector<16xi32>,
      }
      %scan3A_874 = arith.constant 64 : i32
      %mul3A_875 = arith.constant 128 : i32
      %mul3A_876 = arith.muli %add3A_813, %mul3A_875 : i32
      %add3A_877 = arith.addi %mul3A_2, %mul3A_876 : i32
      %jit3A_878 = arith.constant 2 : i32
      %div3A_879 = arith.divsi %add3A_877, %jit3A_878 : i32
      %sign3A_880 = arith.constant 0 : i32
      %sign3A_881 = arith.cmpi sgt, %add3A_877, %sign3A_880 : i32
      %sign3A_882 = arith.extui %sign3A_881 : i1 to i32
      %sign3A_883 = arith.constant 0 : i32
      %sign3A_884 = arith.cmpi slt, %add3A_877, %sign3A_883 : i32
      %sign3A_885 = arith.extui %sign3A_884 : i1 to i32
      %sign3A_886 = arith.subi %sign3A_882, %sign3A_885 : i32
      %sign3A_887 = arith.constant 0 : i32
      %sign3A_888 = arith.cmpi sgt, %jit3A_878, %sign3A_887 : i32
      %sign3A_889 = arith.extui %sign3A_888 : i1 to i32
      %sign3A_890 = arith.constant 0 : i32
      %sign3A_891 = arith.cmpi slt, %jit3A_878, %sign3A_890 : i32
      %sign3A_892 = arith.extui %sign3A_891 : i1 to i32
      %sign3A_893 = arith.subi %sign3A_889, %sign3A_892 : i32
      %ne3A_894 = arith.cmpi ne, %sign3A_886, %sign3A_893 : i32
      %rem3A_895 = arith.remsi %add3A_877, %jit3A_878 : i32
      %ne3A_896 = arith.constant 0 : i32
      %ne3A_897 = arith.cmpi ne, %rem3A_895, %ne3A_896 : i32
      %and3A_898 = arith.andi %ne3A_894, %ne3A_897 : i1
      %sub3A_899 = arith.constant 1 : i32
      %sub3A_900 = arith.subi %div3A_879, %sub3A_899 : i32
      %select_n3A_901 = arith.select %and3A_898, %sub3A_900, %div3A_879 : i32
      %multiple_of3A_902 = tpu.assume_multiple %select_n3A_901, 64 : i32
      %dma_start3A_903 = arith.constant 1 : i32
      %dma_start3A_904 = arith.constant 0 : i32
      %dma_start3A_905 = arith.constant 0 : i32
      %dma_start3A_906 = tpu.memref_slice %arg7[%dma_start3A_903, %dma_start3A_904, %dma_start3A_905] : memref<2x64x64xi32, #tpu.memory_space<vmem>> -> memref<1x64x64xi32, #tpu.memory_space<vmem>>
      %dma_start3A_907 = tpu.memref_squeeze %dma_start3A_906 : memref<1x64x64xi32, #tpu.memory_space<vmem>> -> memref<64x64xi32, #tpu.memory_space<vmem>>
      %dma_start3A_908 = arith.constant 0 : i32
      %dma_start3A_909 = tpu.memref_slice %arg4[%multiple_of3A_902, %dma_start3A_908] : memref<409600x64xi32, #tpu.memory_space<hbm>> -> memref<64x64xi32, #tpu.memory_space<hbm>>
      %dma_start3A_910 = arith.constant 0 : i32
      %dma_start3A_911 = tpu.memref_slice %arg4[%multiple_of3A_902, %dma_start3A_910] : memref<409600x64xi32, #tpu.memory_space<hbm>> -> memref<64x64xi32, #tpu.memory_space<hbm>>
      %dma_start3A_912 = arith.constant 0 : i32
      %dma_start3A_913 = arith.constant 0 : i32
      %dma_start3A_914 = tpu.memref_slice %arg7[%dma_start3A_903, %dma_start3A_912, %dma_start3A_913] : memref<2x64x64xi32, #tpu.memory_space<vmem>> -> memref<1x64x64xi32, #tpu.memory_space<vmem>>
      %dma_start3A_915 = tpu.memref_squeeze %dma_start3A_914 : memref<1x64x64xi32, #tpu.memory_space<vmem>> -> memref<64x64xi32, #tpu.memory_space<vmem>>
      tpu.enqueue_dma source(%dma_start3A_915 : memref<64x64xi32, #tpu.memory_space<vmem>>) target(%dma_start3A_911 : memref<64x64xi32, #tpu.memory_space<hbm>>) target_semaphore(%arg13 : memref<!tpu.dma_semaphore, #tpu.memory_space<semaphore_mem>>)
      %add3A_916 = arith.constant 4 : i32
      %add3A_917 = arith.addi %add3A_813, %add3A_916 : i32
      %lt3A_918 = arith.constant 200 : i32
      %lt3A_919 = arith.cmpi slt, %add3A_917, %lt3A_918 : i32
      %convert_element_type3A_920 = arith.extui %lt3A_919 : i1 to i32
      %cond3A_921 = arith.constant 0 : i32
      %cond3A_922 = arith.cmpi ne, %convert_element_type3A_920, %cond3A_921 : i32
      scf.if %cond3A_922 {
        %add3A_923 = arith.constant 4 : i32
        %add3A_924 = arith.addi %add3A_813, %add3A_923 : i32
        %mul3A_925 = arith.constant 128 : i32
        %mul3A_926 = arith.muli %add3A_924, %mul3A_925 : i32
        %multiple_of3A_927 = tpu.assume_multiple %mul3A_926, 128 : i32
        %dma_start3A_928 = arith.constant 3 : i32
        %dma_start3A_929 = arith.constant 0 : i32
        %dma_start3A_930 = arith.constant 0 : i32
        %dma_start3A_931 = tpu.memref_slice %arg6[%dma_start3A_928, %dma_start3A_929, %dma_start3A_930] : memref<4x128x32xi32, #tpu.memory_space<vmem>> -> memref<1x128x32xi32, #tpu.memory_space<vmem>>
        %dma_start3A_932 = tpu.memref_squeeze %dma_start3A_931 : memref<1x128x32xi32, #tpu.memory_space<vmem>> -> memref<128x32xi32, #tpu.memory_space<vmem>>
        %dma_start3A_933 = tpu.memref_slice %arg5[%multiple_of3A_927] : memref<25600xi32, #tpu.memory_space<vmem>> -> memref<128xi32, #tpu.memory_space<vmem>>
        %dma_start3A_934 = arith.constant 0 : i32
        %dma_start3A_935 = arith.constant 0 : i32
        %dma_start3A_936 = tpu.memref_slice %arg3[%dma_start3A_934, %dma_start3A_935] : memref<1000000x32xi32, #tpu.memory_space<hbm>> -> memref<1000000x32xi32, #tpu.memory_space<hbm>>
        tpu.enqueue_indirect_dma source(%dma_start3A_936 : memref<1000000x32xi32, #tpu.memory_space<hbm>>) target(%dma_start3A_932 : memref<128x32xi32, #tpu.memory_space<vmem>>) offsets(%dma_start3A_933 : memref<128xi32, #tpu.memory_space<vmem>>) semaphore(%arg11 : memref<!tpu.dma_semaphore, #tpu.memory_space<semaphore_mem>>)
      } else {
      }
    }
    %scan3A_392 = arith.constant 49 : i32
    %add3A_393 = arith.constant 25344 : i32
    %add3A_394 = arith.addi %mul3A_2, %add3A_393 : i32
    %jit3A_395 = arith.constant 2 : i32
    %div3A_396 = arith.divsi %add3A_394, %jit3A_395 : i32
    %sign3A_397 = arith.constant 0 : i32
    %sign3A_398 = arith.cmpi sgt, %add3A_394, %sign3A_397 : i32
    %sign3A_399 = arith.extui %sign3A_398 : i1 to i32
    %sign3A_400 = arith.constant 0 : i32
    %sign3A_401 = arith.cmpi slt, %add3A_394, %sign3A_400 : i32
    %sign3A_402 = arith.extui %sign3A_401 : i1 to i32
    %sign3A_403 = arith.subi %sign3A_399, %sign3A_402 : i32
    %sign3A_404 = arith.constant 0 : i32
    %sign3A_405 = arith.cmpi sgt, %jit3A_395, %sign3A_404 : i32
    %sign3A_406 = arith.extui %sign3A_405 : i1 to i32
    %sign3A_407 = arith.constant 0 : i32
    %sign3A_408 = arith.cmpi slt, %jit3A_395, %sign3A_407 : i32
    %sign3A_409 = arith.extui %sign3A_408 : i1 to i32
    %sign3A_410 = arith.subi %sign3A_406, %sign3A_409 : i32
    %ne3A_411 = arith.cmpi ne, %sign3A_403, %sign3A_410 : i32
    %rem3A_412 = arith.remsi %add3A_394, %jit3A_395 : i32
    %ne3A_413 = arith.constant 0 : i32
    %ne3A_414 = arith.cmpi ne, %rem3A_412, %ne3A_413 : i32
    %and3A_415 = arith.andi %ne3A_411, %ne3A_414 : i1
    %sub3A_416 = arith.constant 1 : i32
    %sub3A_417 = arith.subi %div3A_396, %sub3A_416 : i32
    %select_n3A_418 = arith.select %and3A_415, %sub3A_417, %div3A_396 : i32
    %multiple_of3A_419 = tpu.assume_multiple %select_n3A_418, 64 : i32
    %dma_wait3A_420 = arith.constant 0 : i32
    %dma_wait3A_421 = arith.constant 0 : i32
    %dma_wait3A_422 = arith.constant 0 : i32
    %dma_wait3A_423 = tpu.memref_slice %arg7[%dma_wait3A_420, %dma_wait3A_421, %dma_wait3A_422] : memref<2x64x64xi32, #tpu.memory_space<vmem>> -> memref<1x64x64xi32, #tpu.memory_space<vmem>>
    %dma_wait3A_424 = tpu.memref_squeeze %dma_wait3A_423 : memref<1x64x64xi32, #tpu.memory_space<vmem>> -> memref<64x64xi32, #tpu.memory_space<vmem>>
    %dma_wait3A_425 = arith.constant 0 : i32
    %dma_wait3A_426 = tpu.memref_slice %arg4[%multiple_of3A_419, %dma_wait3A_425] : memref<409600x64xi32, #tpu.memory_space<hbm>> -> memref<64x64xi32, #tpu.memory_space<hbm>>
    %dma_wait3A_427 = arith.constant 0 : i32
    %dma_wait3A_428 = tpu.memref_slice %arg4[%multiple_of3A_419, %dma_wait3A_427] : memref<409600x64xi32, #tpu.memory_space<hbm>> -> memref<64x64xi32, #tpu.memory_space<hbm>>
    %dma_wait3A_429 = arith.constant 0 : i32
    %dma_wait3A_430 = arith.constant 0 : i32
    %dma_wait3A_431 = tpu.memref_slice %arg7[%dma_wait3A_420, %dma_wait3A_429, %dma_wait3A_430] : memref<2x64x64xi32, #tpu.memory_space<vmem>> -> memref<1x64x64xi32, #tpu.memory_space<vmem>>
    %dma_wait3A_432 = tpu.memref_squeeze %dma_wait3A_431 : memref<1x64x64xi32, #tpu.memory_space<vmem>> -> memref<64x64xi32, #tpu.memory_space<vmem>>
    tpu.wait_dma2 semaphore(%arg12 : memref<!tpu.dma_semaphore, #tpu.memory_space<semaphore_mem>>) src(%dma_wait3A_432 : memref<64x64xi32, #tpu.memory_space<vmem>>) dst(%dma_wait3A_428 : memref<64x64xi32, #tpu.memory_space<hbm>>)
    %add3A_433 = arith.constant 25472 : i32
    %add3A_434 = arith.addi %mul3A_2, %add3A_433 : i32
    %jit3A_435 = arith.constant 2 : i32
    %div3A_436 = arith.divsi %add3A_434, %jit3A_435 : i32
    %sign3A_437 = arith.constant 0 : i32
    %sign3A_438 = arith.cmpi sgt, %add3A_434, %sign3A_437 : i32
    %sign3A_439 = arith.extui %sign3A_438 : i1 to i32
    %sign3A_440 = arith.constant 0 : i32
    %sign3A_441 = arith.cmpi slt, %add3A_434, %sign3A_440 : i32
    %sign3A_442 = arith.extui %sign3A_441 : i1 to i32
    %sign3A_443 = arith.subi %sign3A_439, %sign3A_442 : i32
    %sign3A_444 = arith.constant 0 : i32
    %sign3A_445 = arith.cmpi sgt, %jit3A_435, %sign3A_444 : i32
    %sign3A_446 = arith.extui %sign3A_445 : i1 to i32
    %sign3A_447 = arith.constant 0 : i32
    %sign3A_448 = arith.cmpi slt, %jit3A_435, %sign3A_447 : i32
    %sign3A_449 = arith.extui %sign3A_448 : i1 to i32
    %sign3A_450 = arith.subi %sign3A_446, %sign3A_449 : i32
    %ne3A_451 = arith.cmpi ne, %sign3A_443, %sign3A_450 : i32
    %rem3A_452 = arith.remsi %add3A_434, %jit3A_435 : i32
    %ne3A_453 = arith.constant 0 : i32
    %ne3A_454 = arith.cmpi ne, %rem3A_452, %ne3A_453 : i32
    %and3A_455 = arith.andi %ne3A_451, %ne3A_454 : i1
    %sub3A_456 = arith.constant 1 : i32
    %sub3A_457 = arith.subi %div3A_436, %sub3A_456 : i32
    %select_n3A_458 = arith.select %and3A_455, %sub3A_457, %div3A_436 : i32
    %multiple_of3A_459 = tpu.assume_multiple %select_n3A_458, 64 : i32
    %dma_wait3A_460 = arith.constant 1 : i32
    %dma_wait3A_461 = arith.constant 0 : i32
    %dma_wait3A_462 = arith.constant 0 : i32
    %dma_wait3A_463 = tpu.memref_slice %arg7[%dma_wait3A_460, %dma_wait3A_461, %dma_wait3A_462] : memref<2x64x64xi32, #tpu.memory_space<vmem>> -> memref<1x64x64xi32, #tpu.memory_space<vmem>>
    %dma_wait3A_464 = tpu.memref_squeeze %dma_wait3A_463 : memref<1x64x64xi32, #tpu.memory_space<vmem>> -> memref<64x64xi32, #tpu.memory_space<vmem>>
    %dma_wait3A_465 = arith.constant 0 : i32
    %dma_wait3A_466 = tpu.memref_slice %arg4[%multiple_of3A_459, %dma_wait3A_465] : memref<409600x64xi32, #tpu.memory_space<hbm>> -> memref<64x64xi32, #tpu.memory_space<hbm>>
    %dma_wait3A_467 = arith.constant 0 : i32
    %dma_wait3A_468 = tpu.memref_slice %arg4[%multiple_of3A_459, %dma_wait3A_467] : memref<409600x64xi32, #tpu.memory_space<hbm>> -> memref<64x64xi32, #tpu.memory_space<hbm>>
    %dma_wait3A_469 = arith.constant 0 : i32
    %dma_wait3A_470 = arith.constant 0 : i32
    %dma_wait3A_471 = tpu.memref_slice %arg7[%dma_wait3A_460, %dma_wait3A_469, %dma_wait3A_470] : memref<2x64x64xi32, #tpu.memory_space<vmem>> -> memref<1x64x64xi32, #tpu.memory_space<vmem>>
    %dma_wait3A_472 = tpu.memref_squeeze %dma_wait3A_471 : memref<1x64x64xi32, #tpu.memory_space<vmem>> -> memref<64x64xi32, #tpu.memory_space<vmem>>
    tpu.wait_dma2 semaphore(%arg13 : memref<!tpu.dma_semaphore, #tpu.memory_space<semaphore_mem>>) src(%dma_wait3A_472 : memref<64x64xi32, #tpu.memory_space<vmem>>) dst(%dma_wait3A_468 : memref<64x64xi32, #tpu.memory_space<hbm>>)
    return
  }
}

module attributes {stable_mosaic.version = 14 : i64} {
  func.func @_unpack_body(%arg0: i32, %arg1: memref<1600x64xi32, #tpu.memory_space<vmem>>, %arg2: memref<16x200x64xbf16, #tpu.memory_space<vmem>>) attributes {dimension_semantics = [#tpu.dimension_semantics<arbitrary>], iteration_bounds = array<i64: 256>, scalar_prefetch = 0 : i64, scratch_operands = 0 : i64, tpu.core_type = #tpu.core_type<tc>, window_params = [{transform_indices = @transform_0, window_bounds = array<i64: 1600, 64>}, {transform_indices = @transform_1, window_bounds = array<i64: 16, 200, 64>}]} {
    %get3A = arith.constant 0 : index
    %get3A_0 = arith.constant 0 : index
    %get3A_1 = vector.load %arg1[%get3A, %get3A_0] : memref<1600x64xi32, #tpu.memory_space<vmem>>, vector<1600x64xi32>
    %bitcast3A = tpu.bitcast %get3A_1 : vector<1600x64xi32> -> vector<3200x64xbf16>
    %slice3A = vector.extract_strided_slice %bitcast3A {offsets = [0, 0], sizes = [200, 64], strides = [1, 1]} : vector<3200x64xbf16> to vector<200x64xbf16>
    %swap3A = arith.constant 0 : index
    %swap3A_2 = arith.constant 0 : index
    %swap3A_3 = arith.constant 0 : index
    %swap3A_4 = vector.load %arg2[%swap3A, %swap3A_2, %swap3A_3] : memref<16x200x64xbf16, #tpu.memory_space<vmem>>, vector<1x200x64xbf16>
    %swap3A_5 = vector.shape_cast %swap3A_4 : vector<1x200x64xbf16> to vector<200x64xbf16>
    %swap3A_6 = vector.shape_cast %slice3A : vector<200x64xbf16> to vector<1x200x64xbf16>
    tpu.vector_store %arg2[%swap3A, %swap3A_2, %swap3A_3], %swap3A_6 {strides = array<i32>} : memref<16x200x64xbf16, #tpu.memory_space<vmem>>, vector<1x200x64xbf16>,
    %slice3A_7 = vector.extract_strided_slice %bitcast3A {offsets = [200, 0], sizes = [200, 64], strides = [1, 1]} : vector<3200x64xbf16> to vector<200x64xbf16>
    %swap3A_8 = arith.constant 1 : index
    %swap3A_9 = arith.constant 0 : index
    %swap3A_10 = arith.constant 0 : index
    %swap3A_11 = vector.load %arg2[%swap3A_8, %swap3A_9, %swap3A_10] : memref<16x200x64xbf16, #tpu.memory_space<vmem>>, vector<1x200x64xbf16>
    %swap3A_12 = vector.shape_cast %swap3A_11 : vector<1x200x64xbf16> to vector<200x64xbf16>
    %swap3A_13 = vector.shape_cast %slice3A_7 : vector<200x64xbf16> to vector<1x200x64xbf16>
    tpu.vector_store %arg2[%swap3A_8, %swap3A_9, %swap3A_10], %swap3A_13 {strides = array<i32>} : memref<16x200x64xbf16, #tpu.memory_space<vmem>>, vector<1x200x64xbf16>,
    %slice3A_14 = vector.extract_strided_slice %bitcast3A {offsets = [400, 0], sizes = [200, 64], strides = [1, 1]} : vector<3200x64xbf16> to vector<200x64xbf16>
    %swap3A_15 = arith.constant 2 : index
    %swap3A_16 = arith.constant 0 : index
    %swap3A_17 = arith.constant 0 : index
    %swap3A_18 = vector.load %arg2[%swap3A_15, %swap3A_16, %swap3A_17] : memref<16x200x64xbf16, #tpu.memory_space<vmem>>, vector<1x200x64xbf16>
    %swap3A_19 = vector.shape_cast %swap3A_18 : vector<1x200x64xbf16> to vector<200x64xbf16>
    %swap3A_20 = vector.shape_cast %slice3A_14 : vector<200x64xbf16> to vector<1x200x64xbf16>
    tpu.vector_store %arg2[%swap3A_15, %swap3A_16, %swap3A_17], %swap3A_20 {strides = array<i32>} : memref<16x200x64xbf16, #tpu.memory_space<vmem>>, vector<1x200x64xbf16>,
    %slice3A_21 = vector.extract_strided_slice %bitcast3A {offsets = [600, 0], sizes = [200, 64], strides = [1, 1]} : vector<3200x64xbf16> to vector<200x64xbf16>
    %swap3A_22 = arith.constant 3 : index
    %swap3A_23 = arith.constant 0 : index
    %swap3A_24 = arith.constant 0 : index
    %swap3A_25 = vector.load %arg2[%swap3A_22, %swap3A_23, %swap3A_24] : memref<16x200x64xbf16, #tpu.memory_space<vmem>>, vector<1x200x64xbf16>
    %swap3A_26 = vector.shape_cast %swap3A_25 : vector<1x200x64xbf16> to vector<200x64xbf16>
    %swap3A_27 = vector.shape_cast %slice3A_21 : vector<200x64xbf16> to vector<1x200x64xbf16>
    tpu.vector_store %arg2[%swap3A_22, %swap3A_23, %swap3A_24], %swap3A_27 {strides = array<i32>} : memref<16x200x64xbf16, #tpu.memory_space<vmem>>, vector<1x200x64xbf16>,
    %slice3A_28 = vector.extract_strided_slice %bitcast3A {offsets = [800, 0], sizes = [200, 64], strides = [1, 1]} : vector<3200x64xbf16> to vector<200x64xbf16>
    %swap3A_29 = arith.constant 4 : index
    %swap3A_30 = arith.constant 0 : index
    %swap3A_31 = arith.constant 0 : index
    %swap3A_32 = vector.load %arg2[%swap3A_29, %swap3A_30, %swap3A_31] : memref<16x200x64xbf16, #tpu.memory_space<vmem>>, vector<1x200x64xbf16>
    %swap3A_33 = vector.shape_cast %swap3A_32 : vector<1x200x64xbf16> to vector<200x64xbf16>
    %swap3A_34 = vector.shape_cast %slice3A_28 : vector<200x64xbf16> to vector<1x200x64xbf16>
    tpu.vector_store %arg2[%swap3A_29, %swap3A_30, %swap3A_31], %swap3A_34 {strides = array<i32>} : memref<16x200x64xbf16, #tpu.memory_space<vmem>>, vector<1x200x64xbf16>,
    %slice3A_35 = vector.extract_strided_slice %bitcast3A {offsets = [1000, 0], sizes = [200, 64], strides = [1, 1]} : vector<3200x64xbf16> to vector<200x64xbf16>
    %swap3A_36 = arith.constant 5 : index
    %swap3A_37 = arith.constant 0 : index
    %swap3A_38 = arith.constant 0 : index
    %swap3A_39 = vector.load %arg2[%swap3A_36, %swap3A_37, %swap3A_38] : memref<16x200x64xbf16, #tpu.memory_space<vmem>>, vector<1x200x64xbf16>
    %swap3A_40 = vector.shape_cast %swap3A_39 : vector<1x200x64xbf16> to vector<200x64xbf16>
    %swap3A_41 = vector.shape_cast %slice3A_35 : vector<200x64xbf16> to vector<1x200x64xbf16>
    tpu.vector_store %arg2[%swap3A_36, %swap3A_37, %swap3A_38], %swap3A_41 {strides = array<i32>} : memref<16x200x64xbf16, #tpu.memory_space<vmem>>, vector<1x200x64xbf16>,
    %slice3A_42 = vector.extract_strided_slice %bitcast3A {offsets = [1200, 0], sizes = [200, 64], strides = [1, 1]} : vector<3200x64xbf16> to vector<200x64xbf16>
    %swap3A_43 = arith.constant 6 : index
    %swap3A_44 = arith.constant 0 : index
    %swap3A_45 = arith.constant 0 : index
    %swap3A_46 = vector.load %arg2[%swap3A_43, %swap3A_44, %swap3A_45] : memref<16x200x64xbf16, #tpu.memory_space<vmem>>, vector<1x200x64xbf16>
    %swap3A_47 = vector.shape_cast %swap3A_46 : vector<1x200x64xbf16> to vector<200x64xbf16>
    %swap3A_48 = vector.shape_cast %slice3A_42 : vector<200x64xbf16> to vector<1x200x64xbf16>
    tpu.vector_store %arg2[%swap3A_43, %swap3A_44, %swap3A_45], %swap3A_48 {strides = array<i32>} : memref<16x200x64xbf16, #tpu.memory_space<vmem>>, vector<1x200x64xbf16>,
    %slice3A_49 = vector.extract_strided_slice %bitcast3A {offsets = [1400, 0], sizes = [200, 64], strides = [1, 1]} : vector<3200x64xbf16> to vector<200x64xbf16>
    %swap3A_50 = arith.constant 7 : index
    %swap3A_51 = arith.constant 0 : index
    %swap3A_52 = arith.constant 0 : index
    %swap3A_53 = vector.load %arg2[%swap3A_50, %swap3A_51, %swap3A_52] : memref<16x200x64xbf16, #tpu.memory_space<vmem>>, vector<1x200x64xbf16>
    %swap3A_54 = vector.shape_cast %swap3A_53 : vector<1x200x64xbf16> to vector<200x64xbf16>
    %swap3A_55 = vector.shape_cast %slice3A_49 : vector<200x64xbf16> to vector<1x200x64xbf16>
    tpu.vector_store %arg2[%swap3A_50, %swap3A_51, %swap3A_52], %swap3A_55 {strides = array<i32>} : memref<16x200x64xbf16, #tpu.memory_space<vmem>>, vector<1x200x64xbf16>,
    %slice3A_56 = vector.extract_strided_slice %bitcast3A {offsets = [1600, 0], sizes = [200, 64], strides = [1, 1]} : vector<3200x64xbf16> to vector<200x64xbf16>
    %swap3A_57 = arith.constant 8 : index
    %swap3A_58 = arith.constant 0 : index
    %swap3A_59 = arith.constant 0 : index
    %swap3A_60 = vector.load %arg2[%swap3A_57, %swap3A_58, %swap3A_59] : memref<16x200x64xbf16, #tpu.memory_space<vmem>>, vector<1x200x64xbf16>
    %swap3A_61 = vector.shape_cast %swap3A_60 : vector<1x200x64xbf16> to vector<200x64xbf16>
    %swap3A_62 = vector.shape_cast %slice3A_56 : vector<200x64xbf16> to vector<1x200x64xbf16>
    tpu.vector_store %arg2[%swap3A_57, %swap3A_58, %swap3A_59], %swap3A_62 {strides = array<i32>} : memref<16x200x64xbf16, #tpu.memory_space<vmem>>, vector<1x200x64xbf16>,
    %slice3A_63 = vector.extract_strided_slice %bitcast3A {offsets = [1800, 0], sizes = [200, 64], strides = [1, 1]} : vector<3200x64xbf16> to vector<200x64xbf16>
    %swap3A_64 = arith.constant 9 : index
    %swap3A_65 = arith.constant 0 : index
    %swap3A_66 = arith.constant 0 : index
    %swap3A_67 = vector.load %arg2[%swap3A_64, %swap3A_65, %swap3A_66] : memref<16x200x64xbf16, #tpu.memory_space<vmem>>, vector<1x200x64xbf16>
    %swap3A_68 = vector.shape_cast %swap3A_67 : vector<1x200x64xbf16> to vector<200x64xbf16>
    %swap3A_69 = vector.shape_cast %slice3A_63 : vector<200x64xbf16> to vector<1x200x64xbf16>
    tpu.vector_store %arg2[%swap3A_64, %swap3A_65, %swap3A_66], %swap3A_69 {strides = array<i32>} : memref<16x200x64xbf16, #tpu.memory_space<vmem>>, vector<1x200x64xbf16>,
    %slice3A_70 = vector.extract_strided_slice %bitcast3A {offsets = [2000, 0], sizes = [200, 64], strides = [1, 1]} : vector<3200x64xbf16> to vector<200x64xbf16>
    %swap3A_71 = arith.constant 10 : index
    %swap3A_72 = arith.constant 0 : index
    %swap3A_73 = arith.constant 0 : index
    %swap3A_74 = vector.load %arg2[%swap3A_71, %swap3A_72, %swap3A_73] : memref<16x200x64xbf16, #tpu.memory_space<vmem>>, vector<1x200x64xbf16>
    %swap3A_75 = vector.shape_cast %swap3A_74 : vector<1x200x64xbf16> to vector<200x64xbf16>
    %swap3A_76 = vector.shape_cast %slice3A_70 : vector<200x64xbf16> to vector<1x200x64xbf16>
    tpu.vector_store %arg2[%swap3A_71, %swap3A_72, %swap3A_73], %swap3A_76 {strides = array<i32>} : memref<16x200x64xbf16, #tpu.memory_space<vmem>>, vector<1x200x64xbf16>,
    %slice3A_77 = vector.extract_strided_slice %bitcast3A {offsets = [2200, 0], sizes = [200, 64], strides = [1, 1]} : vector<3200x64xbf16> to vector<200x64xbf16>
    %swap3A_78 = arith.constant 11 : index
    %swap3A_79 = arith.constant 0 : index
    %swap3A_80 = arith.constant 0 : index
    %swap3A_81 = vector.load %arg2[%swap3A_78, %swap3A_79, %swap3A_80] : memref<16x200x64xbf16, #tpu.memory_space<vmem>>, vector<1x200x64xbf16>
    %swap3A_82 = vector.shape_cast %swap3A_81 : vector<1x200x64xbf16> to vector<200x64xbf16>
    %swap3A_83 = vector.shape_cast %slice3A_77 : vector<200x64xbf16> to vector<1x200x64xbf16>
    tpu.vector_store %arg2[%swap3A_78, %swap3A_79, %swap3A_80], %swap3A_83 {strides = array<i32>} : memref<16x200x64xbf16, #tpu.memory_space<vmem>>, vector<1x200x64xbf16>,
    %slice3A_84 = vector.extract_strided_slice %bitcast3A {offsets = [2400, 0], sizes = [200, 64], strides = [1, 1]} : vector<3200x64xbf16> to vector<200x64xbf16>
    %swap3A_85 = arith.constant 12 : index
    %swap3A_86 = arith.constant 0 : index
    %swap3A_87 = arith.constant 0 : index
    %swap3A_88 = vector.load %arg2[%swap3A_85, %swap3A_86, %swap3A_87] : memref<16x200x64xbf16, #tpu.memory_space<vmem>>, vector<1x200x64xbf16>
    %swap3A_89 = vector.shape_cast %swap3A_88 : vector<1x200x64xbf16> to vector<200x64xbf16>
    %swap3A_90 = vector.shape_cast %slice3A_84 : vector<200x64xbf16> to vector<1x200x64xbf16>
    tpu.vector_store %arg2[%swap3A_85, %swap3A_86, %swap3A_87], %swap3A_90 {strides = array<i32>} : memref<16x200x64xbf16, #tpu.memory_space<vmem>>, vector<1x200x64xbf16>,
    %slice3A_91 = vector.extract_strided_slice %bitcast3A {offsets = [2600, 0], sizes = [200, 64], strides = [1, 1]} : vector<3200x64xbf16> to vector<200x64xbf16>
    %swap3A_92 = arith.constant 13 : index
    %swap3A_93 = arith.constant 0 : index
    %swap3A_94 = arith.constant 0 : index
    %swap3A_95 = vector.load %arg2[%swap3A_92, %swap3A_93, %swap3A_94] : memref<16x200x64xbf16, #tpu.memory_space<vmem>>, vector<1x200x64xbf16>
    %swap3A_96 = vector.shape_cast %swap3A_95 : vector<1x200x64xbf16> to vector<200x64xbf16>
    %swap3A_97 = vector.shape_cast %slice3A_91 : vector<200x64xbf16> to vector<1x200x64xbf16>
    tpu.vector_store %arg2[%swap3A_92, %swap3A_93, %swap3A_94], %swap3A_97 {strides = array<i32>} : memref<16x200x64xbf16, #tpu.memory_space<vmem>>, vector<1x200x64xbf16>,
    %slice3A_98 = vector.extract_strided_slice %bitcast3A {offsets = [2800, 0], sizes = [200, 64], strides = [1, 1]} : vector<3200x64xbf16> to vector<200x64xbf16>
    %swap3A_99 = arith.constant 14 : index
    %swap3A_100 = arith.constant 0 : index
    %swap3A_101 = arith.constant 0 : index
    %swap3A_102 = vector.load %arg2[%swap3A_99, %swap3A_100, %swap3A_101] : memref<16x200x64xbf16, #tpu.memory_space<vmem>>, vector<1x200x64xbf16>
    %swap3A_103 = vector.shape_cast %swap3A_102 : vector<1x200x64xbf16> to vector<200x64xbf16>
    %swap3A_104 = vector.shape_cast %slice3A_98 : vector<200x64xbf16> to vector<1x200x64xbf16>
    tpu.vector_store %arg2[%swap3A_99, %swap3A_100, %swap3A_101], %swap3A_104 {strides = array<i32>} : memref<16x200x64xbf16, #tpu.memory_space<vmem>>, vector<1x200x64xbf16>,
    %slice3A_105 = vector.extract_strided_slice %bitcast3A {offsets = [3000, 0], sizes = [200, 64], strides = [1, 1]} : vector<3200x64xbf16> to vector<200x64xbf16>
    %swap3A_106 = arith.constant 15 : index
    %swap3A_107 = arith.constant 0 : index
    %swap3A_108 = arith.constant 0 : index
    %swap3A_109 = vector.load %arg2[%swap3A_106, %swap3A_107, %swap3A_108] : memref<16x200x64xbf16, #tpu.memory_space<vmem>>, vector<1x200x64xbf16>
    %swap3A_110 = vector.shape_cast %swap3A_109 : vector<1x200x64xbf16> to vector<200x64xbf16>
    %swap3A_111 = vector.shape_cast %slice3A_105 : vector<200x64xbf16> to vector<1x200x64xbf16>
    tpu.vector_store %arg2[%swap3A_106, %swap3A_107, %swap3A_108], %swap3A_111 {strides = array<i32>} : memref<16x200x64xbf16, #tpu.memory_space<vmem>>, vector<1x200x64xbf16>,
    return
  }
  func.func @transform_0(%arg0: i32) -> (i32, i32) {
    %c0_i32 = arith.constant 0 : i32
    %c0_i32_0 = arith.constant 0 : i32
    return %arg0, %c0_i32 : i32, i32
  }
  func.func @transform_1(%arg0: i32) -> (i32, i32, i32) {
    %c0_i32 = arith.constant 0 : i32
    %c0_i32_0 = arith.constant 0 : i32
    %c0_i32_1 = arith.constant 0 : i32
    return %arg0, %c0_i32, %c0_i32_0 : i32, i32, i32
  }
}

</mosaic_0001>

<sc_bundles>
// kernel: kernel.4.cloned.1.call-start
scs
__scs_entry_jumppad:
0x0: {  	(pc) =	sbr.rel $0x88, $3  }
0x1: {  	(tag) =	ssettag $0x0;
	lr =	simm.s32 $0x1  }
0x2: {  	[smem:$0x3F9F] =	sst lr;
	_ =	strace $0xD0000000  }
0x3: {  	_ = 	snop  }
0x4: {  	_ = 	snop  }
0x5: {  	_ = 	snop  }
0x6: {  	_ = 	snop  }
0x7: {  	_ = 	snop  }
__scs_overlays_trampoline_lowered:
0x8: {  	[smem:$0x3FAE] =	sst s0  }
0x9: {  	[smem:$0x3FAF] =	sst s1  }
0xa: {  	[smem:$0x3FB0] =	sst s2  }
0xb: {  	[smem:$0x3FB1] =	sst s3  }
0xc: {  	[smem:$0x3FB2] =	sst s4  }
0xd: {  	[smem:$0x3FB3] =	sst s5  }
0xe: {  	[smem:$0x3FB4] =	sst s6  }
0xf: {  	[smem:$0x3FB5] =	sst s7  }
0x10: {  	[smem:$0x3FB6] =	sst s8  }
0x11: {  	[smem:$0x3FB7] =	sst s9;
	s0 =	simm.s32 @!p0 $0x0  }
0x12: {  	s1 =	sld [smem:$0x3F9D];
	s0 =	simm.s32 @p0 $0x1  }
0x13: {  	[smem:$0x3FB8] =	sst s0;
	s0 =	simm.s32 @!p1 $0x0  }
0x14: {  	s2 =	sld [smem:$0x3F9C];
	s0 =	simm.s32 @p1 $0x1  }
0x15: {  	[smem:$0x3FB9] =	sst s0;
	s0 =	simm.s32 @!p2 $0x0  }
0x16: {  	s3 =	sld [smem:$0x3FDB];
	s0 =	simm.s32 @p2 $0x1  }
0x17: {  	s4 =	simm.s32 $0x1BF5;
	[smem:$0x3FBB] =	sst s0  }
0x18: {  	s0 =	sld [smem:$0x3F9E];
	_ =	swait.ge [sflag:s4], $0x0  }
0x19: {  	s7 =	sld [smem:$0x3F9F]  }
0x1a: {  	s8 =	sadd.s32 $0xFFFFE003, lr  }
0x1b: {  	s9 =	sadd.s32 $0xFFFFFEF7, lr;
	s5 =	simm.s32 $0xFFFFFFFF;
	p2 =	slt.u32 s8, $0xFFFFF086  }
0x1c: {  	p1 =	slt.u32 s9, $0xF7A;
	s5 =	simm.s32 @!p2 $0x0  }
0x1d: {  	s5 =	simm.s32 @p1 $0x1;
	p0 =	seq.s32 s7, s2  }
0x1e: {  	s7 =	smul.u32 @!p0 $0xF7A, s2;
	p2 =	seq.s32 @!p0 s5, $0x0  }
0x1f: {  	s9 =	smul.u32 $0xF7A, s1;
	s8 =	simm.s32 @!p0 $0x1BF5;
	p2 =	por !p2, p0  }
0x20: {  	[sflag:s8] =	ssyncset.s32 @!p0 $0xFFFFF086;
	s6 =	sadd.s32 @!p0 s3, s7;
	s7 =	simm.s32 @!p0 $0x108  }
0x21: {  	s3 =	sadd.s32 s3, s9;
	s6 =	sadd.s32 @!p0 $0x88, s6;
	s7 =	simm.s32 @p2 $0x1082  }
0x22: {  	[simem:s7], [sflag:s8] =	dma.local @!p0 [hbm:s6], $0xF7A  }
0x23: {  	s9 =	sor.u32 $0xD0000000, s2;
	s6 =	simm.s32 $0x108;
	_ =	swait.ge @!p0 [sflag:s8], $0x0  }
0x24: {  	s3 =	sadd.s32 $0x88, s3;
	s6 =	simm.s32 @!p1 $0x1082;
	[sflag:s4] =	ssyncset.s32 $0xFFFFF086  }
0x25: {  	[simem:s6], [sflag:s4] =	dma.local [hbm:s3], $0xF7A  }
0x26: {  	[smem:$0x3F9F] =	sst s1;
	(tag) =	ssettag s2;
	_ =	strace s9  }
0x27: {  	s1 =	sld [smem:$0x3FAF]  }
0x28: {  	s2 =	sld [smem:$0x3FB0]  }
0x29: {  	s4 =	sld [smem:$0x3FB2]  }
0x2a: {  	p0 =	seq.s32 s5, $0x0;
	s5 =	sld [smem:$0x3FB3]  }
0x2b: {  	s6 =	sld [smem:$0x3FB4]  }
0x2c: {  	s7 =	sld [smem:$0x3FB5]  }
0x2d: {  	s3 =	simm.s32 $0x108;
	s8 =	sld [smem:$0x3FB6]  }
0x2e: {  	s3 =	simm.s32 @!p0 $0x1082;
	s9 =	sld [smem:$0x3FB7]  }
0x2f: {  	lr =	sadd.s32 s0, s3;
	s0 =	sld [smem:$0x3FAE]  }
0x30: {  	s3 =	sld [smem:$0x3FB1]  }
0x31: {  	[smem:$0x3FBA] =	sst s10  }
0x32: {  	s10 =	sld [smem:$0x3FB8];
	_ =	sdelay $0x3  }
0x33: {  	p0 =	seq.s32 s10, $0x1;
	s10 =	sld [smem:$0x3FBA];
	_ =	sdelay $0x3  }
0x34: {  	[smem:$0x3FBA] =	sst s10  }
0x35: {  	s10 =	sld [smem:$0x3FB9];
	_ =	sdelay $0x3  }
0x36: {  	p1 =	seq.s32 s10, $0x1;
	s10 =	sld [smem:$0x3FBA];
	_ =	sdelay $0x3  }
0x37: {  	[smem:$0x3FBA] =	sst s10  }
0x38: {  	s10 =	sld [smem:$0x3FBB]  }
0x39: {  	_ = 	snop;
	(pc) =	sbr.ind lr, $3  }
0x3a: {  	_ = 	snop  }
0x3b: {  	_ = 	snop  }
0x3c: {  	p2 =	seq.s32 s10, $0x1;
	s10 =	sld [smem:$0x3FBA]  }
0x3d: {  	_ =	shalt  }
0x3e: {  	_ =	shalt  }
0x3f: {  	_ =	shalt  }
0x40: {  	_ =	shalt  }
0x41: {  	_ =	shalt  }
0x42: {  	_ =	shalt  }
0x43: {  	_ =	shalt  }
0x44: {  	_ =	shalt  }
0x45: {  	_ =	shalt  }
0x46: {  	_ =	shalt  }
0x47: {  	_ =	shalt  }
0x48: {  	_ =	shalt  }
0x49: {  	_ =	shalt  }
0x4a: {  	_ =	shalt  }
0x4b: {  	_ =	shalt  }
0x4c: {  	_ =	shalt  }
0x4d: {  	_ =	shalt  }
0x4e: {  	_ =	shalt  }
0x4f: {  	_ =	shalt  }
0x50: {  	_ =	shalt  }
0x51: {  	_ =	shalt  }
0x52: {  	_ =	shalt  }
0x53: {  	_ =	shalt  }
0x54: {  	_ =	shalt  }
0x55: {  	_ =	shalt  }
0x56: {  	_ =	shalt  }
0x57: {  	_ =	shalt  }
0x58: {  	_ =	shalt  }
0x59: {  	_ =	shalt  }
0x5a: {  	_ =	shalt  }
0x5b: {  	_ =	shalt  }
0x5c: {  	_ =	shalt  }
0x5d: {  	_ =	shalt  }
0x5e: {  	_ =	shalt  }
0x5f: {  	_ =	shalt  }
0x60: {  	_ =	shalt  }
0x61: {  	_ =	shalt  }
0x62: {  	_ =	shalt  }
0x63: {  	_ =	shalt  }
0x64: {  	_ =	shalt  }
0x65: {  	_ =	shalt  }
0x66: {  	_ =	shalt  }
0x67: {  	_ =	shalt  }
0x68: {  	_ =	shalt  }
0x69: {  	_ =	shalt  }
0x6a: {  	_ =	shalt  }
0x6b: {  	_ =	shalt  }
0x6c: {  	_ =	shalt  }
0x6d: {  	_ =	shalt  }
0x6e: {  	_ =	shalt  }
0x6f: {  	_ =	shalt  }
0x70: {  	_ =	shalt  }
0x71: {  	_ =	shalt  }
0x72: {  	_ =	shalt  }
0x73: {  	_ =	shalt  }
0x74: {  	_ =	shalt  }
0x75: {  	_ =	shalt  }
0x76: {  	_ =	shalt  }
0x77: {  	_ =	shalt  }
0x78: {  	_ =	shalt  }
0x79: {  	_ =	shalt  }
0x7a: {  	_ =	shalt  }
0x7b: {  	_ =	shalt  }
0x7c: {  	_ =	shalt  }
0x7d: {  	_ =	shalt  }
0x7e: {  	_ =	shalt  }
0x7f: {  	_ =	shalt  }
0x80: {  	_ =	shalt  }
0x81: {  	_ =	shalt  }
0x82: {  	_ =	shalt  }
0x83: {  	_ =	shalt  }
0x84: {  	_ =	shalt  }
0x85: {  	_ =	shalt  }
0x86: {  	_ =	shalt  }
0x87: {  	_ =	shalt  }
.Lfunc_end0:
.L_simem_size_0:
called_computation.1_lowered:
.L_overlay_start_0:
0x88: {  	s2 =	sld [smem:$0x3FD9]  }
0x89: {  	s3 =	sld [smem:$0x3FFE];
	_ =	sdelay $0x1  }
0x8a: {  	s1 =	srdreg.scid  }
0x8b: {  	s0 =	sand.u32 $0x1, s1  }
0x8c: {  	s17 =	sshll.u32 s0, $0xA;
	s2 =	sadd.s32 s3, s2  }
0x8d: {  	s2 =	sadd.s32 s2, s17  }
0x8e: {  	[smem:$0x3FC6] =	sst s2  }
0x8f: {  	_ = 	snop  }
0x90: {  	s2 =	sld [smem:$0x3FD0];
	(tm) =	ssettm $0x1  }
0x91: {  	s18 =	sld [smem:$0x3FFB];
	_ =	sdelay $0x3  }
0x92: {  	_ =	strace s18  }
0x93: {  	s3 =	sld [smem:$0x3FFC];
	_ =	sdelay $0x3  }
0x94: {  	_ =	strace s3  }
0x95: {  	s3 =	sld [smem:$0x3FFD];
	_ =	sdelay $0x3  }
0x96: {  	_ =	strace s3  }
0x97: {  	_ =	strace $0x8FFFFFFF  }
0x98: {  	s19 =	sld [smem:$0x3FDB];
	_ =	sdelay $0x1  }
0x99: {  	s4 =	simm.s32 $_scs_section_size  }
0x9a: {  	s5 =	simm.s32 $_size__tile_overlayer_lowered;
	s6 =	simm.s32 $_tile_overlayer_lowered  }
0x9b: {  	s22 =	simm.s32 $0x1BFF;
	s21 =	sshll.u32 s6, $0x1;
	s3 =	sadd.s32 s4, s19  }
0x9c: {  	s7 =	simm.s32 $0x0;
	s20 =	sshll.u32 s5, $0x1;
	s5 =	sadd.s32 s21, s3  }
0x9d: {  	[timem:s7], [sflag:s22] =	dma.local [hbm:s5], s20  }
0x9e: {  	_ =	swait.ge [sflag:s22], s20  }
0x9f: {  	s4 =	ssub.s32 $0x0, s20;
	[sflag:s22] =	ssyncset.done $0x0  }
0xa0: {  	[sflag:s22] =	ssyncadd.s32 s4;
	_ =	sdelay $0x1  }
0xa1: {  	s23 =	simm.s32 $0x1B8B  }
0xa2: {  	_ =	swait.ge [sflag:s23], $0x1  }
0xa3: {  	[sflag:s23] =	ssyncset.done $0x0  }
0xa4: {  	s25 =	simm.s32 $0x1B8E;
	s24 =	sld [smem:$0x3FFE];
	[sflag:s23] =	ssyncadd.s32 $0xFFFFFFFF  }
0xa5: {  	s26 =	simm.s32 $execute0_lowered;
	[smem:$0x3FD2] =	sst s25  }
0xa6: {  	s5 =	sshll.u32 s26, $0x1;
	_ =	strace $0x80000049;
	[dreg:$0x1] =	wrdreg $0xFFFFFFFF  }
0xa7: {  	s28 =	simm.s32 $_size_execute0_lowered;
	s3 =	sadd.s32 s3, s5;
	[dreg:$0x0] =	wrdreg $0x0  }
0xa8: {  	s5 =	sshll.u32 s28, $0x1;
	[dreg:$0x2] =	wrdreg s3  }
0xa9: {  	[dreg:$0x3] =	wrdreg s5  }
0xaa: {  	[dreg:$0x4] =	wrdreg $0xC0  }
0xab: {  	_ =	task [dreg:s7], $0x5FFFF  }
0xac: {  	[dreg:$0x1] =	wrdreg $0xFFFFFFFF  }
0xad: {  	[dreg:$0x0] =	wrdreg $0x60  }
0xae: {  	[dreg:$0x2] =	wrdreg s24  }
0xaf: {  	[dreg:$0x3] =	wrdreg s2  }
0xb0: {  	[dreg:$0x4] =	wrdreg $0x9  }
0xb1: {  	_ =	task.clear_ibuf [dreg:s7], $0x5FFFF;
	_ =	strace $0x90000049  }
0xb2: {  	s29 =	simm.s32 $0x9;
	_ =	strace $0x8000004B  }
0xb3: {  	_ =	swait.ge [sflag:s29], $0x1  }
0xb4: {  	[sflag:s29] =	ssyncadd.s32 $0xFFFFFFFF  }
0xb5: {  	_ =	strace $0x9000004B  }
0xb6: {  	_ =	sfence  }
0xb7: {  	s30 =	sld [smem:$0x0];
	_ =	sdelay $0x2  }
0xb8: {  	s31 =	sshll.u32 s1, $0xD;
	s1 =	sshrl.u32 s1, $0x2  }
0xb9: {  	s3 =	sand.u32 $0x4000, s31;
	s1 =	sadd.s32 s1, s30  }
0xba: {  	s0 =	sor.u32 s3, s0;
	s1 =	sshll.u32 s1, $0x11  }
0xbb: {  	s0 =	sor.u32 s1, s0  }
0xbc: {  	s0 =	sadd.s32 $0x8F2B, s0  }
0xbd: {  	[sflag:s0] =	ssyncadd.remote.s32 $0x1  }
0xbe: {  	_ =	sfence.sel $0xFFFF  }
0xbf: {  	[dreg:$0x0] =	wrdreg $0xFFFFFFFF;
	(pc) =	sbr.abs _section_cstart, $3  }
0xc0: {  	[dreg:$0x1] =	wrdreg $0xFFFFFFFF  }
0xc1: {  	_ =	task.clear_ibuf [dreg:s7], $0x2FFFF;
	_ =	strace $0x9FFFFFFF  }
0xc2: {  	(tm) =	ssettm $0x7FFFFFFF  }
0xc3: {  	_ =	shalt  }
tec
execute0_lowered:
.L_overlay_start_1:
0x0: {  	(tag) =	ssettag $0x1  }
0x1: {  	s0 =	srdreg.scid  }
0x2: {  	s2 =	stileid.u32;
	s1 =	rddreg [dreg:$0x0];
	s15 =	simm.s32 $0x7  }
0x3: {  	s16 =	simm.s32 $0x80;
	s20 =	simm.s32 $0x7400;
	s21 =	simm.s32 $0x8400  }
0x4: {  	s22 =	simm.s32 $0x9400;
	s23 =	simm.s32 $0x1;
	s24 =	simm.s32 $0xA400  }
0x5: {  	s28 =	simm.s32 $0xB400;
	s30 =	simm.s32 $0x3;
	s31 =	simm.s32 $0x5  }
0x6: {  	s19 =	simm.s32 $0x6;
	s0 =	sand.u32 $0x1, s0;
	s3 =	sshll.u32 s2, $0x1  }
0x7: {  	s25 =	simm.s32 $0x0;
	s2 =	rddreg [dreg:$0x1];
	s6 =	sor.u32 s0, s3  }
0x8: {  	s3 =	simm.s32 $0x0;
	s0 =	ssub.s32 $0x2, s0;
	s13 =	smul.u32 $0x6400, s6  }
0x9: {  	[smem:$0x7FF] =	sst s3;
	s5 =	smul.u32 $0x19000, s6;
	s8 =	sshrl.u32 s0, $0x1  }
0xa: {  	s10 =	smul.u32 $0xC8000, s6;
	_ =	strace $0x8000004A;
	s0 =	ssub.s32 s0, s8  }
0xb: {  	s4 =	sshrl.u32 s13, $0x3;
	s5 =	sadd.s32 s2, s5;
	s11 =	sor.u32 $0x80, s13  }
.Ltmp0:
0xc: {  	s12 =	sor.u32 $0x100, s13;
	s13 =	sor.u32 $0x180, s13;
	(pc) =	sbr.rel .LBB2_1-.Ltmp0, $4  }
0xd: {  	v0 =	vlaneseq.u32;
	s14 =	smax.u32 s0, $0x1;
	s0 =	simm.s32 $0x4;
	s7 =	sadd.s32 s4, s1  }
0xe: {  	v0 =	vmul.u32 $0x2, v0;
	s4 =	sadd.s32 $0x19600, s1;
	s29 =	sadd.s32 $0x200, s5;
	s8 =	sadd.s32 $0x400, s5  }
0xf: {  	s9 =	sadd.s32 $0x600, s5;
	s26 =	sadd.s32 $0x600, s7;
	[dreg:$0x4] =	wrdreg s29  }
0x10: {  	v1 =	vor.u32 $0x1, v0;
	v2 =	vor.u32 $0x20, v0;
	v3 =	vor.u32 $0x21, v0;
	s7 =	simm.s32 $0x6400;
	[dreg:$0x3] =	wrdreg s26;
	s26 =	simm.s32 $0x2  }
.LBB2_20:
0x11: {  	s25 =	sadd.s32 $0x1, s25  }
0x12: {  	_ =	swait.ge [sflag:s31], $0x1000;
	p0 =	sne.s32 s25, s14  }
.Ltmp1:
0x13: {  	[sflag:s31] =	ssyncset.done $0x0;
	(pc) =	sbr.rel @!p0 .LBB2_21-.Ltmp1, $4  }
0x14: {  	[sflag:s31] =	ssyncadd.s32 $0xFFFFF000  }
0x15: {  	_ =	swait.ge [sflag:s19], $0x1000  }
0x16: {  	s7 =	simm.s32 $0x6400;
	[sflag:s19] =	ssyncset.done $0x0  }
0x17: {  	s20 =	simm.s32 $0x7400;
	s21 =	simm.s32 $0x8400;
	[sflag:s19] =	ssyncadd.s32 $0xFFFFF000  }
.LBB2_1:
0x18: {  	s1 =	rddreg [dreg:$0x3]  }
0x19: {  	[tilespmem:s3], [sflag:$0x7] =	stream.linear.gather [hbm4b:s1+s3], $0x6400, $0x38;
	[tilespmem:$0xC400] =	vst v63  }
0x1a: {  	_ =	swait.ge [sflag:s15], $0x6400  }
0x1b: {  	[sflag:s15] =	ssyncset.done $0x0  }
0x1c: {  	[sflag:s15] =	ssyncadd.s32 $0xFFFF9C00  }
0x1d: {  	[tilespmem:s7], [sflag:$0x1] =	stream.indirect.gather [hbm4b:s4+s16], $0x20, s3, s16, $0xb8;
	[tilespmem:$0xC400] =	vst v63  }
0x1e: {  	_ = 	snop  }
0x1f: {  	[tilespmem:s20], [sflag:$0x2] =	stream.indirect.gather [hbm4b:s4+s16], $0x20, s16, s16, $0xb8;
	[tilespmem:$0xC400] =	vst v63  }
0x20: {  	s17 =	simm.s32 $0x100  }
0x21: {  	[tilespmem:s21], [sflag:$0x3] =	stream.indirect.gather [hbm4b:s4+s16], $0x20, s17, s16, $0xb8;
	[tilespmem:$0xC400] =	vst v63  }
0x22: {  	s18 =	simm.s32 $0x180  }
0x23: {  	[tilespmem:s22], [sflag:$0x4] =	stream.indirect.gather [hbm4b:s4+s16], $0x20, s18, s16, $0xb8;
	[tilespmem:$0xC400] =	vst v63  }
0x24: {  	_ =	swait.ge [sflag:s23], $0x1000  }
0x25: {  	[sflag:s23] =	ssyncset.done $0x0  }
0x26: {  	s1 =	simm.s32 $0x6440;
	[sflag:s23] =	ssyncadd.s32 $0xFFFFF000  }
0x27: {  	v4 =	vld [tilespmem:s1+$0xFFFFFFC0]  }
0x28: {  	v5 =	vld [tilespmem:s1+$0xFFFFFFE0]  }
0x29: {  	s6 =	simm.s32 $0x0  }
0x2a: {  	v6 =	vor.u32 s6, v0  }
0x2b: {  	v7 =	vor.u32 s6, v1;
	_ =	sdelay $0x1  }
0x2c: {  	v8 =	vand.u32 $0xFFFF, v4;
	v9 =	vshll.u32 v5, $0x10  }
0x2d: {  	v5 =	vand.u32 $0xFFFF0000, v5;
	v4 =	vshrl.u32 v4, $0x10;
	v8 =	vor.u32 v8, v9  }
0x2e: {  	v4 =	vor.u32 v4, v5;
	[tilespmem:v6+s24+$0x0] =	vst.idx.msk $0xffff, v8  }
0x2f: {  	[tilespmem:v7+s24+$0x0] =	vst.idx.msk $0xffff, v4  }
0x30: {  	v4 =	vld [tilespmem:s1+$0xFFFFFFD0]  }
0x31: {  	v5 =	vld [tilespmem:s1+$0xFFFFFFF0];
	_ =	sdelay $0x1  }
0x32: {  	v6 =	vor.u32 s6, v2  }
0x33: {  	v7 =	vor.u32 s6, v3;
	_ =	sdelay $0x1  }
0x34: {  	v8 =	vand.u32 $0xFFFF, v4;
	v9 =	vshll.u32 v5, $0x10  }
0x35: {  	v4 =	vshrl.u32 v4, $0x10;
	v5 =	vand.u32 $0xFFFF0000, v5;
	v8 =	vor.u32 v8, v9  }
0x36: {  	v4 =	vor.u32 v4, v5;
	[tilespmem:v6+s24+$0x0] =	vst.idx.msk $0xffff, v8  }
0x37: {  	[tilespmem:v7+s24+$0x0] =	vst.idx.msk $0xffff, v4  }
0x38: {  	v4 =	vld [tilespmem:s1+$0x0]  }
0x39: {  	v5 =	vld [tilespmem:s1+$0x20]  }
0x3a: {  	s29 =	simm.s32 $0x40  }
0x3b: {  	v6 =	vor.u32 s29, v0  }
0x3c: {  	v7 =	vor.u32 s29, v1;
	_ =	sdelay $0x1  }
0x3d: {  	v8 =	vand.u32 $0xFFFF, v4;
	v9 =	vshll.u32 v5, $0x10  }
0x3e: {  	v4 =	vshrl.u32 v4, $0x10;
	v5 =	vand.u32 $0xFFFF0000, v5;
	v8 =	vor.u32 v8, v9  }
0x3f: {  	v4 =	vor.u32 v4, v5;
	[tilespmem:v6+s24+$0x0] =	vst.idx.msk $0xffff, v8  }
0x40: {  	[tilespmem:v7+s24+$0x0] =	vst.idx.msk $0xffff, v4  }
0x41: {  	v8 =	vld [tilespmem:s1+$0x10];
	_ =	sdelay $0x1  }
0x42: {  	v6 =	vld [tilespmem:s1+$0x30];
	_ =	sdelay $0x1  }
0x43: {  	v4 =	vor.u32 s29, v2  }
0x44: {  	s17 =	simm.s32 $0x2;
	v5 =	vor.u32 s29, v3;
	v7 =	vand.u32 $0xFFFF, v8;
	v8 =	vshrl.u32 v8, $0x10  }
.LBB2_2:
0x45: {  	p0 =	slt.u32 s17, $0x3E  }
0x46: {  	v9 =	vshll.u32 v6, $0x10;
	v6 =	vand.u32 $0xFFFF0000, v6;
	s1 =	sadd.s32 $0x80, s1;
	s6 =	smov.u32 s17;
	s17 =	sadd.s32 $0x2, s17  }
0x47: {  	v7 =	vor.u32 v7, v9;
	v6 =	vor.u32 v8, v6  }
0x48: {  	[tilespmem:v4+s24+$0x0] =	vst.idx.msk $0xffff, v7  }
0x49: {  	[tilespmem:v5+s24+$0x0] =	vst.idx.msk $0xffff, v6  }
0x4a: {  	v4 =	vld [tilespmem:s1+$0xFFFFFFC0]  }
0x4b: {  	v5 =	vld [tilespmem:s1+$0xFFFFFFE0]  }
0x4c: {  	s6 =	sshll.u32 s6, $0x6  }
0x4d: {  	s18 =	sadd.s32 $0x40, s6;
	v6 =	vor.u32 s6, v0  }
0x4e: {  	v7 =	vor.u32 s6, v1;
	_ =	sdelay $0x1  }
0x4f: {  	v8 =	vand.u32 $0xFFFF, v4;
	v9 =	vshll.u32 v5, $0x10;
	v5 =	vand.u32 $0xFFFF0000, v5  }
0x50: {  	v4 =	vshrl.u32 v4, $0x10;
	v8 =	vor.u32 v8, v9  }
0x51: {  	v4 =	vor.u32 v4, v5;
	[tilespmem:v6+s24+$0x0] =	vst.idx.msk $0xffff, v8  }
0x52: {  	[tilespmem:v7+s24+$0x0] =	vst.idx.msk $0xffff, v4  }
0x53: {  	v4 =	vld [tilespmem:s1+$0xFFFFFFD0]  }
0x54: {  	v5 =	vld [tilespmem:s1+$0xFFFFFFF0]  }
0x55: {  	v6 =	vor.u32 s6, v2  }
0x56: {  	v7 =	vor.u32 s6, v3;
	_ =	sdelay $0x1  }
0x57: {  	v8 =	vand.u32 $0xFFFF, v4  }
0x58: {  	v4 =	vshrl.u32 v4, $0x10;
	v9 =	vshll.u32 v5, $0x10;
	v5 =	vand.u32 $0xFFFF0000, v5  }
0x59: {  	v8 =	vor.u32 v8, v9;
	v4 =	vor.u32 v4, v5  }
0x5a: {  	[tilespmem:v6+s24+$0x0] =	vst.idx.msk $0xffff, v8  }
0x5b: {  	[tilespmem:v7+s24+$0x0] =	vst.idx.msk $0xffff, v4  }
0x5c: {  	v4 =	vld [tilespmem:s1+$0x0]  }
0x5d: {  	v6 =	vor.u32 s18, v0;
	v5 =	vld [tilespmem:s1+$0x20]  }
0x5e: {  	v7 =	vor.u32 s18, v1;
	_ =	sdelay $0x2  }
0x5f: {  	v8 =	vand.u32 $0xFFFF, v4;
	v4 =	vshrl.u32 v4, $0x10  }
0x60: {  	v9 =	vshll.u32 v5, $0x10;
	v5 =	vand.u32 $0xFFFF0000, v5  }
0x61: {  	v8 =	vor.u32 v8, v9;
	v4 =	vor.u32 v4, v5  }
0x62: {  	[tilespmem:v6+s24+$0x0] =	vst.idx.msk $0xffff, v8  }
0x63: {  	[tilespmem:v7+s24+$0x0] =	vst.idx.msk $0xffff, v4  }
0x64: {  	v4 =	vor.u32 s18, v2;
	v8 =	vld [tilespmem:s1+$0x10]  }
.Ltmp2:
0x65: {  	v5 =	vor.u32 s18, v3;
	v6 =	vld [tilespmem:s1+$0x30];
	(pc) =	sbr.rel @p0 .LBB2_2-.Ltmp2, $2  }
0x66: {  	_ =	sdelay $0x2  }
0x67: {  	v7 =	vand.u32 $0xFFFF, v8;
	v8 =	vshrl.u32 v8, $0x10  }
0x68: {  	_ =	sdelay $0x1  }
0x69: {  	v9 =	vshll.u32 v6, $0x10  }
0x6a: {  	v6 =	vand.u32 $0xFFFF0000, v6;
	v7 =	vor.u32 v7, v9  }
0x6b: {  	v6 =	vor.u32 v8, v6;
	[tilespmem:v4+s24+$0x0] =	vst.idx.msk $0xffff, v7  }
0x6c: {  	s1 =	simm.s32 $0x0;
	[tilespmem:v5+s24+$0x0] =	vst.idx.msk $0xffff, v6  }
0x6d: {  	[hbm4b:s5+s1] =	stream.linear.scatter [tilespmem:s24], [sflag:$0x5], $0x1000, $0x38;
	[tilespmem:$0xC400] =	vst v63  }
0x6e: {  	s18 =	simm.s32 $0x200  }
0x6f: {  	[tilespmem:s7], [sflag:$0x1] =	stream.indirect.gather [hbm4b:s4+s16], $0x20, s18, s16, $0xb8;
	[tilespmem:$0xC400] =	vst v63  }
0x70: {  	_ =	swait.ge [sflag:s26], $0x1000  }
0x71: {  	[sflag:s26] =	ssyncset.done $0x0  }
0x72: {  	s1 =	simm.s32 $0x7470;
	[sflag:s26] =	ssyncadd.s32 $0xFFFFF000  }
0x73: {  	v4 =	vld [tilespmem:s1+$0xFFFFFF90]  }
0x74: {  	v5 =	vld [tilespmem:s1+$0xFFFFFFB0]  }
0x75: {  	s6 =	simm.s32 $0x0  }
0x76: {  	v6 =	vor.u32 s6, v0  }
0x77: {  	v7 =	vor.u32 s6, v1;
	_ =	sdelay $0x1  }
0x78: {  	v8 =	vand.u32 $0xFFFF, v4;
	v9 =	vshll.u32 v5, $0x10  }
0x79: {  	v5 =	vand.u32 $0xFFFF0000, v5;
	v4 =	vshrl.u32 v4, $0x10;
	v8 =	vor.u32 v8, v9  }
0x7a: {  	v4 =	vor.u32 v4, v5;
	[tilespmem:v6+s28+$0x0] =	vst.idx.msk $0xffff, v8  }
0x7b: {  	[tilespmem:v7+s28+$0x0] =	vst.idx.msk $0xffff, v4  }
0x7c: {  	v4 =	vld [tilespmem:s1+$0xFFFFFFA0]  }
0x7d: {  	v5 =	vld [tilespmem:s1+$0xFFFFFFC0];
	_ =	sdelay $0x1  }
0x7e: {  	v6 =	vor.u32 s6, v2  }
0x7f: {  	v7 =	vor.u32 s6, v3;
	_ =	sdelay $0x1  }
0x80: {  	v8 =	vand.u32 $0xFFFF, v4;
	v9 =	vshll.u32 v5, $0x10  }
0x81: {  	v4 =	vshrl.u32 v4, $0x10;
	v5 =	vand.u32 $0xFFFF0000, v5;
	v8 =	vor.u32 v8, v9  }
0x82: {  	v4 =	vor.u32 v4, v5;
	[tilespmem:v6+s28+$0x0] =	vst.idx.msk $0xffff, v8  }
0x83: {  	[tilespmem:v7+s28+$0x0] =	vst.idx.msk $0xffff, v4  }
0x84: {  	v4 =	vld [tilespmem:s1+$0xFFFFFFD0]  }
0x85: {  	v5 =	vld [tilespmem:s1+$0xFFFFFFF0]  }
0x86: {  	s29 =	simm.s32 $0x40  }
0x87: {  	v6 =	vor.u32 s29, v0  }
0x88: {  	v7 =	vor.u32 s29, v1;
	_ =	sdelay $0x1  }
0x89: {  	v8 =	vand.u32 $0xFFFF, v4;
	v9 =	vshll.u32 v5, $0x10  }
0x8a: {  	v4 =	vshrl.u32 v4, $0x10;
	v5 =	vand.u32 $0xFFFF0000, v5;
	v8 =	vor.u32 v8, v9  }
0x8b: {  	v4 =	vor.u32 v4, v5;
	[tilespmem:v6+s28+$0x0] =	vst.idx.msk $0xffff, v8  }
0x8c: {  	[tilespmem:v7+s28+$0x0] =	vst.idx.msk $0xffff, v4  }
0x8d: {  	v8 =	vld [tilespmem:s1+$0xFFFFFFE0];
	_ =	sdelay $0x1  }
0x8e: {  	v6 =	vld [tilespmem:s1+$0x0];
	_ =	sdelay $0x1  }
0x8f: {  	v4 =	vor.u32 s29, v2  }
0x90: {  	s17 =	simm.s32 $0x2;
	v5 =	vor.u32 s29, v3;
	v7 =	vand.u32 $0xFFFF, v8;
	v8 =	vshrl.u32 v8, $0x10  }
.LBB2_4:
0x91: {  	p0 =	slt.u32 s17, $0x3E  }
0x92: {  	v9 =	vshll.u32 v6, $0x10;
	v6 =	vand.u32 $0xFFFF0000, v6;
	s1 =	sadd.s32 $0x80, s1;
	s6 =	smov.u32 s17;
	s17 =	sadd.s32 $0x2, s17  }
0x93: {  	v7 =	vor.u32 v7, v9;
	v6 =	vor.u32 v8, v6  }
0x94: {  	[tilespmem:v4+s28+$0x0] =	vst.idx.msk $0xffff, v7  }
0x95: {  	[tilespmem:v5+s28+$0x0] =	vst.idx.msk $0xffff, v6  }
0x96: {  	v4 =	vld [tilespmem:s1+$0xFFFFFF90]  }
0x97: {  	v5 =	vld [tilespmem:s1+$0xFFFFFFB0]  }
0x98: {  	s6 =	sshll.u32 s6, $0x6  }
0x99: {  	s18 =	sadd.s32 $0x40, s6;
	v6 =	vor.u32 s6, v0  }
0x9a: {  	v7 =	vor.u32 s6, v1;
	_ =	sdelay $0x1  }
0x9b: {  	v8 =	vand.u32 $0xFFFF, v4;
	v9 =	vshll.u32 v5, $0x10;
	v5 =	vand.u32 $0xFFFF0000, v5  }
0x9c: {  	v4 =	vshrl.u32 v4, $0x10;
	v8 =	vor.u32 v8, v9  }
0x9d: {  	v4 =	vor.u32 v4, v5;
	[tilespmem:v6+s28+$0x0] =	vst.idx.msk $0xffff, v8  }
0x9e: {  	[tilespmem:v7+s28+$0x0] =	vst.idx.msk $0xffff, v4  }
0x9f: {  	v4 =	vld [tilespmem:s1+$0xFFFFFFA0]  }
0xa0: {  	v5 =	vld [tilespmem:s1+$0xFFFFFFC0]  }
0xa1: {  	v6 =	vor.u32 s6, v2  }
0xa2: {  	v7 =	vor.u32 s6, v3;
	_ =	sdelay $0x1  }
0xa3: {  	v8 =	vand.u32 $0xFFFF, v4  }
0xa4: {  	v4 =	vshrl.u32 v4, $0x10;
	v9 =	vshll.u32 v5, $0x10;
	v5 =	vand.u32 $0xFFFF0000, v5  }
0xa5: {  	v8 =	vor.u32 v8, v9;
	v4 =	vor.u32 v4, v5  }
0xa6: {  	[tilespmem:v6+s28+$0x0] =	vst.idx.msk $0xffff, v8  }
0xa7: {  	[tilespmem:v7+s28+$0x0] =	vst.idx.msk $0xffff, v4  }
0xa8: {  	v4 =	vld [tilespmem:s1+$0xFFFFFFD0]  }
0xa9: {  	v6 =	vor.u32 s18, v0;
	v5 =	vld [tilespmem:s1+$0xFFFFFFF0]  }
0xaa: {  	v7 =	vor.u32 s18, v1;
	_ =	sdelay $0x2  }
0xab: {  	v8 =	vand.u32 $0xFFFF, v4;
	v4 =	vshrl.u32 v4, $0x10  }
0xac: {  	v9 =	vshll.u32 v5, $0x10;
	v5 =	vand.u32 $0xFFFF0000, v5  }
0xad: {  	v8 =	vor.u32 v8, v9;
	v4 =	vor.u32 v4, v5  }
0xae: {  	[tilespmem:v6+s28+$0x0] =	vst.idx.msk $0xffff, v8  }
0xaf: {  	[tilespmem:v7+s28+$0x0] =	vst.idx.msk $0xffff, v4  }
0xb0: {  	v4 =	vor.u32 s18, v2;
	v8 =	vld [tilespmem:s1+$0xFFFFFFE0]  }
.Ltmp3:
0xb1: {  	v5 =	vor.u32 s18, v3;
	v6 =	vld [tilespmem:s1+$0x0];
	(pc) =	sbr.rel @p0 .LBB2_4-.Ltmp3, $2  }
0xb2: {  	_ =	sdelay $0x2  }
0xb3: {  	v7 =	vand.u32 $0xFFFF, v8;
	v8 =	vshrl.u32 v8, $0x10  }
0xb4: {  	_ =	sdelay $0x1  }
0xb5: {  	v9 =	vshll.u32 v6, $0x10  }
0xb6: {  	v6 =	vand.u32 $0xFFFF0000, v6;
	v7 =	vor.u32 v7, v9  }
0xb7: {  	v6 =	vor.u32 v8, v6;
	[tilespmem:v4+s28+$0x0] =	vst.idx.msk $0xffff, v7  }
0xb8: {  	s1 =	simm.s32 $0x0;
	s6 =	rddreg [dreg:$0x4];
	[tilespmem:v5+s28+$0x0] =	vst.idx.msk $0xffff, v6  }
0xb9: {  	[hbm4b:s6+s1] =	stream.linear.scatter [tilespmem:s28], [sflag:$0x6], $0x1000, $0x38;
	[tilespmem:$0xC400] =	vst v63  }
0xba: {  	s18 =	simm.s32 $0x280  }
0xbb: {  	[tilespmem:s20], [sflag:$0x2] =	stream.indirect.gather [hbm4b:s4+s16], $0x20, s18, s16, $0xb8;
	[tilespmem:$0xC400] =	vst v63  }
0xbc: {  	_ =	swait.ge [sflag:s30], $0x1000  }
0xbd: {  	[sflag:s30] =	ssyncset.done $0x0  }
0xbe: {  	[sflag:s30] =	ssyncadd.s32 $0xFFFFF000  }
0xbf: {  	_ =	swait.ge [sflag:s31], $0x1000  }
0xc0: {  	[sflag:s31] =	ssyncset.done $0x0  }
0xc1: {  	s1 =	simm.s32 $0x8470;
	[sflag:s31] =	ssyncadd.s32 $0xFFFFF000  }
0xc2: {  	v4 =	vld [tilespmem:s1+$0xFFFFFF90]  }
0xc3: {  	v5 =	vld [tilespmem:s1+$0xFFFFFFB0]  }
0xc4: {  	s20 =	simm.s32 $0x0  }
0xc5: {  	v6 =	vor.u32 s20, v0  }
0xc6: {  	v7 =	vor.u32 s20, v1;
	_ =	sdelay $0x1  }
0xc7: {  	v8 =	vand.u32 $0xFFFF, v4;
	v9 =	vshll.u32 v5, $0x10  }
0xc8: {  	v5 =	vand.u32 $0xFFFF0000, v5;
	v4 =	vshrl.u32 v4, $0x10;
	v8 =	vor.u32 v8, v9  }
0xc9: {  	v4 =	vor.u32 v4, v5;
	[tilespmem:v6+s24+$0x0] =	vst.idx.msk $0xffff, v8  }
0xca: {  	[tilespmem:v7+s24+$0x0] =	vst.idx.msk $0xffff, v4  }
0xcb: {  	v4 =	vld [tilespmem:s1+$0xFFFFFFA0]  }
0xcc: {  	v5 =	vld [tilespmem:s1+$0xFFFFFFC0];
	_ =	sdelay $0x1  }
0xcd: {  	v6 =	vor.u32 s20, v2  }
0xce: {  	v7 =	vor.u32 s20, v3;
	_ =	sdelay $0x1  }
0xcf: {  	v8 =	vand.u32 $0xFFFF, v4;
	v9 =	vshll.u32 v5, $0x10  }
0xd0: {  	v4 =	vshrl.u32 v4, $0x10;
	v5 =	vand.u32 $0xFFFF0000, v5;
	v8 =	vor.u32 v8, v9  }
0xd1: {  	v4 =	vor.u32 v4, v5;
	[tilespmem:v6+s24+$0x0] =	vst.idx.msk $0xffff, v8  }
0xd2: {  	[tilespmem:v7+s24+$0x0] =	vst.idx.msk $0xffff, v4  }
0xd3: {  	v4 =	vld [tilespmem:s1+$0xFFFFFFD0]  }
0xd4: {  	v5 =	vld [tilespmem:s1+$0xFFFFFFF0]  }
0xd5: {  	s29 =	simm.s32 $0x40  }
0xd6: {  	v6 =	vor.u32 s29, v0  }
0xd7: {  	v7 =	vor.u32 s29, v1;
	_ =	sdelay $0x1  }
0xd8: {  	v8 =	vand.u32 $0xFFFF, v4;
	v9 =	vshll.u32 v5, $0x10  }
0xd9: {  	v4 =	vshrl.u32 v4, $0x10;
	v5 =	vand.u32 $0xFFFF0000, v5;
	v8 =	vor.u32 v8, v9  }
0xda: {  	v4 =	vor.u32 v4, v5;
	[tilespmem:v6+s24+$0x0] =	vst.idx.msk $0xffff, v8  }
0xdb: {  	[tilespmem:v7+s24+$0x0] =	vst.idx.msk $0xffff, v4  }
0xdc: {  	v8 =	vld [tilespmem:s1+$0xFFFFFFE0];
	_ =	sdelay $0x1  }
0xdd: {  	v6 =	vld [tilespmem:s1+$0x0];
	_ =	sdelay $0x1  }
0xde: {  	v4 =	vor.u32 s29, v2  }
0xdf: {  	s17 =	simm.s32 $0x2;
	v5 =	vor.u32 s29, v3;
	v7 =	vand.u32 $0xFFFF, v8;
	v8 =	vshrl.u32 v8, $0x10  }
.LBB2_6:
0xe0: {  	p0 =	slt.u32 s17, $0x3E  }
0xe1: {  	v9 =	vshll.u32 v6, $0x10;
	v6 =	vand.u32 $0xFFFF0000, v6;
	s1 =	sadd.s32 $0x80, s1;
	s6 =	smov.u32 s17;
	s17 =	sadd.s32 $0x2, s17  }
0xe2: {  	v7 =	vor.u32 v7, v9;
	v6 =	vor.u32 v8, v6  }
0xe3: {  	[tilespmem:v4+s24+$0x0] =	vst.idx.msk $0xffff, v7  }
0xe4: {  	[tilespmem:v5+s24+$0x0] =	vst.idx.msk $0xffff, v6  }
0xe5: {  	v4 =	vld [tilespmem:s1+$0xFFFFFF90]  }
0xe6: {  	v5 =	vld [tilespmem:s1+$0xFFFFFFB0]  }
0xe7: {  	s6 =	sshll.u32 s6, $0x6  }
0xe8: {  	s18 =	sadd.s32 $0x40, s6;
	v6 =	vor.u32 s6, v0  }
0xe9: {  	v7 =	vor.u32 s6, v1;
	_ =	sdelay $0x1  }
0xea: {  	v8 =	vand.u32 $0xFFFF, v4;
	v9 =	vshll.u32 v5, $0x10;
	v5 =	vand.u32 $0xFFFF0000, v5  }
0xeb: {  	v4 =	vshrl.u32 v4, $0x10;
	v8 =	vor.u32 v8, v9  }
0xec: {  	v4 =	vor.u32 v4, v5;
	[tilespmem:v6+s24+$0x0] =	vst.idx.msk $0xffff, v8  }
0xed: {  	[tilespmem:v7+s24+$0x0] =	vst.idx.msk $0xffff, v4  }
0xee: {  	v4 =	vld [tilespmem:s1+$0xFFFFFFA0]  }
0xef: {  	v5 =	vld [tilespmem:s1+$0xFFFFFFC0]  }
0xf0: {  	v6 =	vor.u32 s6, v2  }
0xf1: {  	v7 =	vor.u32 s6, v3;
	_ =	sdelay $0x1  }
0xf2: {  	v8 =	vand.u32 $0xFFFF, v4  }
0xf3: {  	v4 =	vshrl.u32 v4, $0x10;
	v9 =	vshll.u32 v5, $0x10;
	v5 =	vand.u32 $0xFFFF0000, v5  }
0xf4: {  	v8 =	vor.u32 v8, v9;
	v4 =	vor.u32 v4, v5  }
0xf5: {  	[tilespmem:v6+s24+$0x0] =	vst.idx.msk $0xffff, v8  }
0xf6: {  	[tilespmem:v7+s24+$0x0] =	vst.idx.msk $0xffff, v4  }
0xf7: {  	v4 =	vld [tilespmem:s1+$0xFFFFFFD0]  }
0xf8: {  	v6 =	vor.u32 s18, v0;
	v5 =	vld [tilespmem:s1+$0xFFFFFFF0]  }
0xf9: {  	v7 =	vor.u32 s18, v1;
	_ =	sdelay $0x2  }
0xfa: {  	v8 =	vand.u32 $0xFFFF, v4;
	v4 =	vshrl.u32 v4, $0x10  }
0xfb: {  	v9 =	vshll.u32 v5, $0x10;
	v5 =	vand.u32 $0xFFFF0000, v5  }
0xfc: {  	v8 =	vor.u32 v8, v9;
	v4 =	vor.u32 v4, v5  }
0xfd: {  	[tilespmem:v6+s24+$0x0] =	vst.idx.msk $0xffff, v8  }
0xfe: {  	[tilespmem:v7+s24+$0x0] =	vst.idx.msk $0xffff, v4  }
0xff: {  	v4 =	vor.u32 s18, v2;
	v8 =	vld [tilespmem:s1+$0xFFFFFFE0]  }
.Ltmp4:
0x100: {  	v5 =	vor.u32 s18, v3;
	v6 =	vld [tilespmem:s1+$0x0];
	(pc) =	sbr.rel @p0 .LBB2_6-.Ltmp4, $2  }
0x101: {  	_ =	sdelay $0x2  }
0x102: {  	v7 =	vand.u32 $0xFFFF, v8;
	v8 =	vshrl.u32 v8, $0x10  }
0x103: {  	_ =	sdelay $0x1  }
0x104: {  	v9 =	vshll.u32 v6, $0x10  }
0x105: {  	v6 =	vand.u32 $0xFFFF0000, v6;
	v7 =	vor.u32 v7, v9  }
0x106: {  	v6 =	vor.u32 v8, v6;
	[tilespmem:v4+s24+$0x0] =	vst.idx.msk $0xffff, v7  }
0x107: {  	s1 =	simm.s32 $0x0;
	[tilespmem:v5+s24+$0x0] =	vst.idx.msk $0xffff, v6  }
0x108: {  	[hbm4b:s8+s1] =	stream.linear.scatter [tilespmem:s24], [sflag:$0x5], $0x1000, $0x38;
	[tilespmem:$0xC400] =	vst v63  }
0x109: {  	s20 =	simm.s32 $0x300  }
0x10a: {  	[tilespmem:s21], [sflag:$0x3] =	stream.indirect.gather [hbm4b:s4+s16], $0x20, s20, s16, $0xb8;
	[tilespmem:$0xC400] =	vst v63  }
0x10b: {  	_ =	swait.ge [sflag:s0], $0x1000  }
0x10c: {  	[sflag:s0] =	ssyncset.done $0x0  }
0x10d: {  	[sflag:s0] =	ssyncadd.s32 $0xFFFFF000  }
0x10e: {  	_ =	swait.ge [sflag:s19], $0x1000  }
0x10f: {  	[sflag:s19] =	ssyncset.done $0x0  }
0x110: {  	s1 =	simm.s32 $0x9470;
	[sflag:s19] =	ssyncadd.s32 $0xFFFFF000  }
0x111: {  	v4 =	vld [tilespmem:s1+$0xFFFFFF90]  }
0x112: {  	v5 =	vld [tilespmem:s1+$0xFFFFFFB0]  }
0x113: {  	s6 =	simm.s32 $0x0  }
0x114: {  	v6 =	vor.u32 s6, v0  }
0x115: {  	v7 =	vor.u32 s6, v1;
	_ =	sdelay $0x1  }
0x116: {  	v8 =	vand.u32 $0xFFFF, v4;
	v9 =	vshll.u32 v5, $0x10  }
0x117: {  	v5 =	vand.u32 $0xFFFF0000, v5;
	v4 =	vshrl.u32 v4, $0x10;
	v8 =	vor.u32 v8, v9  }
0x118: {  	v4 =	vor.u32 v4, v5;
	[tilespmem:v6+s28+$0x0] =	vst.idx.msk $0xffff, v8  }
0x119: {  	[tilespmem:v7+s28+$0x0] =	vst.idx.msk $0xffff, v4  }
0x11a: {  	v4 =	vld [tilespmem:s1+$0xFFFFFFA0]  }
0x11b: {  	v5 =	vld [tilespmem:s1+$0xFFFFFFC0];
	_ =	sdelay $0x1  }
0x11c: {  	v6 =	vor.u32 s6, v2  }
0x11d: {  	v7 =	vor.u32 s6, v3;
	_ =	sdelay $0x1  }
0x11e: {  	v8 =	vand.u32 $0xFFFF, v4;
	v9 =	vshll.u32 v5, $0x10  }
0x11f: {  	v4 =	vshrl.u32 v4, $0x10;
	v5 =	vand.u32 $0xFFFF0000, v5;
	v8 =	vor.u32 v8, v9  }
0x120: {  	v4 =	vor.u32 v4, v5;
	[tilespmem:v6+s28+$0x0] =	vst.idx.msk $0xffff, v8  }
0x121: {  	[tilespmem:v7+s28+$0x0] =	vst.idx.msk $0xffff, v4  }
0x122: {  	v4 =	vld [tilespmem:s1+$0xFFFFFFD0]  }
0x123: {  	v5 =	vld [tilespmem:s1+$0xFFFFFFF0]  }
0x124: {  	s29 =	simm.s32 $0x40  }
0x125: {  	v6 =	vor.u32 s29, v0  }
0x126: {  	v7 =	vor.u32 s29, v1;
	_ =	sdelay $0x1  }
0x127: {  	v8 =	vand.u32 $0xFFFF, v4;
	v9 =	vshll.u32 v5, $0x10  }
0x128: {  	v4 =	vshrl.u32 v4, $0x10;
	v5 =	vand.u32 $0xFFFF0000, v5;
	v8 =	vor.u32 v8, v9  }
0x129: {  	v4 =	vor.u32 v4, v5;
	[tilespmem:v6+s28+$0x0] =	vst.idx.msk $0xffff, v8  }
0x12a: {  	[tilespmem:v7+s28+$0x0] =	vst.idx.msk $0xffff, v4  }
0x12b: {  	v8 =	vld [tilespmem:s1+$0xFFFFFFE0];
	_ =	sdelay $0x1  }
0x12c: {  	v6 =	vld [tilespmem:s1+$0x0];
	_ =	sdelay $0x1  }
0x12d: {  	v4 =	vor.u32 s29, v2  }
0x12e: {  	s17 =	simm.s32 $0x2;
	v5 =	vor.u32 s29, v3;
	v7 =	vand.u32 $0xFFFF, v8;
	v8 =	vshrl.u32 v8, $0x10  }
.LBB2_8:
0x12f: {  	p0 =	slt.u32 s17, $0x3E  }
0x130: {  	v9 =	vshll.u32 v6, $0x10;
	v6 =	vand.u32 $0xFFFF0000, v6;
	s1 =	sadd.s32 $0x80, s1;
	s6 =	smov.u32 s17;
	s17 =	sadd.s32 $0x2, s17  }
0x131: {  	v7 =	vor.u32 v7, v9;
	v6 =	vor.u32 v8, v6  }
0x132: {  	[tilespmem:v4+s28+$0x0] =	vst.idx.msk $0xffff, v7  }
0x133: {  	[tilespmem:v5+s28+$0x0] =	vst.idx.msk $0xffff, v6  }
0x134: {  	v4 =	vld [tilespmem:s1+$0xFFFFFF90]  }
0x135: {  	v5 =	vld [tilespmem:s1+$0xFFFFFFB0]  }
0x136: {  	s6 =	sshll.u32 s6, $0x6  }
0x137: {  	s18 =	sadd.s32 $0x40, s6;
	v6 =	vor.u32 s6, v0  }
0x138: {  	v7 =	vor.u32 s6, v1;
	_ =	sdelay $0x1  }
0x139: {  	v8 =	vand.u32 $0xFFFF, v4;
	v9 =	vshll.u32 v5, $0x10;
	v5 =	vand.u32 $0xFFFF0000, v5  }
0x13a: {  	v4 =	vshrl.u32 v4, $0x10;
	v8 =	vor.u32 v8, v9  }
0x13b: {  	v4 =	vor.u32 v4, v5;
	[tilespmem:v6+s28+$0x0] =	vst.idx.msk $0xffff, v8  }
0x13c: {  	[tilespmem:v7+s28+$0x0] =	vst.idx.msk $0xffff, v4  }
0x13d: {  	v4 =	vld [tilespmem:s1+$0xFFFFFFA0]  }
0x13e: {  	v5 =	vld [tilespmem:s1+$0xFFFFFFC0]  }
0x13f: {  	v6 =	vor.u32 s6, v2  }
0x140: {  	v7 =	vor.u32 s6, v3;
	_ =	sdelay $0x1  }
0x141: {  	v8 =	vand.u32 $0xFFFF, v4  }
0x142: {  	v4 =	vshrl.u32 v4, $0x10;
	v9 =	vshll.u32 v5, $0x10;
	v5 =	vand.u32 $0xFFFF0000, v5  }
0x143: {  	v8 =	vor.u32 v8, v9;
	v4 =	vor.u32 v4, v5  }
0x144: {  	[tilespmem:v6+s28+$0x0] =	vst.idx.msk $0xffff, v8  }
0x145: {  	[tilespmem:v7+s28+$0x0] =	vst.idx.msk $0xffff, v4  }
0x146: {  	v4 =	vld [tilespmem:s1+$0xFFFFFFD0]  }
0x147: {  	v6 =	vor.u32 s18, v0;
	v5 =	vld [tilespmem:s1+$0xFFFFFFF0]  }
0x148: {  	v7 =	vor.u32 s18, v1;
	_ =	sdelay $0x2  }
0x149: {  	v8 =	vand.u32 $0xFFFF, v4;
	v4 =	vshrl.u32 v4, $0x10  }
0x14a: {  	v9 =	vshll.u32 v5, $0x10;
	v5 =	vand.u32 $0xFFFF0000, v5  }
0x14b: {  	v8 =	vor.u32 v8, v9;
	v4 =	vor.u32 v4, v5  }
0x14c: {  	[tilespmem:v6+s28+$0x0] =	vst.idx.msk $0xffff, v8  }
0x14d: {  	[tilespmem:v7+s28+$0x0] =	vst.idx.msk $0xffff, v4  }
0x14e: {  	v4 =	vor.u32 s18, v2;
	v8 =	vld [tilespmem:s1+$0xFFFFFFE0]  }
.Ltmp5:
0x14f: {  	v5 =	vor.u32 s18, v3;
	v6 =	vld [tilespmem:s1+$0x0];
	(pc) =	sbr.rel @p0 .LBB2_8-.Ltmp5, $2  }
0x150: {  	_ =	sdelay $0x2  }
0x151: {  	v7 =	vand.u32 $0xFFFF, v8;
	v8 =	vshrl.u32 v8, $0x10  }
0x152: {  	_ =	sdelay $0x1  }
0x153: {  	v9 =	vshll.u32 v6, $0x10  }
0x154: {  	v63 =	vand.u32 $0xFFFF0000, v6;
	v7 =	vor.u32 v7, v9  }
0x155: {  	v6 =	vor.u32 v8, v63;
	[tilespmem:v4+s28+$0x0] =	vst.idx.msk $0xffff, v7  }
0x156: {  	[tilespmem:v5+s28+$0x0] =	vst.idx.msk $0xffff, v6  }
0x157: {  	[hbm4b:s9+s3] =	stream.linear.scatter [tilespmem:s28], [sflag:$0x6], $0x1000, $0x38;
	[tilespmem:$0xC400] =	vst v63  }
0x158: {  	s1 =	simm.s32 $0x380;
	s29 =	simm.s32 $0x1  }
0x159: {  	[tilespmem:s22], [sflag:$0x4] =	stream.indirect.gather [hbm4b:s4+s16], $0x20, s1, s16, $0xb8;
	[tilespmem:$0xC400] =	vst v63  }
.LBB2_10:
0x15a: {  	_ =	swait.ge [sflag:s23], $0x1000  }
0x15b: {  	[sflag:s23] =	ssyncset.done $0x0  }
0x15c: {  	[sflag:s23] =	ssyncadd.s32 $0xFFFFF000  }
0x15d: {  	_ =	swait.ge [sflag:s31], $0x1000  }
0x15e: {  	[sflag:s31] =	ssyncset.done $0x0  }
0x15f: {  	s1 =	simm.s32 $0x6440;
	[sflag:s31] =	ssyncadd.s32 $0xFFFFF000  }
0x160: {  	v4 =	vld [tilespmem:s1+$0xFFFFFFC0]  }
0x161: {  	v5 =	vld [tilespmem:s1+$0xFFFFFFE0]  }
0x162: {  	s6 =	simm.s32 $0x0  }
0x163: {  	v6 =	vor.u32 s6, v0  }
0x164: {  	v7 =	vor.u32 s6, v1;
	_ =	sdelay $0x1  }
0x165: {  	v8 =	vand.u32 $0xFFFF, v4;
	v9 =	vshll.u32 v5, $0x10  }
0x166: {  	v5 =	vand.u32 $0xFFFF0000, v5;
	v4 =	vshrl.u32 v4, $0x10;
	v8 =	vor.u32 v8, v9  }
0x167: {  	v4 =	vor.u32 v4, v5;
	[tilespmem:v6+s24+$0x0] =	vst.idx.msk $0xffff, v8  }
0x168: {  	[tilespmem:v7+s24+$0x0] =	vst.idx.msk $0xffff, v4  }
0x169: {  	v4 =	vld [tilespmem:s1+$0xFFFFFFD0]  }
0x16a: {  	v5 =	vld [tilespmem:s1+$0xFFFFFFF0];
	_ =	sdelay $0x1  }
0x16b: {  	v6 =	vor.u32 s6, v2  }
0x16c: {  	v7 =	vor.u32 s6, v3;
	_ =	sdelay $0x1  }
0x16d: {  	v8 =	vand.u32 $0xFFFF, v4;
	v9 =	vshll.u32 v5, $0x10  }
0x16e: {  	v4 =	vshrl.u32 v4, $0x10;
	v5 =	vand.u32 $0xFFFF0000, v5;
	v8 =	vor.u32 v8, v9  }
0x16f: {  	v4 =	vor.u32 v4, v5;
	[tilespmem:v6+s24+$0x0] =	vst.idx.msk $0xffff, v8  }
0x170: {  	[tilespmem:v7+s24+$0x0] =	vst.idx.msk $0xffff, v4  }
0x171: {  	v4 =	vld [tilespmem:s1+$0x0]  }
0x172: {  	v5 =	vld [tilespmem:s1+$0x20]  }
0x173: {  	s21 =	simm.s32 $0x40  }
0x174: {  	v6 =	vor.u32 s21, v0  }
0x175: {  	v7 =	vor.u32 s21, v1;
	_ =	sdelay $0x1  }
0x176: {  	v8 =	vand.u32 $0xFFFF, v4;
	v9 =	vshll.u32 v5, $0x10  }
0x177: {  	v4 =	vshrl.u32 v4, $0x10;
	v5 =	vand.u32 $0xFFFF0000, v5;
	v8 =	vor.u32 v8, v9  }
0x178: {  	v4 =	vor.u32 v4, v5;
	[tilespmem:v6+s24+$0x0] =	vst.idx.msk $0xffff, v8  }
0x179: {  	[tilespmem:v7+s24+$0x0] =	vst.idx.msk $0xffff, v4  }
0x17a: {  	v7 =	vld [tilespmem:s1+$0x10];
	_ =	sdelay $0x1  }
0x17b: {  	v6 =	vld [tilespmem:s1+$0x30];
	_ =	sdelay $0x1  }
0x17c: {  	v4 =	vor.u32 s21, v2  }
0x17d: {  	s17 =	simm.s32 $0x2;
	v5 =	vor.u32 s21, v3;
	v8 =	vand.u32 $0xFFFF, v7;
	v7 =	vshrl.u32 v7, $0x10  }
.LBB2_11:
0x17e: {  	p0 =	slt.u32 s17, $0x3E  }
0x17f: {  	v9 =	vshll.u32 v6, $0x10;
	v6 =	vand.u32 $0xFFFF0000, v6;
	s1 =	sadd.s32 $0x80, s1;
	s6 =	smov.u32 s17;
	s17 =	sadd.s32 $0x2, s17  }
0x180: {  	v8 =	vor.u32 v8, v9;
	v6 =	vor.u32 v7, v6  }
0x181: {  	[tilespmem:v4+s24+$0x0] =	vst.idx.msk $0xffff, v8  }
0x182: {  	[tilespmem:v5+s24+$0x0] =	vst.idx.msk $0xffff, v6  }
0x183: {  	v4 =	vld [tilespmem:s1+$0xFFFFFFC0]  }
0x184: {  	v5 =	vld [tilespmem:s1+$0xFFFFFFE0]  }
0x185: {  	s6 =	sshll.u32 s6, $0x6  }
0x186: {  	s18 =	sadd.s32 $0x40, s6;
	v6 =	vor.u32 s6, v0  }
0x187: {  	v7 =	vor.u32 s6, v1;
	_ =	sdelay $0x1  }
0x188: {  	v8 =	vand.u32 $0xFFFF, v4;
	v9 =	vshll.u32 v5, $0x10;
	v5 =	vand.u32 $0xFFFF0000, v5  }
0x189: {  	v4 =	vshrl.u32 v4, $0x10;
	v8 =	vor.u32 v8, v9  }
0x18a: {  	v4 =	vor.u32 v4, v5;
	[tilespmem:v6+s24+$0x0] =	vst.idx.msk $0xffff, v8  }
0x18b: {  	[tilespmem:v7+s24+$0x0] =	vst.idx.msk $0xffff, v4  }
0x18c: {  	v4 =	vld [tilespmem:s1+$0xFFFFFFD0]  }
0x18d: {  	v5 =	vld [tilespmem:s1+$0xFFFFFFF0]  }
0x18e: {  	v6 =	vor.u32 s6, v2  }
0x18f: {  	v7 =	vor.u32 s6, v3;
	_ =	sdelay $0x1  }
0x190: {  	v8 =	vand.u32 $0xFFFF, v4  }
0x191: {  	v4 =	vshrl.u32 v4, $0x10;
	v9 =	vshll.u32 v5, $0x10;
	v5 =	vand.u32 $0xFFFF0000, v5  }
0x192: {  	v8 =	vor.u32 v8, v9;
	v4 =	vor.u32 v4, v5  }
0x193: {  	[tilespmem:v6+s24+$0x0] =	vst.idx.msk $0xffff, v8  }
0x194: {  	[tilespmem:v7+s24+$0x0] =	vst.idx.msk $0xffff, v4  }
0x195: {  	v4 =	vld [tilespmem:s1+$0x0]  }
0x196: {  	v6 =	vor.u32 s18, v0;
	v5 =	vld [tilespmem:s1+$0x20]  }
0x197: {  	v7 =	vor.u32 s18, v1;
	_ =	sdelay $0x2  }
0x198: {  	v8 =	vand.u32 $0xFFFF, v4;
	v4 =	vshrl.u32 v4, $0x10  }
0x199: {  	v9 =	vshll.u32 v5, $0x10;
	v5 =	vand.u32 $0xFFFF0000, v5  }
0x19a: {  	v8 =	vor.u32 v8, v9;
	v4 =	vor.u32 v4, v5  }
0x19b: {  	[tilespmem:v6+s24+$0x0] =	vst.idx.msk $0xffff, v8  }
0x19c: {  	[tilespmem:v7+s24+$0x0] =	vst.idx.msk $0xffff, v4  }
0x19d: {  	v4 =	vor.u32 s18, v2;
	v7 =	vld [tilespmem:s1+$0x10]  }
.Ltmp6:
0x19e: {  	v5 =	vor.u32 s18, v3;
	v6 =	vld [tilespmem:s1+$0x30];
	(pc) =	sbr.rel @p0 .LBB2_11-.Ltmp6, $2  }
0x19f: {  	_ =	sdelay $0x2  }
0x1a0: {  	v8 =	vand.u32 $0xFFFF, v7;
	v7 =	vshrl.u32 v7, $0x10  }
0x1a1: {  	_ =	sdelay $0x1  }
0x1a2: {  	v9 =	vshll.u32 v6, $0x10;
	s1 =	sshll.u32 s29, $0xE  }
0x1a3: {  	v6 =	vand.u32 $0xFFFF0000, v6;
	v8 =	vor.u32 v8, v9;
	s1 =	sadd.s32 s10, s1  }
0x1a4: {  	v6 =	vor.u32 v7, v6;
	[tilespmem:v4+s24+$0x0] =	vst.idx.msk $0xffff, v8;
	s1 =	sshrl.u32 s1, $0x3  }
0x1a5: {  	[tilespmem:v5+s24+$0x0] =	vst.idx.msk $0xffff, v6;
	s1 =	sadd.s32 s2, s1  }
0x1a6: {  	[hbm4b:s1+s3] =	stream.linear.scatter [tilespmem:s24], [sflag:$0x5], $0x1000, $0x38;
	[tilespmem:$0xC400] =	vst v63  }
0x1a7: {  	p0 =	seq.s32 s29, $0x31;
	s1 =	sshll.u32 s29, $0xB  }
0x1a8: {  	s17 =	sshrl.u32 @!p0 s1, $0x2  }
0x1a9: {  	s18 =	simm.s32 @!p0 $0x80;
	s20 =	simm.s32 @!p0 $0x6400;
	s6 =	sadd.s32 @!p0 $0x200, s17  }
0x1aa: {  	[tilespmem:s20], [sflag:$0x1] =	stream.indirect.gather @!p0 [hbm4b:s4+s18], $0x20, s6, s18, $0xb8;
	[tilespmem:$0xC400] =	vst v63  }
0x1ab: {  	_ =	swait.ge [sflag:s26], $0x1000  }
0x1ac: {  	[sflag:s26] =	ssyncset.done $0x0  }
0x1ad: {  	[sflag:s26] =	ssyncadd.s32 $0xFFFFF000  }
0x1ae: {  	_ =	swait.ge [sflag:s19], $0x1000  }
0x1af: {  	[sflag:s19] =	ssyncset.done $0x0  }
0x1b0: {  	s21 =	simm.s32 $0x7470;
	[sflag:s19] =	ssyncadd.s32 $0xFFFFF000  }
0x1b1: {  	v4 =	vld [tilespmem:s21+$0xFFFFFF90]  }
0x1b2: {  	v5 =	vld [tilespmem:s21+$0xFFFFFFB0]  }
0x1b3: {  	s18 =	simm.s32 $0x0  }
0x1b4: {  	v6 =	vor.u32 s18, v0  }
0x1b5: {  	v7 =	vor.u32 s18, v1;
	_ =	sdelay $0x1  }
0x1b6: {  	v8 =	vand.u32 $0xFFFF, v4;
	v9 =	vshll.u32 v5, $0x10  }
0x1b7: {  	v5 =	vand.u32 $0xFFFF0000, v5;
	v4 =	vshrl.u32 v4, $0x10;
	v8 =	vor.u32 v8, v9  }
0x1b8: {  	v4 =	vor.u32 v4, v5;
	[tilespmem:v6+s28+$0x0] =	vst.idx.msk $0xffff, v8  }
0x1b9: {  	[tilespmem:v7+s28+$0x0] =	vst.idx.msk $0xffff, v4  }
0x1ba: {  	v4 =	vld [tilespmem:s21+$0xFFFFFFA0]  }
0x1bb: {  	v5 =	vld [tilespmem:s21+$0xFFFFFFC0];
	_ =	sdelay $0x1  }
0x1bc: {  	v6 =	vor.u32 s18, v2  }
0x1bd: {  	v7 =	vor.u32 s18, v3;
	_ =	sdelay $0x1  }
0x1be: {  	v8 =	vand.u32 $0xFFFF, v4;
	v9 =	vshll.u32 v5, $0x10  }
0x1bf: {  	v4 =	vshrl.u32 v4, $0x10;
	v5 =	vand.u32 $0xFFFF0000, v5;
	v8 =	vor.u32 v8, v9  }
0x1c0: {  	v4 =	vor.u32 v4, v5;
	[tilespmem:v6+s28+$0x0] =	vst.idx.msk $0xffff, v8  }
0x1c1: {  	[tilespmem:v7+s28+$0x0] =	vst.idx.msk $0xffff, v4  }
0x1c2: {  	v4 =	vld [tilespmem:s21+$0xFFFFFFD0]  }
0x1c3: {  	v5 =	vld [tilespmem:s21+$0xFFFFFFF0]  }
0x1c4: {  	s20 =	simm.s32 $0x40  }
0x1c5: {  	v6 =	vor.u32 s20, v0  }
0x1c6: {  	v7 =	vor.u32 s20, v1;
	_ =	sdelay $0x1  }
0x1c7: {  	v8 =	vand.u32 $0xFFFF, v4;
	v9 =	vshll.u32 v5, $0x10  }
0x1c8: {  	v4 =	vshrl.u32 v4, $0x10;
	v5 =	vand.u32 $0xFFFF0000, v5;
	v8 =	vor.u32 v8, v9  }
0x1c9: {  	v4 =	vor.u32 v4, v5;
	[tilespmem:v6+s28+$0x0] =	vst.idx.msk $0xffff, v8  }
0x1ca: {  	[tilespmem:v7+s28+$0x0] =	vst.idx.msk $0xffff, v4  }
0x1cb: {  	v7 =	vld [tilespmem:s21+$0xFFFFFFE0];
	_ =	sdelay $0x1  }
0x1cc: {  	v6 =	vld [tilespmem:s21+$0x0];
	_ =	sdelay $0x1  }
0x1cd: {  	v4 =	vor.u32 s20, v2  }
0x1ce: {  	s18 =	simm.s32 $0x2;
	v5 =	vor.u32 s20, v3;
	v8 =	vand.u32 $0xFFFF, v7;
	v7 =	vshrl.u32 v7, $0x10  }
.LBB2_13:
0x1cf: {  	p1 =	slt.u32 s18, $0x3E  }
0x1d0: {  	v9 =	vshll.u32 v6, $0x10;
	v6 =	vand.u32 $0xFFFF0000, v6;
	s21 =	sadd.s32 $0x80, s21;
	s6 =	smov.u32 s18;
	s18 =	sadd.s32 $0x2, s18  }
0x1d1: {  	v8 =	vor.u32 v8, v9;
	v6 =	vor.u32 v7, v6  }
0x1d2: {  	[tilespmem:v4+s28+$0x0] =	vst.idx.msk $0xffff, v8  }
0x1d3: {  	[tilespmem:v5+s28+$0x0] =	vst.idx.msk $0xffff, v6  }
0x1d4: {  	v4 =	vld [tilespmem:s21+$0xFFFFFF90]  }
0x1d5: {  	v5 =	vld [tilespmem:s21+$0xFFFFFFB0]  }
0x1d6: {  	s6 =	sshll.u32 s6, $0x6  }
0x1d7: {  	s20 =	sadd.s32 $0x40, s6;
	v6 =	vor.u32 s6, v0  }
0x1d8: {  	v7 =	vor.u32 s6, v1;
	_ =	sdelay $0x1  }
0x1d9: {  	v8 =	vand.u32 $0xFFFF, v4;
	v9 =	vshll.u32 v5, $0x10;
	v5 =	vand.u32 $0xFFFF0000, v5  }
0x1da: {  	v4 =	vshrl.u32 v4, $0x10;
	v8 =	vor.u32 v8, v9  }
0x1db: {  	v4 =	vor.u32 v4, v5;
	[tilespmem:v6+s28+$0x0] =	vst.idx.msk $0xffff, v8  }
0x1dc: {  	[tilespmem:v7+s28+$0x0] =	vst.idx.msk $0xffff, v4  }
0x1dd: {  	v4 =	vld [tilespmem:s21+$0xFFFFFFA0]  }
0x1de: {  	v5 =	vld [tilespmem:s21+$0xFFFFFFC0]  }
0x1df: {  	v6 =	vor.u32 s6, v2  }
0x1e0: {  	v7 =	vor.u32 s6, v3;
	_ =	sdelay $0x1  }
0x1e1: {  	v8 =	vand.u32 $0xFFFF, v4  }
0x1e2: {  	v4 =	vshrl.u32 v4, $0x10;
	v9 =	vshll.u32 v5, $0x10;
	v5 =	vand.u32 $0xFFFF0000, v5  }
0x1e3: {  	v8 =	vor.u32 v8, v9;
	v4 =	vor.u32 v4, v5  }
0x1e4: {  	[tilespmem:v6+s28+$0x0] =	vst.idx.msk $0xffff, v8  }
0x1e5: {  	[tilespmem:v7+s28+$0x0] =	vst.idx.msk $0xffff, v4  }
0x1e6: {  	v4 =	vld [tilespmem:s21+$0xFFFFFFD0]  }
0x1e7: {  	v6 =	vor.u32 s20, v0;
	v5 =	vld [tilespmem:s21+$0xFFFFFFF0]  }
0x1e8: {  	v7 =	vor.u32 s20, v1;
	_ =	sdelay $0x2  }
0x1e9: {  	v8 =	vand.u32 $0xFFFF, v4;
	v4 =	vshrl.u32 v4, $0x10  }
0x1ea: {  	v9 =	vshll.u32 v5, $0x10;
	v5 =	vand.u32 $0xFFFF0000, v5  }
0x1eb: {  	v8 =	vor.u32 v8, v9;
	v4 =	vor.u32 v4, v5  }
0x1ec: {  	[tilespmem:v6+s28+$0x0] =	vst.idx.msk $0xffff, v8  }
0x1ed: {  	[tilespmem:v7+s28+$0x0] =	vst.idx.msk $0xffff, v4  }
0x1ee: {  	v4 =	vor.u32 s20, v2;
	v7 =	vld [tilespmem:s21+$0xFFFFFFE0]  }
.Ltmp7:
0x1ef: {  	v5 =	vor.u32 s20, v3;
	v6 =	vld [tilespmem:s21+$0x0];
	(pc) =	sbr.rel @p1 .LBB2_13-.Ltmp7, $2  }
0x1f0: {  	_ =	sdelay $0x2  }
0x1f1: {  	v8 =	vand.u32 $0xFFFF, v7;
	v7 =	vshrl.u32 v7, $0x10  }
0x1f2: {  	_ = 	snop  }
0x1f3: {  	s21 =	sshll.u32 s29, $0x9  }
0x1f4: {  	v9 =	vshll.u32 v6, $0x10;
	s6 =	sadd.s32 s21, s11  }
0x1f5: {  	v6 =	vand.u32 $0xFFFF0000, v6;
	v8 =	vor.u32 v8, v9;
	s6 =	sshll.u32 s6, $0x2  }
0x1f6: {  	v6 =	vor.u32 v7, v6;
	[tilespmem:v4+s28+$0x0] =	vst.idx.msk $0xffff, v8;
	s6 =	sand.u32 $0x1FFFFA00, s6  }
0x1f7: {  	[tilespmem:v5+s28+$0x0] =	vst.idx.msk $0xffff, v6;
	s6 =	sadd.s32 s2, s6  }
0x1f8: {  	[hbm4b:s6+s3] =	stream.linear.scatter [tilespmem:s28], [sflag:$0x6], $0x1000, $0x38;
	[tilespmem:$0xC400] =	vst v63  }
0x1f9: {  	s18 =	simm.s32 @!p0 $0x80;
	s20 =	simm.s32 @!p0 $0x7400;
	s6 =	sadd.s32 @!p0 $0x280, s17  }
0x1fa: {  	[tilespmem:s20], [sflag:$0x2] =	stream.indirect.gather @!p0 [hbm4b:s4+s18], $0x20, s6, s18, $0xb8;
	[tilespmem:$0xC400] =	vst v63  }
0x1fb: {  	_ =	swait.ge [sflag:s30], $0x1000  }
0x1fc: {  	[sflag:s30] =	ssyncset.done $0x0  }
0x1fd: {  	[sflag:s30] =	ssyncadd.s32 $0xFFFFF000  }
0x1fe: {  	_ =	swait.ge [sflag:s31], $0x1000  }
0x1ff: {  	[sflag:s31] =	ssyncset.done $0x0  }
0x200: {  	s18 =	simm.s32 $0x8470;
	[sflag:s31] =	ssyncadd.s32 $0xFFFFF000  }
0x201: {  	v4 =	vld [tilespmem:s18+$0xFFFFFF90]  }
0x202: {  	v5 =	vld [tilespmem:s18+$0xFFFFFFB0]  }
0x203: {  	s20 =	simm.s32 $0x0  }
0x204: {  	v6 =	vor.u32 s20, v0  }
0x205: {  	v7 =	vor.u32 s20, v1;
	_ =	sdelay $0x1  }
0x206: {  	v8 =	vand.u32 $0xFFFF, v4;
	v9 =	vshll.u32 v5, $0x10  }
0x207: {  	v5 =	vand.u32 $0xFFFF0000, v5;
	v4 =	vshrl.u32 v4, $0x10;
	v8 =	vor.u32 v8, v9  }
0x208: {  	v4 =	vor.u32 v4, v5;
	[tilespmem:v6+s24+$0x0] =	vst.idx.msk $0xffff, v8  }
0x209: {  	[tilespmem:v7+s24+$0x0] =	vst.idx.msk $0xffff, v4  }
0x20a: {  	v4 =	vld [tilespmem:s18+$0xFFFFFFA0]  }
0x20b: {  	v5 =	vld [tilespmem:s18+$0xFFFFFFC0];
	_ =	sdelay $0x1  }
0x20c: {  	v6 =	vor.u32 s20, v2  }
0x20d: {  	v7 =	vor.u32 s20, v3;
	_ =	sdelay $0x1  }
0x20e: {  	v8 =	vand.u32 $0xFFFF, v4;
	v9 =	vshll.u32 v5, $0x10  }
0x20f: {  	v4 =	vshrl.u32 v4, $0x10;
	v5 =	vand.u32 $0xFFFF0000, v5;
	v8 =	vor.u32 v8, v9  }
0x210: {  	v4 =	vor.u32 v4, v5;
	[tilespmem:v6+s24+$0x0] =	vst.idx.msk $0xffff, v8  }
0x211: {  	[tilespmem:v7+s24+$0x0] =	vst.idx.msk $0xffff, v4  }
0x212: {  	v4 =	vld [tilespmem:s18+$0xFFFFFFD0]  }
0x213: {  	v5 =	vld [tilespmem:s18+$0xFFFFFFF0]  }
0x214: {  	s7 =	simm.s32 $0x40  }
0x215: {  	v6 =	vor.u32 s7, v0  }
0x216: {  	v7 =	vor.u32 s7, v1;
	_ =	sdelay $0x1  }
0x217: {  	v8 =	vand.u32 $0xFFFF, v4;
	v9 =	vshll.u32 v5, $0x10  }
0x218: {  	v4 =	vshrl.u32 v4, $0x10;
	v5 =	vand.u32 $0xFFFF0000, v5;
	v8 =	vor.u32 v8, v9  }
0x219: {  	v4 =	vor.u32 v4, v5;
	[tilespmem:v6+s24+$0x0] =	vst.idx.msk $0xffff, v8  }
0x21a: {  	[tilespmem:v7+s24+$0x0] =	vst.idx.msk $0xffff, v4  }
0x21b: {  	v7 =	vld [tilespmem:s18+$0xFFFFFFE0];
	_ =	sdelay $0x1  }
0x21c: {  	v6 =	vld [tilespmem:s18+$0x0];
	_ =	sdelay $0x1  }
0x21d: {  	v4 =	vor.u32 s7, v2  }
0x21e: {  	s20 =	simm.s32 $0x2;
	v5 =	vor.u32 s7, v3;
	v8 =	vand.u32 $0xFFFF, v7;
	v7 =	vshrl.u32 v7, $0x10  }
.LBB2_15:
0x21f: {  	p1 =	slt.u32 s20, $0x3E  }
0x220: {  	v9 =	vshll.u32 v6, $0x10;
	v6 =	vand.u32 $0xFFFF0000, v6;
	s18 =	sadd.s32 $0x80, s18;
	s6 =	smov.u32 s20;
	s20 =	sadd.s32 $0x2, s20  }
0x221: {  	v8 =	vor.u32 v8, v9;
	v6 =	vor.u32 v7, v6  }
0x222: {  	[tilespmem:v4+s24+$0x0] =	vst.idx.msk $0xffff, v8  }
0x223: {  	[tilespmem:v5+s24+$0x0] =	vst.idx.msk $0xffff, v6  }
0x224: {  	v4 =	vld [tilespmem:s18+$0xFFFFFF90]  }
0x225: {  	v5 =	vld [tilespmem:s18+$0xFFFFFFB0]  }
0x226: {  	s7 =	sshll.u32 s6, $0x6  }
0x227: {  	s6 =	sadd.s32 $0x40, s7;
	v6 =	vor.u32 s7, v0  }
0x228: {  	v7 =	vor.u32 s7, v1;
	_ =	sdelay $0x1  }
0x229: {  	v8 =	vand.u32 $0xFFFF, v4;
	v9 =	vshll.u32 v5, $0x10;
	v5 =	vand.u32 $0xFFFF0000, v5  }
0x22a: {  	v4 =	vshrl.u32 v4, $0x10;
	v8 =	vor.u32 v8, v9  }
0x22b: {  	v4 =	vor.u32 v4, v5;
	[tilespmem:v6+s24+$0x0] =	vst.idx.msk $0xffff, v8  }
0x22c: {  	[tilespmem:v7+s24+$0x0] =	vst.idx.msk $0xffff, v4  }
0x22d: {  	v4 =	vld [tilespmem:s18+$0xFFFFFFA0]  }
0x22e: {  	v5 =	vld [tilespmem:s18+$0xFFFFFFC0]  }
0x22f: {  	v6 =	vor.u32 s7, v2  }
0x230: {  	v7 =	vor.u32 s7, v3;
	_ =	sdelay $0x1  }
0x231: {  	v8 =	vand.u32 $0xFFFF, v4  }
0x232: {  	v4 =	vshrl.u32 v4, $0x10;
	v9 =	vshll.u32 v5, $0x10;
	v5 =	vand.u32 $0xFFFF0000, v5  }
0x233: {  	v8 =	vor.u32 v8, v9;
	v4 =	vor.u32 v4, v5  }
0x234: {  	[tilespmem:v6+s24+$0x0] =	vst.idx.msk $0xffff, v8  }
0x235: {  	[tilespmem:v7+s24+$0x0] =	vst.idx.msk $0xffff, v4  }
0x236: {  	v4 =	vld [tilespmem:s18+$0xFFFFFFD0]  }
0x237: {  	v6 =	vor.u32 s6, v0;
	v5 =	vld [tilespmem:s18+$0xFFFFFFF0]  }
0x238: {  	v7 =	vor.u32 s6, v1;
	_ =	sdelay $0x2  }
0x239: {  	v8 =	vand.u32 $0xFFFF, v4;
	v4 =	vshrl.u32 v4, $0x10  }
0x23a: {  	v9 =	vshll.u32 v5, $0x10;
	v5 =	vand.u32 $0xFFFF0000, v5  }
0x23b: {  	v8 =	vor.u32 v8, v9;
	v4 =	vor.u32 v4, v5  }
0x23c: {  	[tilespmem:v6+s24+$0x0] =	vst.idx.msk $0xffff, v8  }
0x23d: {  	[tilespmem:v7+s24+$0x0] =	vst.idx.msk $0xffff, v4  }
0x23e: {  	v4 =	vor.u32 s6, v2;
	v7 =	vld [tilespmem:s18+$0xFFFFFFE0]  }
.Ltmp8:
0x23f: {  	v5 =	vor.u32 s6, v3;
	v6 =	vld [tilespmem:s18+$0x0];
	(pc) =	sbr.rel @p1 .LBB2_15-.Ltmp8, $2  }
0x240: {  	_ =	sdelay $0x2  }
0x241: {  	v8 =	vand.u32 $0xFFFF, v7;
	v7 =	vshrl.u32 v7, $0x10  }
0x242: {  	_ =	sdelay $0x1  }
0x243: {  	v9 =	vshll.u32 v6, $0x10;
	s6 =	sadd.s32 s21, s12  }
0x244: {  	v6 =	vand.u32 $0xFFFF0000, v6;
	v8 =	vor.u32 v8, v9;
	s6 =	sshll.u32 s6, $0x2  }
0x245: {  	v6 =	vor.u32 v7, v6;
	[tilespmem:v4+s24+$0x0] =	vst.idx.msk $0xffff, v8;
	s6 =	sand.u32 $0x1FFFFC00, s6  }
0x246: {  	[tilespmem:v5+s24+$0x0] =	vst.idx.msk $0xffff, v6;
	s6 =	sadd.s32 s2, s6  }
0x247: {  	[hbm4b:s6+s3] =	stream.linear.scatter [tilespmem:s24], [sflag:$0x5], $0x1000, $0x38;
	[tilespmem:$0xC400] =	vst v63  }
0x248: {  	s7 =	simm.s32 @!p0 $0x80;
	s6 =	sadd.s32 @!p0 $0x300, s17;
	s17 =	simm.s32 @!p0 $0x8400  }
0x249: {  	[tilespmem:s17], [sflag:$0x3] =	stream.indirect.gather @!p0 [hbm4b:s4+s7], $0x20, s6, s7, $0xb8;
	[tilespmem:$0xC400] =	vst v63  }
0x24a: {  	_ =	swait.ge [sflag:s0], $0x1000  }
0x24b: {  	[sflag:s0] =	ssyncset.done $0x0  }
0x24c: {  	[sflag:s0] =	ssyncadd.s32 $0xFFFFF000  }
0x24d: {  	_ =	swait.ge [sflag:s19], $0x1000  }
0x24e: {  	[sflag:s19] =	ssyncset.done $0x0  }
0x24f: {  	s17 =	simm.s32 $0x9470;
	[sflag:s19] =	ssyncadd.s32 $0xFFFFF000  }
0x250: {  	v4 =	vld [tilespmem:s17+$0xFFFFFF90]  }
0x251: {  	v5 =	vld [tilespmem:s17+$0xFFFFFFB0]  }
0x252: {  	s18 =	simm.s32 $0x0  }
0x253: {  	v6 =	vor.u32 s18, v0  }
0x254: {  	v7 =	vor.u32 s18, v1;
	_ =	sdelay $0x1  }
0x255: {  	v8 =	vand.u32 $0xFFFF, v4;
	v9 =	vshll.u32 v5, $0x10  }
0x256: {  	v5 =	vand.u32 $0xFFFF0000, v5;
	v4 =	vshrl.u32 v4, $0x10;
	v8 =	vor.u32 v8, v9  }
0x257: {  	v4 =	vor.u32 v4, v5;
	[tilespmem:v6+s28+$0x0] =	vst.idx.msk $0xffff, v8  }
0x258: {  	[tilespmem:v7+s28+$0x0] =	vst.idx.msk $0xffff, v4  }
0x259: {  	v4 =	vld [tilespmem:s17+$0xFFFFFFA0]  }
0x25a: {  	v5 =	vld [tilespmem:s17+$0xFFFFFFC0];
	_ =	sdelay $0x1  }
0x25b: {  	v6 =	vor.u32 s18, v2  }
0x25c: {  	v7 =	vor.u32 s18, v3;
	_ =	sdelay $0x1  }
0x25d: {  	v8 =	vand.u32 $0xFFFF, v4;
	v9 =	vshll.u32 v5, $0x10  }
0x25e: {  	v4 =	vshrl.u32 v4, $0x10;
	v5 =	vand.u32 $0xFFFF0000, v5;
	v8 =	vor.u32 v8, v9  }
0x25f: {  	v4 =	vor.u32 v4, v5;
	[tilespmem:v6+s28+$0x0] =	vst.idx.msk $0xffff, v8  }
0x260: {  	[tilespmem:v7+s28+$0x0] =	vst.idx.msk $0xffff, v4  }
0x261: {  	v4 =	vld [tilespmem:s17+$0xFFFFFFD0]  }
0x262: {  	v5 =	vld [tilespmem:s17+$0xFFFFFFF0]  }
0x263: {  	s20 =	simm.s32 $0x40  }
0x264: {  	v6 =	vor.u32 s20, v0  }
0x265: {  	v7 =	vor.u32 s20, v1;
	_ =	sdelay $0x1  }
0x266: {  	v8 =	vand.u32 $0xFFFF, v4;
	v9 =	vshll.u32 v5, $0x10  }
0x267: {  	v4 =	vshrl.u32 v4, $0x10;
	v5 =	vand.u32 $0xFFFF0000, v5;
	v8 =	vor.u32 v8, v9  }
0x268: {  	v4 =	vor.u32 v4, v5;
	[tilespmem:v6+s28+$0x0] =	vst.idx.msk $0xffff, v8  }
0x269: {  	[tilespmem:v7+s28+$0x0] =	vst.idx.msk $0xffff, v4  }
0x26a: {  	v7 =	vld [tilespmem:s17+$0xFFFFFFE0];
	_ =	sdelay $0x1  }
0x26b: {  	v6 =	vld [tilespmem:s17+$0x0];
	_ =	sdelay $0x1  }
0x26c: {  	v4 =	vor.u32 s20, v2  }
0x26d: {  	s18 =	simm.s32 $0x2;
	v5 =	vor.u32 s20, v3;
	v8 =	vand.u32 $0xFFFF, v7;
	v7 =	vshrl.u32 v7, $0x10  }
.LBB2_17:
0x26e: {  	p1 =	slt.u32 s18, $0x3E  }
0x26f: {  	v9 =	vshll.u32 v6, $0x10;
	v6 =	vand.u32 $0xFFFF0000, v6;
	s17 =	sadd.s32 $0x80, s17;
	s6 =	smov.u32 s18;
	s18 =	sadd.s32 $0x2, s18  }
0x270: {  	v8 =	vor.u32 v8, v9;
	v6 =	vor.u32 v7, v6  }
0x271: {  	[tilespmem:v4+s28+$0x0] =	vst.idx.msk $0xffff, v8  }
0x272: {  	[tilespmem:v5+s28+$0x0] =	vst.idx.msk $0xffff, v6  }
0x273: {  	v4 =	vld [tilespmem:s17+$0xFFFFFF90]  }
0x274: {  	v5 =	vld [tilespmem:s17+$0xFFFFFFB0]  }
0x275: {  	s7 =	sshll.u32 s6, $0x6  }
0x276: {  	s6 =	sadd.s32 $0x40, s7;
	v6 =	vor.u32 s7, v0  }
0x277: {  	v7 =	vor.u32 s7, v1;
	_ =	sdelay $0x1  }
0x278: {  	v8 =	vand.u32 $0xFFFF, v4;
	v9 =	vshll.u32 v5, $0x10;
	v5 =	vand.u32 $0xFFFF0000, v5  }
0x279: {  	v4 =	vshrl.u32 v4, $0x10;
	v8 =	vor.u32 v8, v9  }
0x27a: {  	v4 =	vor.u32 v4, v5;
	[tilespmem:v6+s28+$0x0] =	vst.idx.msk $0xffff, v8  }
0x27b: {  	[tilespmem:v7+s28+$0x0] =	vst.idx.msk $0xffff, v4  }
0x27c: {  	v4 =	vld [tilespmem:s17+$0xFFFFFFA0]  }
0x27d: {  	v5 =	vld [tilespmem:s17+$0xFFFFFFC0]  }
0x27e: {  	v6 =	vor.u32 s7, v2  }
0x27f: {  	v7 =	vor.u32 s7, v3;
	_ =	sdelay $0x1  }
0x280: {  	v8 =	vand.u32 $0xFFFF, v4  }
0x281: {  	v4 =	vshrl.u32 v4, $0x10;
	v9 =	vshll.u32 v5, $0x10;
	v5 =	vand.u32 $0xFFFF0000, v5  }
0x282: {  	v8 =	vor.u32 v8, v9;
	v4 =	vor.u32 v4, v5  }
0x283: {  	[tilespmem:v6+s28+$0x0] =	vst.idx.msk $0xffff, v8  }
0x284: {  	[tilespmem:v7+s28+$0x0] =	vst.idx.msk $0xffff, v4  }
0x285: {  	v4 =	vld [tilespmem:s17+$0xFFFFFFD0]  }
0x286: {  	v6 =	vor.u32 s6, v0;
	v5 =	vld [tilespmem:s17+$0xFFFFFFF0]  }
0x287: {  	v7 =	vor.u32 s6, v1;
	_ =	sdelay $0x2  }
0x288: {  	v8 =	vand.u32 $0xFFFF, v4;
	v4 =	vshrl.u32 v4, $0x10  }
0x289: {  	v9 =	vshll.u32 v5, $0x10;
	v5 =	vand.u32 $0xFFFF0000, v5  }
0x28a: {  	v8 =	vor.u32 v8, v9;
	v4 =	vor.u32 v4, v5  }
0x28b: {  	[tilespmem:v6+s28+$0x0] =	vst.idx.msk $0xffff, v8  }
0x28c: {  	[tilespmem:v7+s28+$0x0] =	vst.idx.msk $0xffff, v4  }
0x28d: {  	v4 =	vor.u32 s6, v2;
	v7 =	vld [tilespmem:s17+$0xFFFFFFE0]  }
.Ltmp9:
0x28e: {  	v5 =	vor.u32 s6, v3;
	v6 =	vld [tilespmem:s17+$0x0];
	(pc) =	sbr.rel @p1 .LBB2_17-.Ltmp9, $2  }
0x28f: {  	_ =	sdelay $0x2  }
0x290: {  	v8 =	vand.u32 $0xFFFF, v7;
	v7 =	vshrl.u32 v7, $0x10  }
0x291: {  	_ =	sdelay $0x1  }
.Ltmp10:
0x292: {  	v9 =	vshll.u32 v6, $0x10;
	s6 =	sadd.s32 s21, s13;
	(pc) =	sbr.rel @p0 .LBB2_20-.Ltmp10, $4  }
0x293: {  	v63 =	vand.u32 $0xFFFF0000, v6;
	v8 =	vor.u32 v8, v9;
	s6 =	sshll.u32 s6, $0x2  }
0x294: {  	v6 =	vor.u32 v7, v63;
	[tilespmem:v4+s28+$0x0] =	vst.idx.msk $0xffff, v8;
	s6 =	sand.u32 $0x1FFFFE00, s6  }
0x295: {  	[tilespmem:v5+s28+$0x0] =	vst.idx.msk $0xffff, v6;
	s6 =	sadd.s32 s2, s6  }
0x296: {  	[hbm4b:s6+s3] =	stream.linear.scatter [tilespmem:s28], [sflag:$0x6], $0x1000, $0x38;
	[tilespmem:$0xC400] =	vst v63  }
.Ltmp11:
0x297: {  	(pc) =	sbr.rel .LBB2_10-.Ltmp11, $4  }
0x298: {  	_ = 	snop  }
0x299: {  	s1 =	sshrl.u32 s1, $0x2  }
0x29a: {  	s29 =	sadd.s32 $0x1, s29;
	s1 =	sadd.s32 $0x380, s1  }
0x29b: {  	[tilespmem:s22], [sflag:$0x4] =	stream.indirect.gather [hbm4b:s4+s16], $0x20, s1, s16, $0xb8;
	[tilespmem:$0xC400] =	vst v63  }
.LBB2_21:
0x29c: {  	_ =	sfence.sel $0x180000  }
0x29d: {  	[bflag:$0x0] =	sbarrier.arrive $0xFFFF  }
0x29e: {  	_ =	strace $0x9000004A  }
0x29f: {  	s0 =	stileid.u32;
	[bflag:$0x2] =	sbarrier.arrive $0xFFFF  }
0x2a0: {  	p0 =	sne.s32 s0, $0x0;
	s0 =	rddreg [dreg:$0x2]  }
0x2a1: {  	s0 =	sadd.s32 @!p0 $0x100000, s0  }
0x2a2: {  	[sflag:s0] =	ssyncadd.tile.s32 @!p0 $0x1;
	_ =	shalt  }
.Lfunc_end2:
_tile_overlayer_lowered:
.L_overlay_start_2:
0x2a3: {  	(tag) =	ssettag $0x2  }
0x2a4: {  	s0 =	rddreg [dreg:$0x0];
	s2 =	stileid.u32  }
0x2a5: {  	s1 =	rddreg [dreg:$0x1];
	p0 =	sne.s32 s2, $0x0  }
0x2a6: {  	s3 =	rddreg [dreg:$0x2];
	[bflag:$0x3] =	sbarrier.arrive $0xFFFF;
	s2 =	simm.s32 @!p0 $0x1C07  }
0x2a7: {  	[timem:s3], [sflag:s2] =	dma.local @!p0 [hbm:s0], s1  }
0x2a8: {  	s0 =	simm.s32 @!p0 $0x7  }
0x2a9: {  	_ =	swait.ge @!p0 [sflag:s0], s1  }
0x2aa: {  	s1 =	ssub.s32 @!p0 $0x0, s1;
	[sflag:s0] =	ssyncset.done @!p0 $0x0  }
0x2ab: {  	[sflag:s0] =	ssyncadd.s32 @!p0 s1  }
0x2ac: {  	[bflag:$0x3] =	sbarrier.arrive $0xFFFF  }
0x2ad: {  	_ =	shalt  }

// kernel: sparse-core-data-format-call.cloned.1.call-start
scs
called_computation_lowered:
.L_overlay_start_0:
0x0: {  	s1 =	sld [smem:$0x3FD9]  }
0x1: {  	s2 =	sld [smem:$0x3FFE];
	_ =	sdelay $0x1  }
0x2: {  	s3 =	srdreg.scid  }
0x3: {  	s0 =	sand.u32 $0x1, s3  }
0x4: {  	s17 =	sshll.u32 s0, $0xA;
	s1 =	sadd.s32 s2, s1  }
0x5: {  	s1 =	sadd.s32 s1, s17  }
0x6: {  	[smem:$0x3FC6] =	sst s1  }
0x7: {  	_ = 	snop  }
0x8: {  	(tm) =	ssettm $0x1  }
0x9: {  	s18 =	sld [smem:$0x3FFB];
	_ =	sdelay $0x3  }
0xa: {  	_ =	strace s18  }
0xb: {  	s1 =	sld [smem:$0x3FFC];
	_ =	sdelay $0x3  }
0xc: {  	_ =	strace s1  }
0xd: {  	s1 =	sld [smem:$0x3FFD];
	_ =	sdelay $0x3  }
0xe: {  	_ =	strace s1  }
0xf: {  	_ =	strace $0x8FFFFFFF  }
0x10: {  	s19 =	sld [smem:$0x3FDB];
	_ =	sdelay $0x1  }
0x11: {  	s20 =	simm.s32 $_scs_section_size  }
0x12: {  	s4 =	simm.s32 $_size__tile_overlayer_lowered;
	s5 =	simm.s32 $_tile_overlayer_lowered  }
0x13: {  	s23 =	simm.s32 $0x1BFF;
	s22 =	sshll.u32 s5, $0x1;
	s1 =	sadd.s32 s20, s19  }
0x14: {  	s6 =	simm.s32 $0x0;
	s21 =	sshll.u32 s4, $0x1;
	s4 =	sadd.s32 s22, s1  }
0x15: {  	[timem:s6], [sflag:s23] =	dma.local [hbm:s4], s21  }
0x16: {  	_ =	swait.ge [sflag:s23], s21  }
0x17: {  	s2 =	ssub.s32 $0x0, s21;
	[sflag:s23] =	ssyncset.done $0x0  }
0x18: {  	[sflag:s23] =	ssyncadd.s32 s2;
	_ =	sdelay $0x1  }
0x19: {  	s24 =	simm.s32 $0x1B8B  }
0x1a: {  	_ =	swait.ge [sflag:s24], $0x1  }
0x1b: {  	[sflag:s24] =	ssyncset.done $0x0  }
0x1c: {  	s26 =	simm.s32 $0x1B8E;
	s25 =	sld [smem:$0x3FFE];
	[sflag:s24] =	ssyncadd.s32 $0xFFFFFFFF  }
0x1d: {  	s27 =	simm.s32 $execute0_lowered;
	[smem:$0x3FD2] =	sst s26  }
0x1e: {  	s4 =	sshll.u32 s27, $0x1;
	_ =	strace $0x80000046;
	[dreg:$0x1] =	wrdreg $0xFFFFFFFF  }
0x1f: {  	s28 =	simm.s32 $_size_execute0_lowered;
	s1 =	sadd.s32 s1, s4;
	[dreg:$0x0] =	wrdreg $0x0  }
0x20: {  	s4 =	sshll.u32 s28, $0x1;
	[dreg:$0x2] =	wrdreg s1  }
0x21: {  	[dreg:$0x3] =	wrdreg s4  }
0x22: {  	[dreg:$0x4] =	wrdreg $0xC0  }
0x23: {  	_ =	task [dreg:s6], $0x5FFFF  }
0x24: {  	[dreg:$0x1] =	wrdreg $0xFFFFFFFF  }
0x25: {  	[dreg:$0x0] =	wrdreg $0x60  }
0x26: {  	[dreg:$0x2] =	wrdreg s25  }
0x27: {  	[dreg:$0x3] =	wrdreg $0x9  }
0x28: {  	_ =	task.clear_ibuf [dreg:s6], $0x4FFFF;
	_ =	strace $0x90000046  }
0x29: {  	s29 =	simm.s32 $0x9;
	_ =	strace $0x80000048  }
0x2a: {  	_ =	swait.ge [sflag:s29], $0x1  }
0x2b: {  	[sflag:s29] =	ssyncadd.s32 $0xFFFFFFFF  }
0x2c: {  	_ =	strace $0x90000048  }
0x2d: {  	_ =	sfence  }
0x2e: {  	s30 =	sld [smem:$0x0];
	_ =	sdelay $0x2  }
0x2f: {  	s31 =	sshll.u32 s3, $0xD;
	s3 =	sshrl.u32 s3, $0x2  }
0x30: {  	s2 =	sand.u32 $0x4000, s31;
	s1 =	sadd.s32 s3, s30  }
0x31: {  	s0 =	sor.u32 s2, s0;
	s1 =	sshll.u32 s1, $0x11  }
0x32: {  	s0 =	sor.u32 s1, s0  }
0x33: {  	s0 =	sadd.s32 $0x8F2B, s0  }
0x34: {  	[sflag:s0] =	ssyncadd.remote.s32 $0x1  }
0x35: {  	_ =	sfence.sel $0xFFFF  }
0x36: {  	[dreg:$0x0] =	wrdreg $0xFFFFFFFF;
	(pc) =	sbr.abs _section_cstart, $3  }
0x37: {  	[dreg:$0x1] =	wrdreg $0xFFFFFFFF  }
0x38: {  	_ =	task.clear_ibuf [dreg:s6], $0x2FFFF;
	_ =	strace $0x9FFFFFFF  }
0x39: {  	(tm) =	ssettm $0x7FFFFFFF  }
tec
execute0_lowered:
.L_overlay_start_1:
0x0: {  	(tag) =	ssettag $0x1  }
0x1: {  	s0 =	srdreg.scid  }
0x2: {  	s5 =	rddreg [dreg:$0x0];
	s1 =	stileid.u32;
	s4 =	simm.s32 $0x1  }
0x3: {  	s6 =	simm.s32 $0x2;
	s15 =	simm.s32 $0x0;
	p0 =	por $0x0, $0x0  }
0x4: {  	s8 =	simm.s32 $0x80;
	s14 =	simm.s32 $0x0;
	s2 =	sshll.u32 s0, $0x4  }
0x5: {  	s9 =	simm.s32 $0x0;
	s10 =	simm.s32 $0x0;
	s2 =	sand.u32 $0x10, s2  }
.Ltmp0:
0x6: {  	s12 =	simm.s32 $0x0;
	s3 =	sor.u32 s1, s2;
	(pc) =	sbr.rel .LBB1_1-.Ltmp0, $4  }
0x7: {  	s0 =	rddreg [dreg:$0x1];
	_ =	strace $0x80000047;
	s3 =	sshll.u32 s3, $0x7  }
0x8: {  	s13 =	simm.s32 $0x0;
	[sflag:s4] =	ssyncpa.u1 $0x0;
	s7 =	ssub.s32 $0xF4200, s3  }
0x9: {  	s2 =	sadd.s32 $0x3D1000, s5;
	[sflag:s6] =	ssyncpa.u1 $0x0;
	s6 =	sshrl.u32 s7, $0xC  }
0xa: {  	s5 =	sadd.s32 $0x7A1A00, s5;
	s11 =	smov.u32 s3;
	s7 =	sadd.s32 $0x2, s6  }
.LBB1_5:
0xb: {  	p1 =	slt.u32 s13, $0x2  }
0xc: {  	s17 =	smov.u32 s15;
	p2 =	sgt.s32 @!p1 s15, $0xF41C0;
	s16 =	sshra.s32 @!p1 s15, $0x1F  }
0xd: {  	p3 =	sgt.s32 @!p1 s14, $0x60;
	s18 =	sshra.s32 @!p1 s14, $0x1F;
	p2 =	por !p2, p1  }
0xe: {  	s15 =	sand.u32 @!p1 s16, s15;
	p3 =	por !p3, p1;
	s16 =	smov.u32 s14  }
0xf: {  	s14 =	sand.u32 @!p1 s18, s14;
	s17 =	simm.s32 @p2 $0xF41C0;
	s16 =	simm.s32 @p3 $0x60  }
0x10: {  	s15 =	ssub.s32 @!p1 s17, s15;
	s14 =	ssub.s32 @!p1 s16, s14  }
0x11: {  	s18 =	smov.u32 s12;
	s16 =	sadd.s32 @!p1 $0xFFF0BE40, s15;
	s17 =	sadd.s32 @!p1 $0xFFFFFFA0, s14  }
0x12: {  	s15 =	ssub.s32 @!p1 $0xF4240, s15;
	p2 =	sgt.s32 @!p1 s16, $0x7F;
	p3 =	sgt.s32 @!p1 s17, $0x1F  }
0x13: {  	s14 =	ssub.s32 @!p1 $0x80, s14;
	p2 =	por !p2, p1;
	p3 =	por !p3, p1  }
0x14: {  	s16 =	sadd.s32 $0x1000, s11;
	s15 =	simm.s32 @!p2 $0x0;
	s14 =	simm.s32 @!p3 $0x0  }
0x15: {  	p2 =	sgt.s32 s16, $0xF423F;
	s14 =	smul.u32 @!p1 s14, s15;
	s15 =	sadd.s32 $0x20, s12  }
0x16: {  	s18 =	smov.u32 @p2 s15  }
0x17: {  	s16 =	smov.u32 @p2 s3;
	p2 =	sgt.s32 s18, $0x1F  }
0x18: {  	s18 =	simm.s32 @p2 $0x0;
	p2 =	sne.s32 s13, s7  }
.Ltmp1:
0x19: {  	p0 =	por !p0, !p0;
	s17 =	simm.s32 @!p1 $0x2;
	(pc) =	sbr.rel @!p2 .LBB1_6-.Ltmp1, $4  }
0x1a: {  	s15 =	smov.u32 s9;
	s9 =	smov.u32 s11;
	s14 =	sand.u32 @!p1 $0x3FFFFFFF, s14  }
0x1b: {  	s11 =	smov.u32 s16;
	_ =	swait.ge @!p1 [sflag:s17], s14;
	s19 =	ssub.s32 @!p1 $0x0, s14  }
0x1c: {  	s14 =	smov.u32 s10;
	s13 =	sadd.s32 $0x1, s13;
	[sflag:s17] =	ssyncset.done @!p1 $0x0  }
0x1d: {  	s10 =	smov.u32 s12;
	s12 =	smov.u32 s18;
	[sflag:s17] =	ssyncadd.s32 @!p1 s19  }
.LBB1_1:
0x1e: {  	p1 =	sgt.u32 s13, s6  }
0x1f: {  	s16 =	sshrl.u32 @!p1 s12, $0x3  }
0x20: {  	s17 =	sshll.u32 @!p1 s11, $0x3;
	s16 =	smul.u32 @!p1 $0x7A1400, s16  }
0x21: {  	s18 =	sshll.u32 @!p1 s12, $0x7;
	s17 =	sand.u32 @!p1 $0xFFFFFC00, s17  }
0x22: {  	s16 =	sadd.s32 @!p1 s16, s17;
	s17 =	sand.u32 @!p1 $0x380, s18  }
0x23: {  	s18 =	sand.u32 @!p1 $0x7F, s11;
	s16 =	sor.u32 @!p1 s17, s16  }
0x24: {  	s17 =	sor.u32 @!p1 s18, s16  }
0x25: {  	s18 =	smulhi.u32 @!p1 $0x218D6287, s17;
	_ =	sdelay $0x1  }
0x26: {  	s16 =	smulhi.u32 @!p1 $0x218D6287, s16;
	s18 =	sshrl.u32 @!p1 s18, $0x11  }
0x27: {  	s18 =	smul.u32 @!p1 $0xF4280, s18  }
0x28: {  	s19 =	sxor.u32 @!p1 $0xFFFFFFFF, s13;
	s16 =	sshrl.u32 @!p1 s16, $0x11  }
0x29: {  	s19 =	sshll.u32 @!p1 s19, $0xC;
	s16 =	sand.u32 @!p1 $0x1F, s16;
	s17 =	ssub.s32 @!p1 s17, s18  }
0x2a: {  	s16 =	smul.u32 @!p1 $0x1E850, s16;
	s18 =	sshrl.u32 @!p1 s17, $0x3;
	s17 =	sand.u32 @!p1 $0x7, s17  }
0x2b: {  	s19 =	sand.u32 @!p1 $0x1000, s19;
	s18 =	sadd.s32 @!p1 s2, s18;
	s17 =	sshll.u32 @!p1 s17, $0x12  }
0x2c: {  	s16 =	sadd.s32 @!p1 s16, s18;
	s17 =	sor.u32 @!p1 $0x400, s17;
	s18 =	simm.s32 @!p1 $0x7A1400  }
0x2d: {  	[tilespmem:s19], [sflag:$0x1] =	stream.strided.gather @!p1 [hbm4b:s16+s17], $0x1000, s18, s17, $0x38;
	[tilespmem:$0x4100] =	vst v63  }
0x2e: {  	p1 =	seq.s32 s13, $0x0  }
0x2f: {  	p2 =	sge.u32 @!p1 s13, s7  }
0x30: {  	p1 =	por p1, p2  }
.Ltmp2:
0x31: {  	_ = 	snop;
	(pc) =	sbr.rel @p1 .LBB1_5-.Ltmp2, $1  }
0x32: {  	_ =	sdelay $0x3  }
0x33: {  	s16 =	simm.s32 $0x1  }
0x34: {  	_ =	swait.ge [sflag:s4], $0x1000;
	s16 =	simm.s32 @!p0 $0x0  }
0x35: {  	[sflag:s4] =	ssyncset.done $0x0;
	s17 =	sshll.u32 s16, $0xC  }
0x36: {  	[sflag:s4] =	ssyncadd.s32 $0xFFFFF000;
	s17 =	sor.u32 $0x40, s17  }
0x37: {  	s16 =	smul.u32 $0x4200, s16;
	v0 =	vld [tilespmem:s17+$0x30]  }
0x38: {  	v1 =	vld [tilespmem:s17+$0xFFFFFFD0]  }
0x39: {  	s16 =	sshrl.u32 s16, $0x2;
	v5 =	vld [tilespmem:s17+$0xFFFFFFE0]  }
0x3a: {  	v6 =	vld [tilespmem:s17+$0xFFFFFFF0];
	s19 =	sor.u32 $0x2000, s16  }
0x3b: {  	s31 =	sand.u32 $0x1, s13;
	v4 =	vld [tilespmem:s17+$0x0];
	s18 =	sadd.s32 $0x0, s19  }
0x3c: {  	v3 =	vld [tilespmem:s17+$0x10];
	s16 =	smul.u32 $0x4200, s31;
	[tilespmem:s18+$0xE70 ss:$0x21] =	vst.msk $0xffff, v0  }
0x3d: {  	v2 =	vld [tilespmem:s17+$0x20];
	[tilespmem:s18+$0x210 ss:$0x21] =	vst.msk $0xffff, v1  }
0x3e: {  	s16 =	sshrl.u32 s16, $0x2;
	v1 =	vld [tilespmem:s17+$0xFFFFFFC0];
	[tilespmem:s18+$0x420 ss:$0x21] =	vst.msk $0xffff, v5;
	s17 =	sadd.s32 $0x80, s17  }
0x3f: {  	s20 =	simm.s32 $0x4;
	s21 =	simm.s32 $0x8;
	s16 =	sor.u32 $0x2000, s16;
	[tilespmem:s18+$0x630 ss:$0x21] =	vst.msk $0xffff, v6;
	v0 =	vld [tilespmem:s17+$0x30]  }
.LBB1_3:
0x40: {  	p1 =	sne.s32 s21, $0x7C;
	v5 =	vld [tilespmem:s17+$0xFFFFFFD0];
	[tilespmem:s18+$0x840 ss:$0x21] =	vst.msk $0xffff, v4  }
0x41: {  	v6 =	vld [tilespmem:s17+$0xFFFFFFE0];
	[tilespmem:s18+$0xA50 ss:$0x21] =	vst.msk $0xffff, v3  }
0x42: {  	s22 =	sshra.s32 s20, $0x2;
	s20 =	smov.u32 s21;
	v7 =	vld [tilespmem:s17+$0xFFFFFFF0];
	[tilespmem:s18+$0xC60 ss:$0x21] =	vst.msk $0xffff, v2  }
.Ltmp3:
0x43: {  	v4 =	vld [tilespmem:s17+$0x0];
	[tilespmem:s18+$0x0 ss:$0x21] =	vst.msk $0xffff, v1;
	s18 =	sadd.s32 s22, s19;
	(pc) =	sbr.rel @p1 .LBB1_3-.Ltmp3, $4  }
0x44: {  	v3 =	vld [tilespmem:s17+$0x10];
	[tilespmem:s18+$0xE70 ss:$0x21] =	vst.msk $0xffff, v0  }
0x45: {  	[tilespmem:s18+$0x210 ss:$0x21] =	vst.msk $0xffff, v5;
	v2 =	vld [tilespmem:s17+$0x20]  }
0x46: {  	v1 =	vld [tilespmem:s17+$0xFFFFFFC0];
	[tilespmem:s18+$0x420 ss:$0x21] =	vst.msk $0xffff, v6;
	s17 =	sadd.s32 $0x80, s17  }
0x47: {  	s21 =	sadd.s32 $0x4, s21;
	v0 =	vld [tilespmem:s17+$0x30];
	[tilespmem:s18+$0x630 ss:$0x21] =	vst.msk $0xffff, v7  }
0x48: {  	s21 =	sshll.u32 s9, $0x7;
	s22 =	sshll.u32 s10, $0x3;
	s20 =	sshra.s32 s20, $0x2  }
0x49: {  	p1 =	sgt.s32 s9, $0xF41C0;
	s30 =	sshra.s32 s9, $0x1F;
	s25 =	sshra.s32 s10, $0x1F  }
0x4a: {  	v5 =	vld [tilespmem:s17+$0xFFFFFFD0];
	s28 =	sshrl.u32 s10, $0x3;
	s23 =	sand.u32 $0xFFFFFC00, s21;
	s22 =	sand.u32 $0xFFFFFC00, s22  }
0x4b: {  	[tilespmem:s18+$0x840 ss:$0x21] =	vst.msk $0xffff, v4;
	v58 =	vld [tilespmem:s17+$0xFFFFFFE0];
	s21 =	sand.u32 $0x380, s21;
	s19 =	sadd.s32 s20, s19;
	s22 =	sadd.s32 s22, s23  }
0x4c: {  	v59 =	vld [tilespmem:s17+$0xFFFFFFF0];
	[tilespmem:s18+$0xA50 ss:$0x21] =	vst.msk $0xffff, v3;
	s29 =	sor.u32 s21, s22;
	s21 =	smov.u32 s9;
	s22 =	sand.u32 s30, s9  }
0x4d: {  	v60 =	vld [tilespmem:s17+$0x0];
	[tilespmem:s18+$0xC60 ss:$0x21] =	vst.msk $0xffff, v2;
	s30 =	sand.u32 $0x7, s10;
	s20 =	sshrl.u32 s29, $0x7;
	s21 =	simm.s32 @!p1 $0xF41C0  }
0x4e: {  	v61 =	vld [tilespmem:s17+$0x10];
	[tilespmem:s18+$0x0 ss:$0x21] =	vst.msk $0xffff, v1;
	p1 =	sgt.s32 s10, $0x60;
	s24 =	ssub.s32 s21, s22;
	s21 =	smov.u32 s10  }
0x4f: {  	v62 =	vld [tilespmem:s17+$0x20];
	[tilespmem:s19+$0xE70 ss:$0x21] =	vst.msk $0xffff, v0;
	s31 =	smulhi.u32 $0x218DEF5, s20;
	s22 =	sand.u32 s25, s10;
	s21 =	simm.s32 @!p1 $0x60  }
0x50: {  	v63 =	vld [tilespmem:s17+$0xFFFFFFC0];
	[tilespmem:s19+$0x210 ss:$0x21] =	vst.msk $0xffff, v5;
	s26 =	sadd.s32 $0xFFF0BE40, s24;
	s17 =	ssub.s32 $0xF4240, s24;
	s21 =	ssub.s32 s21, s22  }
0x51: {  	[tilespmem:s19+$0x420 ss:$0x21] =	vst.msk $0xffff, v58;
	s23 =	sshrl.u32 s31, $0xD;
	p1 =	sgt.s32 s26, $0x7F;
	s27 =	sadd.s32 $0xFFFFFFA0, s21  }
0x52: {  	[tilespmem:s19+$0x630 ss:$0x21] =	vst.msk $0xffff, v59;
	s23 =	smul.u32 $0xF4240, s23;
	s18 =	ssub.s32 $0x80, s21;
	p2 =	sgt.s32 s27, $0x1F  }
.Ltmp4:
0x53: {  	[tilespmem:s19+$0x840 ss:$0x21] =	vst.msk $0xffff, v60;
	s17 =	simm.s32 @p1 $0x0;
	s18 =	simm.s32 @p2 $0x0;
	(pc) =	sbr.rel .LBB1_5-.Ltmp4, $4  }
0x54: {  	s29 =	sand.u32 $0xF, s28;
	[tilespmem:s19+$0xA50 ss:$0x21] =	vst.msk $0xffff, v61;
	s20 =	ssub.s32 s20, s23;
	s17 =	smul.u32 s18, s17  }
0x55: {  	[tilespmem:s19+$0xC60 ss:$0x21] =	vst.msk $0xffff, v62;
	s21 =	sshll.u32 s30, $0x12;
	s20 =	sshll.u32 s20, $0x4;
	s18 =	sadd.s32 s5, s29  }
0x56: {  	[tilespmem:s19+$0x0 ss:$0x21] =	vst.msk $0xffff, v63;
	s31 =	sor.u32 $0x20, s21;
	s18 =	sadd.s32 s20, s18;
	s17 =	sand.u32 $0x3FFFFFFF, s17  }
0x57: {  	[hbm4b:s18+s31] =	stream.strided.scatter [tilespmem:s16], [sflag:$0x2], s17, s8, s31, $0x10;
	[tilespmem:$0x4100] =	vst v63  }
.LBB1_6:
0x58: {  	_ =	sfence.sel $0x180000  }
0x59: {  	s2 =	simm.s32 $0x1;
	[bflag:$0x0] =	sbarrier.arrive $0xFFFF  }
0x5a: {  	s31 =	simm.s32 $0x2;
	[sflag:s2] =	ssyncpa.u1 $0x1  }
0x5b: {  	[sflag:s31] =	ssyncpa.u1 $0x1  }
0x5c: {  	p0 =	sne.s32 s1, $0x0;
	_ =	strace $0x90000047  }
0x5d: {  	s0 =	sadd.s32 @!p0 $0x100000, s0;
	[bflag:$0x2] =	sbarrier.arrive $0xFFFF  }
0x5e: {  	[sflag:s0] =	ssyncadd.tile.s32 @!p0 $0x1;
	_ =	shalt  }
.Lfunc_end1:
_tile_overlayer_lowered:
.L_overlay_start_2:
0x5f: {  	(tag) =	ssettag $0x2  }
0x60: {  	s0 =	rddreg [dreg:$0x0];
	s2 =	stileid.u32  }
0x61: {  	s1 =	rddreg [dreg:$0x1];
	p0 =	sne.s32 s2, $0x0  }
0x62: {  	s3 =	rddreg [dreg:$0x2];
	[bflag:$0x3] =	sbarrier.arrive $0xFFFF;
	s2 =	simm.s32 @!p0 $0x1C01  }
0x63: {  	[timem:s3], [sflag:s2] =	dma.local @!p0 [hbm:s0], s1  }
0x64: {  	s0 =	simm.s32 @!p0 $0x1  }
0x65: {  	_ =	swait.ge @!p0 [sflag:s0], s1  }
0x66: {  	s1 =	ssub.s32 @!p0 $0x0, s1;
	[sflag:s0] =	ssyncset.done @!p0 $0x0  }
0x67: {  	[sflag:s0] =	ssyncadd.s32 @!p0 s1  }
0x68: {  	[bflag:$0x3] =	sbarrier.arrive $0xFFFF  }
0x69: {  	_ =	shalt  }

</sc_bundles>
